<compile_context>
chip_gen: v7x
topology: tpu7x:2x2x1
jax: 0.10.2.dev20260603
libtpu: 0.0.44.dev20260713+nightly
codegen_flags: <defaults>
</compile_context>

<pallas_src>
import functools

import jax
import jax.numpy as jnp
from jax import lax
from jax.experimental import pallas as pl
from jax.experimental.pallas import tpu as pltpu
from jax.experimental.pallas import tpu_sc as plsc

L = 16


def _floor_i32(v):
    i = v.astype(jnp.int32)
    return jnp.where(i.astype(jnp.float32) > v, i - 1, i)


def _make_sc_call(N, C, H, W, NC, NS, CHUNK):
    P = N * H * W
    NW = NC * NS
    PPW = P // NW
    NCHUNKS = PPW // CHUNK
    HWsz = H * W
    G16 = CHUNK // L
    assert P % (NW * CHUNK) == 0 and NCHUNKS % 2 == 0
    assert W % CHUNK == 0 and C % L == 0

    mesh = plsc.VectorSubcoreMesh(
        core_axis_name="c", subcore_axis_name="s", num_cores=NC, num_subcores=NS
    )

    @functools.partial(
        pl.kernel,
        out_type=jax.ShapeDtypeStruct((N, C, H, W), jnp.float32),
        mesh=mesh,
        compiler_params=pltpu.CompilerParams(
            needs_layout_passes=False, use_tc_tiling_on_sc=False),
        scratch_types=[
            pltpu.VMEM((PPW,), jnp.float32),
            pltpu.VMEM((PPW,), jnp.float32),
            pltpu.VMEM((2, 4 * CHUNK), jnp.int32),
            pltpu.VMEM((2, 4 * CHUNK), jnp.float32),
            pltpu.VMEM((2, 4 * CHUNK, C), jnp.bfloat16),
            pltpu.VMEM((2, C, CHUNK + 1), jnp.float32),
            pltpu.SemaphoreType.DMA,
            pltpu.SemaphoreType.DMA,
            pltpu.SemaphoreType.DMA,
            pltpu.SemaphoreType.DMA,
        ],
    )
    def sc_call(gx_hbm, gy_hbm, table_hbm, out_hbm,
                gxw_v, gyw_v, idx_v, w_v, rows_v, out_v,
                rsem0, rsem1, osem0, osem1):
        cid = lax.axis_index("c")
        sid = lax.axis_index("s")
        wid = sid * NC + cid
        wbase = wid * PPW
        rsems = (rsem0, rsem1)
        osems = (osem0, osem1)

        pltpu.sync_copy(gx_hbm.at[pl.ds(wbase, PPW)], gxw_v)
        pltpu.sync_copy(gy_hbm.at[pl.ds(wbase, PPW)], gyw_v)

        def fire(g, b):
            nbase = ((wbase + g * CHUNK) // HWsz) * HWsz

            def coord_body(t, c2):
                gx = gxw_v[pl.ds(g * CHUNK + t * L, L)]
                gy = gyw_v[pl.ds(g * CHUNK + t * L, L)]
                ix = (gx + 1.0) * (W * 0.5) - 0.5
                iy = (gy + 1.0) * (H * 0.5) - 0.5
                ix0 = _floor_i32(ix)
                iy0 = _floor_i32(iy)
                wx1 = ix - ix0.astype(jnp.float32)
                wx0 = 1.0 - wx1
                wy1 = iy - iy0.astype(jnp.float32)
                wy0 = 1.0 - wy1
                for k, (dy, dx, wy, wx) in enumerate(
                    ((0, 0, wy0, wx0), (0, 1, wy0, wx1),
                     (1, 0, wy1, wx0), (1, 1, wy1, wx1))):
                    xi = ix0 + dx
                    yi = iy0 + dy
                    valid = ((xi >= 0) & (xi <= W - 1)
                             & (yi >= 0) & (yi <= H - 1))
                    xc = jnp.maximum(jnp.minimum(xi, W - 1), 0)
                    yc = jnp.maximum(jnp.minimum(yi, H - 1), 0)
                    idx_v[b, pl.ds(k * CHUNK + t * L, L)] = nbase + yc * W + xc
                    w_v[b, pl.ds(k * CHUNK + t * L, L)] = (
                        jnp.where(valid, wy * wx, 0.0))
                return c2

            lax.fori_loop(0, G16, coord_body, 0, unroll=False)
            pltpu.async_copy(table_hbm.at[idx_v.at[b]], rows_v.at[b], rsems[b])

        def drain_rows(b):
            pltpu.make_async_copy(
                table_hbm.at[idx_v.at[b]], rows_v.at[b], rsems[b]).wait()

        iota16 = lax.iota(jnp.int32, L)
        even_rows = [iota16 * 2 + j32 * 2 * L for j32 in range(C // (2 * L))]
        odd_rows = [r + 1 for r in even_rows]

        def compute(g, b):
            def point_body(t, c2):
                tv = jnp.full((L,), t, jnp.int32)
                ws = [plsc.load_gather(w_v.at[b], [tv + (k * CHUNK)])
                      for k in range(4)]
                for j32 in range(C // (2 * L)):
                    acc_e = None
                    acc_o = None
                    for k in range(4):
                        v32 = rows_v[b, k * CHUNK + t,
                                     pl.ds(j32 * 2 * L, 2 * L)]
                        va, vb = plsc.unpack(
                            v32, format=plsc.PackFormat.INTERLEAVED,
                            preferred_element_type=jnp.float32)
                        pe = ws[k] * va
                        po = ws[k] * vb
                        acc_e = pe if acc_e is None else acc_e + pe
                        acc_o = po if acc_o is None else acc_o + po
                    plsc.store_scatter(
                        out_v.at[b], [even_rows[j32], tv], acc_e)
                    plsc.store_scatter(
                        out_v.at[b], [odd_rows[j32], tv], acc_o)
                return c2

            lax.fori_loop(0, CHUNK, point_body, 0, unroll=False)

        def out_ref(g, b):
            base = wbase + g * CHUNK
            n = base // HWsz
            pbase = base - n * HWsz
            h = pbase // W
            wof = pbase - h * W
            return out_hbm.at[n, :, h, pl.ds(wof, CHUNK)]

        def out_dma(g, b):
            return pltpu.async_copy(
                out_v.at[b, :, pl.ds(0, CHUNK)], out_ref(g, b), osems[b])

        def drain_out(g, b):
            pltpu.make_async_copy(
                out_v.at[b, :, pl.ds(0, CHUNK)], out_ref(g, b),
                osems[b]).wait()

        fire(0, 0)
        fire(1, 1)

        def loop_body(i, carry):
            g0 = 2 * i

            def half(b):
                g = g0 + b
                drain_rows(b)

                @pl.when(i > 0)
                def _():
                    drain_out(g - 2, b)

                compute(g, b)
                out_dma(g, b)

                @pl.when(g + 2 < NCHUNKS)
                def _():
                    fire(g + 2, b)

            half(0)
            half(1)
            return carry

        lax.fori_loop(0, NCHUNKS // 2, loop_body, 0, unroll=False)
        drain_out(NCHUNKS - 2, 0)
        drain_out(NCHUNKS - 1, 1)

    return sc_call


@jax.jit
def kernel(x, grid):
    N, C, H, W = x.shape
    P = N * H * W
    table = jnp.transpose(
        x.astype(jnp.bfloat16), (0, 2, 3, 1)).reshape(P, C)
    gx = grid[..., 0].reshape(P)
    gy = grid[..., 1].reshape(P)
    sc_call = _make_sc_call(N, C, H, W, NC=2, NS=16, CHUNK=128)
    return sc_call(gx, gy, table)

# --- scband reference (transcript-rebuilt; emitter-appended) ---
"""Pipeline reference for scband-my-model-46110768890597 (READ-ONLY COPY).

The authoritative reference and input builder live on the scoring server;
editing this copy changes nothing except your own understanding.
"""

import jax, jax.numpy as jnp
import numpy as np


def setup_inputs(seed: int = 0) -> dict:
    key = jax.random.key(seed)
    k1, k2 = jax.random.split(key)
    x = jax.random.normal(k1, (2, 96, 384, 384), dtype=jnp.float32)
    grid = jax.random.uniform(k2, (2, 384, 384, 2), dtype=jnp.float32, minval=-1.0, maxval=1.0)
    return {"x": x, "grid": grid}


def reference(x, grid):
    # Faithful translation of torch.nn.functional.grid_sample
    # (mode='bilinear', padding_mode='zeros', align_corners=False)
    N, C, H, W = x.shape
    gx = grid[..., 0]
    gy = grid[..., 1]
    # unnormalize coords (align_corners=False)
    ix = ((gx + 1.0) * W - 1.0) / 2.0
    iy = ((gy + 1.0) * H - 1.0) / 2.0
    ix0 = jnp.floor(ix)
    iy0 = jnp.floor(iy)
    ix1 = ix0 + 1.0
    iy1 = iy0 + 1.0
    wx1 = ix - ix0
    wx0 = 1.0 - wx1
    wy1 = iy - iy0
    wy0 = 1.0 - wy1
    b = jnp.arange(N)[:, None, None]

    def gather(iyf, ixf):
        valid = (ixf >= 0) & (ixf <= W - 1) & (iyf >= 0) & (iyf <= H - 1)
        iyc = jnp.clip(iyf, 0, H - 1).astype(jnp.int32)
        ixc = jnp.clip(ixf, 0, W - 1).astype(jnp.int32)
        vals = x[b, :, iyc, ixc]  # [N, Hout, Wout, C] gather
        return vals * valid[..., None].astype(x.dtype)

    v00 = gather(iy0, ix0)
    v01 = gather(iy0, ix1)
    v10 = gather(iy1, ix0)
    v11 = gather(iy1, ix1)
    out = (v00 * (wy0 * wx0)[..., None]
           + v01 * (wy0 * wx1)[..., None]
           + v10 * (wy1 * wx0)[..., None]
           + v11 * (wy1 * wx1)[..., None])
    # back to NCHW
    return jnp.transpose(out, (0, 3, 1, 2))

if __name__ == "__main__":
    import jax
    _d = setup_inputs()
    print(jax.jit(kernel)(*tuple(_d.values())))

</pallas_src>

<mosaic_0001>
#map = affine_map<(d0, d1) -> (0)>
#map1 = affine_map<(d0, d1) -> (0, 0)>
#map2 = affine_map<(d0, d1) -> (0, 0, 0, 0)>
module attributes {stable_mosaic.version = 14 : i64} {
  func.func @sc_call(%arg0: i32, %arg1: i32, %arg2: memref<294912xf32, #tpu.memory_space<hbm>>, %arg3: memref<294912xf32, #tpu.memory_space<hbm>>, %arg4: memref<294912x96xbf16, #tpu.memory_space<hbm>>, %arg5: memref<2x96x384x384xf32, #tpu.memory_space<hbm>>, %arg6: memref<9216xf32, #tpu.memory_space<vmem>>, %arg7: memref<9216xf32, #tpu.memory_space<vmem>>, %arg8: memref<2x512xi32, #tpu.memory_space<vmem>>, %arg9: memref<2x512xf32, #tpu.memory_space<vmem>>, %arg10: memref<2x512x96xbf16, #tpu.memory_space<vmem>>, %arg11: memref<2x96x129xf32, #tpu.memory_space<vmem>>, %arg12: memref<!tpu.dma_semaphore, #tpu.memory_space<semaphore_mem>>, %arg13: memref<!tpu.dma_semaphore, #tpu.memory_space<semaphore_mem>>, %arg14: memref<!tpu.dma_semaphore, #tpu.memory_space<semaphore_mem>>, %arg15: memref<!tpu.dma_semaphore, #tpu.memory_space<semaphore_mem>>) attributes {dimension_semantics = [#tpu.dimension_semantics<core_parallel>, #tpu.dimension_semantics<subcore_parallel>], iteration_bounds = array<i64: 2, 16>, scalar_prefetch = 0 : i64, scratch_operands = 10 : i64, tpu.core_type = #tpu.core_type<sc_vector_subcore>, window_params = [{transform_indices = #map}, {transform_indices = #map}, {transform_indices = #map1}, {transform_indices = #map2}]} {
    %mul3A = arith.constant 2 : i32
    %mul3A_0 = arith.muli %arg1, %mul3A : i32
    %add3A = arith.addi %mul3A_0, %arg0 : i32
    %mul3A_1 = arith.constant 9216 : i32
    %mul3A_2 = arith.muli %add3A, %mul3A_1 : i32
    "tpu.region"() ({
      %run_scoped3A = tpu.sem_alloc : memref<!tpu.dma_semaphore, #tpu.memory_space<semaphore_mem>>
      %dma_start3A_259 = tpu.memref_slice %arg2[%mul3A_2] : memref<294912xf32, #tpu.memory_space<hbm>> -> memref<9216xf32, #tpu.memory_space<hbm>>
      %dma_start3A_260 = tpu.memref_slice %arg2[%mul3A_2] : memref<294912xf32, #tpu.memory_space<hbm>> -> memref<9216xf32, #tpu.memory_space<hbm>>
      tpu.enqueue_dma source(%dma_start3A_260 : memref<9216xf32, #tpu.memory_space<hbm>>) target(%arg6 : memref<9216xf32, #tpu.memory_space<vmem>>) target_semaphore(%run_scoped3A : memref<!tpu.dma_semaphore, #tpu.memory_space<semaphore_mem>>)
      %dma_wait3A_261 = tpu.memref_slice %arg2[%mul3A_2] : memref<294912xf32, #tpu.memory_space<hbm>> -> memref<9216xf32, #tpu.memory_space<hbm>>
      %dma_wait3A_262 = tpu.memref_slice %arg2[%mul3A_2] : memref<294912xf32, #tpu.memory_space<hbm>> -> memref<9216xf32, #tpu.memory_space<hbm>>
      tpu.wait_dma2 semaphore(%run_scoped3A : memref<!tpu.dma_semaphore, #tpu.memory_space<semaphore_mem>>) src(%dma_wait3A_262 : memref<9216xf32, #tpu.memory_space<hbm>>) dst(%arg6 : memref<9216xf32, #tpu.memory_space<vmem>>)
      tpu.yield
    }) : () -> ()
    "tpu.region"() ({
      %run_scoped3A = tpu.sem_alloc : memref<!tpu.dma_semaphore, #tpu.memory_space<semaphore_mem>>
      %dma_start3A_259 = tpu.memref_slice %arg3[%mul3A_2] : memref<294912xf32, #tpu.memory_space<hbm>> -> memref<9216xf32, #tpu.memory_space<hbm>>
      %dma_start3A_260 = tpu.memref_slice %arg3[%mul3A_2] : memref<294912xf32, #tpu.memory_space<hbm>> -> memref<9216xf32, #tpu.memory_space<hbm>>
      tpu.enqueue_dma source(%dma_start3A_260 : memref<9216xf32, #tpu.memory_space<hbm>>) target(%arg7 : memref<9216xf32, #tpu.memory_space<vmem>>) target_semaphore(%run_scoped3A : memref<!tpu.dma_semaphore, #tpu.memory_space<semaphore_mem>>)
      %dma_wait3A_261 = tpu.memref_slice %arg3[%mul3A_2] : memref<294912xf32, #tpu.memory_space<hbm>> -> memref<9216xf32, #tpu.memory_space<hbm>>
      %dma_wait3A_262 = tpu.memref_slice %arg3[%mul3A_2] : memref<294912xf32, #tpu.memory_space<hbm>> -> memref<9216xf32, #tpu.memory_space<hbm>>
      tpu.wait_dma2 semaphore(%run_scoped3A : memref<!tpu.dma_semaphore, #tpu.memory_space<semaphore_mem>>) src(%dma_wait3A_262 : memref<9216xf32, #tpu.memory_space<hbm>>) dst(%arg7 : memref<9216xf32, #tpu.memory_space<vmem>>)
      tpu.yield
    }) : () -> ()
    %iota3A = tpu.iota {dimensions = array<i32: 0>} : vector<16xi32>
    %mul3A_3 = arith.constant 2 : i32
    %mul3A_4 = vector.broadcast %mul3A_3 : i32 to vector<16xi32>
    %mul3A_5 = arith.muli %iota3A, %mul3A_4 : vector<16xi32>
    %add3A_6 = arith.constant 0 : i32
    %add3A_7 = vector.broadcast %add3A_6 : i32 to vector<16xi32>
    %add3A_8 = arith.addi %mul3A_5, %add3A_7 : vector<16xi32>
    %mul3A_9 = arith.constant 2 : i32
    %mul3A_10 = vector.broadcast %mul3A_9 : i32 to vector<16xi32>
    %mul3A_11 = arith.muli %iota3A, %mul3A_10 : vector<16xi32>
    %add3A_12 = arith.constant 32 : i32
    %add3A_13 = vector.broadcast %add3A_12 : i32 to vector<16xi32>
    %add3A_14 = arith.addi %mul3A_11, %add3A_13 : vector<16xi32>
    %mul3A_15 = arith.constant 2 : i32
    %mul3A_16 = vector.broadcast %mul3A_15 : i32 to vector<16xi32>
    %mul3A_17 = arith.muli %iota3A, %mul3A_16 : vector<16xi32>
    %add3A_18 = arith.constant 64 : i32
    %add3A_19 = vector.broadcast %add3A_18 : i32 to vector<16xi32>
    %add3A_20 = arith.addi %mul3A_17, %add3A_19 : vector<16xi32>
    %add3A_21 = arith.constant 1 : i32
    %add3A_22 = vector.broadcast %add3A_21 : i32 to vector<16xi32>
    %add3A_23 = arith.addi %add3A_8, %add3A_22 : vector<16xi32>
    %add3A_24 = arith.constant 1 : i32
    %add3A_25 = vector.broadcast %add3A_24 : i32 to vector<16xi32>
    %add3A_26 = arith.addi %add3A_14, %add3A_25 : vector<16xi32>
    %add3A_27 = arith.constant 1 : i32
    %add3A_28 = vector.broadcast %add3A_27 : i32 to vector<16xi32>
    %add3A_29 = arith.addi %add3A_20, %add3A_28 : vector<16xi32>
    %add3A_30 = arith.constant 0 : i32
    %add3A_31 = arith.addi %mul3A_2, %add3A_30 : i32
    %jit3A = arith.constant 147456 : i32
    %div3A = arith.divsi %add3A_31, %jit3A : i32
    %sign3A = arith.constant 0 : i32
    %sign3A_32 = arith.cmpi sgt, %add3A_31, %sign3A : i32
    %sign3A_33 = arith.extui %sign3A_32 : i1 to i32
    %sign3A_34 = arith.constant 0 : i32
    %sign3A_35 = arith.cmpi slt, %add3A_31, %sign3A_34 : i32
    %sign3A_36 = arith.extui %sign3A_35 : i1 to i32
    %sign3A_37 = arith.subi %sign3A_33, %sign3A_36 : i32
    %sign3A_38 = arith.constant 0 : i32
    %sign3A_39 = arith.cmpi sgt, %jit3A, %sign3A_38 : i32
    %sign3A_40 = arith.extui %sign3A_39 : i1 to i32
    %sign3A_41 = arith.constant 0 : i32
    %sign3A_42 = arith.cmpi slt, %jit3A, %sign3A_41 : i32
    %sign3A_43 = arith.extui %sign3A_42 : i1 to i32
    %sign3A_44 = arith.subi %sign3A_40, %sign3A_43 : i32
    %ne3A = arith.cmpi ne, %sign3A_37, %sign3A_44 : i32
    %rem3A = arith.remsi %add3A_31, %jit3A : i32
    %ne3A_45 = arith.constant 0 : i32
    %ne3A_46 = arith.cmpi ne, %rem3A, %ne3A_45 : i32
    %and3A = arith.andi %ne3A, %ne3A_46 : i1
    %sub3A = arith.constant 1 : i32
    %sub3A_47 = arith.subi %div3A, %sub3A : i32
    %select_n3A = arith.select %and3A, %sub3A_47, %div3A : i32
    %mul3A_48 = arith.constant 147456 : i32
    %mul3A_49 = arith.muli %select_n3A, %mul3A_48 : i32
    %scan3A = arith.constant 0 : i32
    %scan3A_50 = arith.constant 0 : i32
    %scan3A_51 = arith.constant 8 : i32
    %scan3A_52 = arith.addi %scan3A_50, %scan3A_51 : i32
    %scan3A_53 = arith.constant 1 : i32
    scf.for %scan3A_259 = %scan3A_50 to %scan3A_52 step %scan3A_53  : i32 {
      %mul3A_260 = arith.constant 16 : i32
      %mul3A_261 = arith.muli %scan3A_259, %mul3A_260 : i32
      %add3A_262 = arith.constant 0 : i32
      %add3A_263 = arith.addi %add3A_262, %mul3A_261 : i32
      %get3A = arith.index_cast %add3A_263 : i32 to index
      %get3A_264 = tpu.vector_load %arg6[%get3A] {strides = array<i32>} : memref<9216xf32, #tpu.memory_space<vmem>>, vector<16xf32>,
      %mul3A_265 = arith.constant 16 : i32
      %mul3A_266 = arith.muli %scan3A_259, %mul3A_265 : i32
      %add3A_267 = arith.constant 0 : i32
      %add3A_268 = arith.addi %add3A_267, %mul3A_266 : i32
      %get3A_269 = arith.index_cast %add3A_268 : i32 to index
      %get3A_270 = tpu.vector_load %arg7[%get3A_269] {strides = array<i32>} : memref<9216xf32, #tpu.memory_space<vmem>>, vector<16xf32>,
      %add3A_271 = arith.constant 1.000000e+00 : f32
      %add3A_272 = vector.broadcast %add3A_271 : f32 to vector<16xf32>
      %add3A_273 = arith.addf %get3A_264, %add3A_272 : vector<16xf32>
      %mul3A_274 = arith.constant 1.920000e+02 : f32
      %mul3A_275 = vector.broadcast %mul3A_274 : f32 to vector<16xf32>
      %mul3A_276 = arith.mulf %add3A_273, %mul3A_275 : vector<16xf32>
      %sub3A_277 = arith.constant 5.000000e-01 : f32
      %sub3A_278 = vector.broadcast %sub3A_277 : f32 to vector<16xf32>
      %sub3A_279 = arith.subf %mul3A_276, %sub3A_278 : vector<16xf32>
      %add3A_280 = arith.constant 1.000000e+00 : f32
      %add3A_281 = vector.broadcast %add3A_280 : f32 to vector<16xf32>
      %add3A_282 = arith.addf %get3A_270, %add3A_281 : vector<16xf32>
      %mul3A_283 = arith.constant 1.920000e+02 : f32
      %mul3A_284 = vector.broadcast %mul3A_283 : f32 to vector<16xf32>
      %mul3A_285 = arith.mulf %add3A_282, %mul3A_284 : vector<16xf32>
      %sub3A_286 = arith.constant 5.000000e-01 : f32
      %sub3A_287 = vector.broadcast %sub3A_286 : f32 to vector<16xf32>
      %sub3A_288 = arith.subf %mul3A_285, %sub3A_287 : vector<16xf32>
      %convert_element_type3A = arith.fptosi %sub3A_279 : vector<16xf32> to vector<16xi32>
      %convert_element_type3A_289 = arith.sitofp %convert_element_type3A : vector<16xi32> to vector<16xf32>
      %gt3A = arith.cmpf ogt, %convert_element_type3A_289, %sub3A_279 : vector<16xf32>
      %sub3A_290 = arith.constant 1 : i32
      %sub3A_291 = vector.broadcast %sub3A_290 : i32 to vector<16xi32>
      %sub3A_292 = arith.subi %convert_element_type3A, %sub3A_291 : vector<16xi32>
      %select_n3A_293 = arith.select %gt3A, %sub3A_292, %convert_element_type3A : vector<16xi1>, vector<16xi32>
      %convert_element_type3A_294 = arith.fptosi %sub3A_288 : vector<16xf32> to vector<16xi32>
      %convert_element_type3A_295 = arith.sitofp %convert_element_type3A_294 : vector<16xi32> to vector<16xf32>
      %gt3A_296 = arith.cmpf ogt, %convert_element_type3A_295, %sub3A_288 : vector<16xf32>
      %sub3A_297 = arith.constant 1 : i32
      %sub3A_298 = vector.broadcast %sub3A_297 : i32 to vector<16xi32>
      %sub3A_299 = arith.subi %convert_element_type3A_294, %sub3A_298 : vector<16xi32>
      %select_n3A_300 = arith.select %gt3A_296, %sub3A_299, %convert_element_type3A_294 : vector<16xi1>, vector<16xi32>
      %convert_element_type3A_301 = arith.sitofp %select_n3A_293 : vector<16xi32> to vector<16xf32>
      %sub3A_302 = arith.subf %sub3A_279, %convert_element_type3A_301 : vector<16xf32>
      %sub3A_303 = arith.constant 1.000000e+00 : f32
      %sub3A_304 = vector.broadcast %sub3A_303 : f32 to vector<16xf32>
      %sub3A_305 = arith.subf %sub3A_304, %sub3A_302 : vector<16xf32>
      %convert_element_type3A_306 = arith.sitofp %select_n3A_300 : vector<16xi32> to vector<16xf32>
      %sub3A_307 = arith.subf %sub3A_288, %convert_element_type3A_306 : vector<16xf32>
      %sub3A_308 = arith.constant 1.000000e+00 : f32
      %sub3A_309 = vector.broadcast %sub3A_308 : f32 to vector<16xf32>
      %sub3A_310 = arith.subf %sub3A_309, %sub3A_307 : vector<16xf32>
      %add3A_311 = arith.constant 0 : i32
      %add3A_312 = vector.broadcast %add3A_311 : i32 to vector<16xi32>
      %add3A_313 = arith.addi %select_n3A_293, %add3A_312 : vector<16xi32>
      %add3A_314 = arith.constant 0 : i32
      %add3A_315 = vector.broadcast %add3A_314 : i32 to vector<16xi32>
      %add3A_316 = arith.addi %select_n3A_300, %add3A_315 : vector<16xi32>
      %ge3A = arith.constant 0 : i32
      %ge3A_317 = vector.broadcast %ge3A : i32 to vector<16xi32>
      %ge3A_318 = arith.cmpi sge, %add3A_313, %ge3A_317 : vector<16xi32>
      %le3A = arith.constant 383 : i32
      %le3A_319 = vector.broadcast %le3A : i32 to vector<16xi32>
      %le3A_320 = arith.cmpi sle, %add3A_313, %le3A_319 : vector<16xi32>
      %and3A_321 = arith.andi %ge3A_318, %le3A_320 : vector<16xi1>
      %ge3A_322 = arith.constant 0 : i32
      %ge3A_323 = vector.broadcast %ge3A_322 : i32 to vector<16xi32>
      %ge3A_324 = arith.cmpi sge, %add3A_316, %ge3A_323 : vector<16xi32>
      %and3A_325 = arith.andi %and3A_321, %ge3A_324 : vector<16xi1>
      %le3A_326 = arith.constant 383 : i32
      %le3A_327 = vector.broadcast %le3A_326 : i32 to vector<16xi32>
      %le3A_328 = arith.cmpi sle, %add3A_316, %le3A_327 : vector<16xi32>
      %and3A_329 = arith.andi %and3A_325, %le3A_328 : vector<16xi1>
      %min3A = arith.constant 383 : i32
      %min3A_330 = vector.broadcast %min3A : i32 to vector<16xi32>
      %min3A_331 = arith.minsi %add3A_313, %min3A_330 : vector<16xi32>
      %max3A = arith.constant 0 : i32
      %max3A_332 = vector.broadcast %max3A : i32 to vector<16xi32>
      %max3A_333 = arith.maxsi %min3A_331, %max3A_332 : vector<16xi32>
      %min3A_334 = arith.constant 383 : i32
      %min3A_335 = vector.broadcast %min3A_334 : i32 to vector<16xi32>
      %min3A_336 = arith.minsi %add3A_316, %min3A_335 : vector<16xi32>
      %max3A_337 = arith.constant 0 : i32
      %max3A_338 = vector.broadcast %max3A_337 : i32 to vector<16xi32>
      %max3A_339 = arith.maxsi %min3A_336, %max3A_338 : vector<16xi32>
      %mul3A_340 = arith.constant 384 : i32
      %mul3A_341 = vector.broadcast %mul3A_340 : i32 to vector<16xi32>
      %mul3A_342 = arith.muli %max3A_339, %mul3A_341 : vector<16xi32>
      %add3A_343 = vector.broadcast %mul3A_49 : i32 to vector<16xi32>
      %add3A_344 = arith.addi %add3A_343, %mul3A_342 : vector<16xi32>
      %add3A_345 = arith.addi %add3A_344, %max3A_333 : vector<16xi32>
      %mul3A_346 = arith.constant 16 : i32
      %mul3A_347 = arith.muli %scan3A_259, %mul3A_346 : i32
      %add3A_348 = arith.constant 0 : i32
      %add3A_349 = arith.addi %add3A_348, %mul3A_347 : i32
      %swap3A = arith.constant 0 : i32
      %swap3A_350 = arith.index_cast %swap3A : i32 to index
      %swap3A_351 = arith.index_cast %add3A_349 : i32 to index
      %swap3A_352 = tpu.vector_load %arg8[%swap3A_350, %swap3A_351] {strides = array<i32>} : memref<2x512xi32, #tpu.memory_space<vmem>>, vector<16xi32>,
      tpu.vector_store %arg8[%swap3A_350, %swap3A_351], %add3A_345 {strides = array<i32>} : memref<2x512xi32, #tpu.memory_space<vmem>>, vector<16xi32>,
      %mul3A_353 = arith.mulf %sub3A_310, %sub3A_305 : vector<16xf32>
      %jit3A_354 = arith.constant 0.000000e+00 : f32
      %broadcast_in_dim3A = vector.broadcast %jit3A_354 : f32 to vector<16xf32>
      %select_n3A_355 = arith.select %and3A_329, %mul3A_353, %broadcast_in_dim3A : vector<16xi1>, vector<16xf32>
      %mul3A_356 = arith.constant 16 : i32
      %mul3A_357 = arith.muli %scan3A_259, %mul3A_356 : i32
      %add3A_358 = arith.constant 0 : i32
      %add3A_359 = arith.addi %add3A_358, %mul3A_357 : i32
      %swap3A_360 = arith.constant 0 : i32
      %swap3A_361 = arith.index_cast %swap3A_360 : i32 to index
      %swap3A_362 = arith.index_cast %add3A_359 : i32 to index
      %swap3A_363 = tpu.vector_load %arg9[%swap3A_361, %swap3A_362] {strides = array<i32>} : memref<2x512xf32, #tpu.memory_space<vmem>>, vector<16xf32>,
      tpu.vector_store %arg9[%swap3A_361, %swap3A_362], %select_n3A_355 {strides = array<i32>} : memref<2x512xf32, #tpu.memory_space<vmem>>, vector<16xf32>,
      %add3A_364 = arith.constant 1 : i32
      %add3A_365 = vector.broadcast %add3A_364 : i32 to vector<16xi32>
      %add3A_366 = arith.addi %select_n3A_293, %add3A_365 : vector<16xi32>
      %add3A_367 = arith.constant 0 : i32
      %add3A_368 = vector.broadcast %add3A_367 : i32 to vector<16xi32>
      %add3A_369 = arith.addi %select_n3A_300, %add3A_368 : vector<16xi32>
      %ge3A_370 = arith.constant 0 : i32
      %ge3A_371 = vector.broadcast %ge3A_370 : i32 to vector<16xi32>
      %ge3A_372 = arith.cmpi sge, %add3A_366, %ge3A_371 : vector<16xi32>
      %le3A_373 = arith.constant 383 : i32
      %le3A_374 = vector.broadcast %le3A_373 : i32 to vector<16xi32>
      %le3A_375 = arith.cmpi sle, %add3A_366, %le3A_374 : vector<16xi32>
      %and3A_376 = arith.andi %ge3A_372, %le3A_375 : vector<16xi1>
      %ge3A_377 = arith.constant 0 : i32
      %ge3A_378 = vector.broadcast %ge3A_377 : i32 to vector<16xi32>
      %ge3A_379 = arith.cmpi sge, %add3A_369, %ge3A_378 : vector<16xi32>
      %and3A_380 = arith.andi %and3A_376, %ge3A_379 : vector<16xi1>
      %le3A_381 = arith.constant 383 : i32
      %le3A_382 = vector.broadcast %le3A_381 : i32 to vector<16xi32>
      %le3A_383 = arith.cmpi sle, %add3A_369, %le3A_382 : vector<16xi32>
      %and3A_384 = arith.andi %and3A_380, %le3A_383 : vector<16xi1>
      %min3A_385 = arith.constant 383 : i32
      %min3A_386 = vector.broadcast %min3A_385 : i32 to vector<16xi32>
      %min3A_387 = arith.minsi %add3A_366, %min3A_386 : vector<16xi32>
      %max3A_388 = arith.constant 0 : i32
      %max3A_389 = vector.broadcast %max3A_388 : i32 to vector<16xi32>
      %max3A_390 = arith.maxsi %min3A_387, %max3A_389 : vector<16xi32>
      %min3A_391 = arith.constant 383 : i32
      %min3A_392 = vector.broadcast %min3A_391 : i32 to vector<16xi32>
      %min3A_393 = arith.minsi %add3A_369, %min3A_392 : vector<16xi32>
      %max3A_394 = arith.constant 0 : i32
      %max3A_395 = vector.broadcast %max3A_394 : i32 to vector<16xi32>
      %max3A_396 = arith.maxsi %min3A_393, %max3A_395 : vector<16xi32>
      %mul3A_397 = arith.constant 384 : i32
      %mul3A_398 = vector.broadcast %mul3A_397 : i32 to vector<16xi32>
      %mul3A_399 = arith.muli %max3A_396, %mul3A_398 : vector<16xi32>
      %add3A_400 = vector.broadcast %mul3A_49 : i32 to vector<16xi32>
      %add3A_401 = arith.addi %add3A_400, %mul3A_399 : vector<16xi32>
      %add3A_402 = arith.addi %add3A_401, %max3A_390 : vector<16xi32>
      %mul3A_403 = arith.constant 16 : i32
      %mul3A_404 = arith.muli %scan3A_259, %mul3A_403 : i32
      %add3A_405 = arith.constant 128 : i32
      %add3A_406 = arith.addi %add3A_405, %mul3A_404 : i32
      %swap3A_407 = arith.constant 0 : i32
      %swap3A_408 = arith.index_cast %swap3A_407 : i32 to index
      %swap3A_409 = arith.index_cast %add3A_406 : i32 to index
      %swap3A_410 = tpu.vector_load %arg8[%swap3A_408, %swap3A_409] {strides = array<i32>} : memref<2x512xi32, #tpu.memory_space<vmem>>, vector<16xi32>,
      tpu.vector_store %arg8[%swap3A_408, %swap3A_409], %add3A_402 {strides = array<i32>} : memref<2x512xi32, #tpu.memory_space<vmem>>, vector<16xi32>,
      %mul3A_411 = arith.mulf %sub3A_310, %sub3A_302 : vector<16xf32>
      %jit3A_412 = arith.constant 0.000000e+00 : f32
      %broadcast_in_dim3A_413 = vector.broadcast %jit3A_412 : f32 to vector<16xf32>
      %select_n3A_414 = arith.select %and3A_384, %mul3A_411, %broadcast_in_dim3A_413 : vector<16xi1>, vector<16xf32>
      %mul3A_415 = arith.constant 16 : i32
      %mul3A_416 = arith.muli %scan3A_259, %mul3A_415 : i32
      %add3A_417 = arith.constant 128 : i32
      %add3A_418 = arith.addi %add3A_417, %mul3A_416 : i32
      %swap3A_419 = arith.constant 0 : i32
      %swap3A_420 = arith.index_cast %swap3A_419 : i32 to index
      %swap3A_421 = arith.index_cast %add3A_418 : i32 to index
      %swap3A_422 = tpu.vector_load %arg9[%swap3A_420, %swap3A_421] {strides = array<i32>} : memref<2x512xf32, #tpu.memory_space<vmem>>, vector<16xf32>,
      tpu.vector_store %arg9[%swap3A_420, %swap3A_421], %select_n3A_414 {strides = array<i32>} : memref<2x512xf32, #tpu.memory_space<vmem>>, vector<16xf32>,
      %add3A_423 = arith.constant 0 : i32
      %add3A_424 = vector.broadcast %add3A_423 : i32 to vector<16xi32>
      %add3A_425 = arith.addi %select_n3A_293, %add3A_424 : vector<16xi32>
      %add3A_426 = arith.constant 1 : i32
      %add3A_427 = vector.broadcast %add3A_426 : i32 to vector<16xi32>
      %add3A_428 = arith.addi %select_n3A_300, %add3A_427 : vector<16xi32>
      %ge3A_429 = arith.constant 0 : i32
      %ge3A_430 = vector.broadcast %ge3A_429 : i32 to vector<16xi32>
      %ge3A_431 = arith.cmpi sge, %add3A_425, %ge3A_430 : vector<16xi32>
      %le3A_432 = arith.constant 383 : i32
      %le3A_433 = vector.broadcast %le3A_432 : i32 to vector<16xi32>
      %le3A_434 = arith.cmpi sle, %add3A_425, %le3A_433 : vector<16xi32>
      %and3A_435 = arith.andi %ge3A_431, %le3A_434 : vector<16xi1>
      %ge3A_436 = arith.constant 0 : i32
      %ge3A_437 = vector.broadcast %ge3A_436 : i32 to vector<16xi32>
      %ge3A_438 = arith.cmpi sge, %add3A_428, %ge3A_437 : vector<16xi32>
      %and3A_439 = arith.andi %and3A_435, %ge3A_438 : vector<16xi1>
      %le3A_440 = arith.constant 383 : i32
      %le3A_441 = vector.broadcast %le3A_440 : i32 to vector<16xi32>
      %le3A_442 = arith.cmpi sle, %add3A_428, %le3A_441 : vector<16xi32>
      %and3A_443 = arith.andi %and3A_439, %le3A_442 : vector<16xi1>
      %min3A_444 = arith.constant 383 : i32
      %min3A_445 = vector.broadcast %min3A_444 : i32 to vector<16xi32>
      %min3A_446 = arith.minsi %add3A_425, %min3A_445 : vector<16xi32>
      %max3A_447 = arith.constant 0 : i32
      %max3A_448 = vector.broadcast %max3A_447 : i32 to vector<16xi32>
      %max3A_449 = arith.maxsi %min3A_446, %max3A_448 : vector<16xi32>
      %min3A_450 = arith.constant 383 : i32
      %min3A_451 = vector.broadcast %min3A_450 : i32 to vector<16xi32>
      %min3A_452 = arith.minsi %add3A_428, %min3A_451 : vector<16xi32>
      %max3A_453 = arith.constant 0 : i32
      %max3A_454 = vector.broadcast %max3A_453 : i32 to vector<16xi32>
      %max3A_455 = arith.maxsi %min3A_452, %max3A_454 : vector<16xi32>
      %mul3A_456 = arith.constant 384 : i32
      %mul3A_457 = vector.broadcast %mul3A_456 : i32 to vector<16xi32>
      %mul3A_458 = arith.muli %max3A_455, %mul3A_457 : vector<16xi32>
      %add3A_459 = vector.broadcast %mul3A_49 : i32 to vector<16xi32>
      %add3A_460 = arith.addi %add3A_459, %mul3A_458 : vector<16xi32>
      %add3A_461 = arith.addi %add3A_460, %max3A_449 : vector<16xi32>
      %mul3A_462 = arith.constant 16 : i32
      %mul3A_463 = arith.muli %scan3A_259, %mul3A_462 : i32
      %add3A_464 = arith.constant 256 : i32
      %add3A_465 = arith.addi %add3A_464, %mul3A_463 : i32
      %swap3A_466 = arith.constant 0 : i32
      %swap3A_467 = arith.index_cast %swap3A_466 : i32 to index
      %swap3A_468 = arith.index_cast %add3A_465 : i32 to index
      %swap3A_469 = tpu.vector_load %arg8[%swap3A_467, %swap3A_468] {strides = array<i32>} : memref<2x512xi32, #tpu.memory_space<vmem>>, vector<16xi32>,
      tpu.vector_store %arg8[%swap3A_467, %swap3A_468], %add3A_461 {strides = array<i32>} : memref<2x512xi32, #tpu.memory_space<vmem>>, vector<16xi32>,
      %mul3A_470 = arith.mulf %sub3A_307, %sub3A_305 : vector<16xf32>
      %jit3A_471 = arith.constant 0.000000e+00 : f32
      %broadcast_in_dim3A_472 = vector.broadcast %jit3A_471 : f32 to vector<16xf32>
      %select_n3A_473 = arith.select %and3A_443, %mul3A_470, %broadcast_in_dim3A_472 : vector<16xi1>, vector<16xf32>
      %mul3A_474 = arith.constant 16 : i32
      %mul3A_475 = arith.muli %scan3A_259, %mul3A_474 : i32
      %add3A_476 = arith.constant 256 : i32
      %add3A_477 = arith.addi %add3A_476, %mul3A_475 : i32
      %swap3A_478 = arith.constant 0 : i32
      %swap3A_479 = arith.index_cast %swap3A_478 : i32 to index
      %swap3A_480 = arith.index_cast %add3A_477 : i32 to index
      %swap3A_481 = tpu.vector_load %arg9[%swap3A_479, %swap3A_480] {strides = array<i32>} : memref<2x512xf32, #tpu.memory_space<vmem>>, vector<16xf32>,
      tpu.vector_store %arg9[%swap3A_479, %swap3A_480], %select_n3A_473 {strides = array<i32>} : memref<2x512xf32, #tpu.memory_space<vmem>>, vector<16xf32>,
      %add3A_482 = arith.constant 1 : i32
      %add3A_483 = vector.broadcast %add3A_482 : i32 to vector<16xi32>
      %add3A_484 = arith.addi %select_n3A_293, %add3A_483 : vector<16xi32>
      %add3A_485 = arith.constant 1 : i32
      %add3A_486 = vector.broadcast %add3A_485 : i32 to vector<16xi32>
      %add3A_487 = arith.addi %select_n3A_300, %add3A_486 : vector<16xi32>
      %ge3A_488 = arith.constant 0 : i32
      %ge3A_489 = vector.broadcast %ge3A_488 : i32 to vector<16xi32>
      %ge3A_490 = arith.cmpi sge, %add3A_484, %ge3A_489 : vector<16xi32>
      %le3A_491 = arith.constant 383 : i32
      %le3A_492 = vector.broadcast %le3A_491 : i32 to vector<16xi32>
      %le3A_493 = arith.cmpi sle, %add3A_484, %le3A_492 : vector<16xi32>
      %and3A_494 = arith.andi %ge3A_490, %le3A_493 : vector<16xi1>
      %ge3A_495 = arith.constant 0 : i32
      %ge3A_496 = vector.broadcast %ge3A_495 : i32 to vector<16xi32>
      %ge3A_497 = arith.cmpi sge, %add3A_487, %ge3A_496 : vector<16xi32>
      %and3A_498 = arith.andi %and3A_494, %ge3A_497 : vector<16xi1>
      %le3A_499 = arith.constant 383 : i32
      %le3A_500 = vector.broadcast %le3A_499 : i32 to vector<16xi32>
      %le3A_501 = arith.cmpi sle, %add3A_487, %le3A_500 : vector<16xi32>
      %and3A_502 = arith.andi %and3A_498, %le3A_501 : vector<16xi1>
      %min3A_503 = arith.constant 383 : i32
      %min3A_504 = vector.broadcast %min3A_503 : i32 to vector<16xi32>
      %min3A_505 = arith.minsi %add3A_484, %min3A_504 : vector<16xi32>
      %max3A_506 = arith.constant 0 : i32
      %max3A_507 = vector.broadcast %max3A_506 : i32 to vector<16xi32>
      %max3A_508 = arith.maxsi %min3A_505, %max3A_507 : vector<16xi32>
      %min3A_509 = arith.constant 383 : i32
      %min3A_510 = vector.broadcast %min3A_509 : i32 to vector<16xi32>
      %min3A_511 = arith.minsi %add3A_487, %min3A_510 : vector<16xi32>
      %max3A_512 = arith.constant 0 : i32
      %max3A_513 = vector.broadcast %max3A_512 : i32 to vector<16xi32>
      %max3A_514 = arith.maxsi %min3A_511, %max3A_513 : vector<16xi32>
      %mul3A_515 = arith.constant 384 : i32
      %mul3A_516 = vector.broadcast %mul3A_515 : i32 to vector<16xi32>
      %mul3A_517 = arith.muli %max3A_514, %mul3A_516 : vector<16xi32>
      %add3A_518 = vector.broadcast %mul3A_49 : i32 to vector<16xi32>
      %add3A_519 = arith.addi %add3A_518, %mul3A_517 : vector<16xi32>
      %add3A_520 = arith.addi %add3A_519, %max3A_508 : vector<16xi32>
      %mul3A_521 = arith.constant 16 : i32
      %mul3A_522 = arith.muli %scan3A_259, %mul3A_521 : i32
      %add3A_523 = arith.constant 384 : i32
      %add3A_524 = arith.addi %add3A_523, %mul3A_522 : i32
      %swap3A_525 = arith.constant 0 : i32
      %swap3A_526 = arith.index_cast %swap3A_525 : i32 to index
      %swap3A_527 = arith.index_cast %add3A_524 : i32 to index
      %swap3A_528 = tpu.vector_load %arg8[%swap3A_526, %swap3A_527] {strides = array<i32>} : memref<2x512xi32, #tpu.memory_space<vmem>>, vector<16xi32>,
      tpu.vector_store %arg8[%swap3A_526, %swap3A_527], %add3A_520 {strides = array<i32>} : memref<2x512xi32, #tpu.memory_space<vmem>>, vector<16xi32>,
      %mul3A_529 = arith.mulf %sub3A_307, %sub3A_302 : vector<16xf32>
      %jit3A_530 = arith.constant 0.000000e+00 : f32
      %broadcast_in_dim3A_531 = vector.broadcast %jit3A_530 : f32 to vector<16xf32>
      %select_n3A_532 = arith.select %and3A_502, %mul3A_529, %broadcast_in_dim3A_531 : vector<16xi1>, vector<16xf32>
      %mul3A_533 = arith.constant 16 : i32
      %mul3A_534 = arith.muli %scan3A_259, %mul3A_533 : i32
      %add3A_535 = arith.constant 384 : i32
      %add3A_536 = arith.addi %add3A_535, %mul3A_534 : i32
      %swap3A_537 = arith.constant 0 : i32
      %swap3A_538 = arith.index_cast %swap3A_537 : i32 to index
      %swap3A_539 = arith.index_cast %add3A_536 : i32 to index
      %swap3A_540 = tpu.vector_load %arg9[%swap3A_538, %swap3A_539] {strides = array<i32>} : memref<2x512xf32, #tpu.memory_space<vmem>>, vector<16xf32>,
      tpu.vector_store %arg9[%swap3A_538, %swap3A_539], %select_n3A_532 {strides = array<i32>} : memref<2x512xf32, #tpu.memory_space<vmem>>, vector<16xf32>,
    }
    %scan3A_54 = arith.constant 8 : i32
    %dma_start3A = arith.constant 0 : i32
    %dma_start3A_55 = arith.constant 0 : i32
    %dma_start3A_56 = arith.constant 0 : i32
    %dma_start3A_57 = arith.constant 0 : i32
    %dma_start3A_58 = tpu.memref_slice %arg10[%dma_start3A_55, %dma_start3A_56, %dma_start3A_57] : memref<2x512x96xbf16, #tpu.memory_space<vmem>> -> memref<1x512x96xbf16, #tpu.memory_space<vmem>>
    %dma_start3A_59 = tpu.memref_squeeze %dma_start3A_58 : memref<1x512x96xbf16, #tpu.memory_space<vmem>> -> memref<512x96xbf16, #tpu.memory_space<vmem>>
    %dma_start3A_60 = arith.constant 0 : i32
    %dma_start3A_61 = tpu.memref_slice %arg8[%dma_start3A, %dma_start3A_60] : memref<2x512xi32, #tpu.memory_space<vmem>> -> memref<1x512xi32, #tpu.memory_space<vmem>>
    %dma_start3A_62 = tpu.memref_squeeze %dma_start3A_61 : memref<1x512xi32, #tpu.memory_space<vmem>> -> memref<512xi32, #tpu.memory_space<vmem>>
    %dma_start3A_63 = arith.constant 0 : i32
    %dma_start3A_64 = arith.constant 0 : i32
    %dma_start3A_65 = tpu.memref_slice %arg4[%dma_start3A_63, %dma_start3A_64] : memref<294912x96xbf16, #tpu.memory_space<hbm>> -> memref<294912x96xbf16, #tpu.memory_space<hbm>>
    tpu.enqueue_indirect_dma source(%dma_start3A_65 : memref<294912x96xbf16, #tpu.memory_space<hbm>>) target(%dma_start3A_59 : memref<512x96xbf16, #tpu.memory_space<vmem>>) offsets(%dma_start3A_62 : memref<512xi32, #tpu.memory_space<vmem>>) semaphore(%arg12 : memref<!tpu.dma_semaphore, #tpu.memory_space<semaphore_mem>>)
    %add3A_66 = arith.constant 128 : i32
    %add3A_67 = arith.addi %mul3A_2, %add3A_66 : i32
    %jit3A_68 = arith.constant 147456 : i32
    %div3A_69 = arith.divsi %add3A_67, %jit3A_68 : i32
    %sign3A_70 = arith.constant 0 : i32
    %sign3A_71 = arith.cmpi sgt, %add3A_67, %sign3A_70 : i32
    %sign3A_72 = arith.extui %sign3A_71 : i1 to i32
    %sign3A_73 = arith.constant 0 : i32
    %sign3A_74 = arith.cmpi slt, %add3A_67, %sign3A_73 : i32
    %sign3A_75 = arith.extui %sign3A_74 : i1 to i32
    %sign3A_76 = arith.subi %sign3A_72, %sign3A_75 : i32
    %sign3A_77 = arith.constant 0 : i32
    %sign3A_78 = arith.cmpi sgt, %jit3A_68, %sign3A_77 : i32
    %sign3A_79 = arith.extui %sign3A_78 : i1 to i32
    %sign3A_80 = arith.constant 0 : i32
    %sign3A_81 = arith.cmpi slt, %jit3A_68, %sign3A_80 : i32
    %sign3A_82 = arith.extui %sign3A_81 : i1 to i32
    %sign3A_83 = arith.subi %sign3A_79, %sign3A_82 : i32
    %ne3A_84 = arith.cmpi ne, %sign3A_76, %sign3A_83 : i32
    %rem3A_85 = arith.remsi %add3A_67, %jit3A_68 : i32
    %ne3A_86 = arith.constant 0 : i32
    %ne3A_87 = arith.cmpi ne, %rem3A_85, %ne3A_86 : i32
    %and3A_88 = arith.andi %ne3A_84, %ne3A_87 : i1
    %sub3A_89 = arith.constant 1 : i32
    %sub3A_90 = arith.subi %div3A_69, %sub3A_89 : i32
    %select_n3A_91 = arith.select %and3A_88, %sub3A_90, %div3A_69 : i32
    %mul3A_92 = arith.constant 147456 : i32
    %mul3A_93 = arith.muli %select_n3A_91, %mul3A_92 : i32
    %scan3A_94 = arith.constant 0 : i32
    %scan3A_95 = arith.constant 0 : i32
    %scan3A_96 = arith.constant 8 : i32
    %scan3A_97 = arith.addi %scan3A_95, %scan3A_96 : i32
    %scan3A_98 = arith.constant 1 : i32
    scf.for %scan3A_259 = %scan3A_95 to %scan3A_97 step %scan3A_98  : i32 {
      %mul3A_260 = arith.constant 16 : i32
      %mul3A_261 = arith.muli %scan3A_259, %mul3A_260 : i32
      %add3A_262 = arith.constant 128 : i32
      %add3A_263 = arith.addi %add3A_262, %mul3A_261 : i32
      %get3A = arith.index_cast %add3A_263 : i32 to index
      %get3A_264 = tpu.vector_load %arg6[%get3A] {strides = array<i32>} : memref<9216xf32, #tpu.memory_space<vmem>>, vector<16xf32>,
      %mul3A_265 = arith.constant 16 : i32
      %mul3A_266 = arith.muli %scan3A_259, %mul3A_265 : i32
      %add3A_267 = arith.constant 128 : i32
      %add3A_268 = arith.addi %add3A_267, %mul3A_266 : i32
      %get3A_269 = arith.index_cast %add3A_268 : i32 to index
      %get3A_270 = tpu.vector_load %arg7[%get3A_269] {strides = array<i32>} : memref<9216xf32, #tpu.memory_space<vmem>>, vector<16xf32>,
      %add3A_271 = arith.constant 1.000000e+00 : f32
      %add3A_272 = vector.broadcast %add3A_271 : f32 to vector<16xf32>
      %add3A_273 = arith.addf %get3A_264, %add3A_272 : vector<16xf32>
      %mul3A_274 = arith.constant 1.920000e+02 : f32
      %mul3A_275 = vector.broadcast %mul3A_274 : f32 to vector<16xf32>
      %mul3A_276 = arith.mulf %add3A_273, %mul3A_275 : vector<16xf32>
      %sub3A_277 = arith.constant 5.000000e-01 : f32
      %sub3A_278 = vector.broadcast %sub3A_277 : f32 to vector<16xf32>
      %sub3A_279 = arith.subf %mul3A_276, %sub3A_278 : vector<16xf32>
      %add3A_280 = arith.constant 1.000000e+00 : f32
      %add3A_281 = vector.broadcast %add3A_280 : f32 to vector<16xf32>
      %add3A_282 = arith.addf %get3A_270, %add3A_281 : vector<16xf32>
      %mul3A_283 = arith.constant 1.920000e+02 : f32
      %mul3A_284 = vector.broadcast %mul3A_283 : f32 to vector<16xf32>
      %mul3A_285 = arith.mulf %add3A_282, %mul3A_284 : vector<16xf32>
      %sub3A_286 = arith.constant 5.000000e-01 : f32
      %sub3A_287 = vector.broadcast %sub3A_286 : f32 to vector<16xf32>
      %sub3A_288 = arith.subf %mul3A_285, %sub3A_287 : vector<16xf32>
      %convert_element_type3A = arith.fptosi %sub3A_279 : vector<16xf32> to vector<16xi32>
      %convert_element_type3A_289 = arith.sitofp %convert_element_type3A : vector<16xi32> to vector<16xf32>
      %gt3A = arith.cmpf ogt, %convert_element_type3A_289, %sub3A_279 : vector<16xf32>
      %sub3A_290 = arith.constant 1 : i32
      %sub3A_291 = vector.broadcast %sub3A_290 : i32 to vector<16xi32>
      %sub3A_292 = arith.subi %convert_element_type3A, %sub3A_291 : vector<16xi32>
      %select_n3A_293 = arith.select %gt3A, %sub3A_292, %convert_element_type3A : vector<16xi1>, vector<16xi32>
      %convert_element_type3A_294 = arith.fptosi %sub3A_288 : vector<16xf32> to vector<16xi32>
      %convert_element_type3A_295 = arith.sitofp %convert_element_type3A_294 : vector<16xi32> to vector<16xf32>
      %gt3A_296 = arith.cmpf ogt, %convert_element_type3A_295, %sub3A_288 : vector<16xf32>
      %sub3A_297 = arith.constant 1 : i32
      %sub3A_298 = vector.broadcast %sub3A_297 : i32 to vector<16xi32>
      %sub3A_299 = arith.subi %convert_element_type3A_294, %sub3A_298 : vector<16xi32>
      %select_n3A_300 = arith.select %gt3A_296, %sub3A_299, %convert_element_type3A_294 : vector<16xi1>, vector<16xi32>
      %convert_element_type3A_301 = arith.sitofp %select_n3A_293 : vector<16xi32> to vector<16xf32>
      %sub3A_302 = arith.subf %sub3A_279, %convert_element_type3A_301 : vector<16xf32>
      %sub3A_303 = arith.constant 1.000000e+00 : f32
      %sub3A_304 = vector.broadcast %sub3A_303 : f32 to vector<16xf32>
      %sub3A_305 = arith.subf %sub3A_304, %sub3A_302 : vector<16xf32>
      %convert_element_type3A_306 = arith.sitofp %select_n3A_300 : vector<16xi32> to vector<16xf32>
      %sub3A_307 = arith.subf %sub3A_288, %convert_element_type3A_306 : vector<16xf32>
      %sub3A_308 = arith.constant 1.000000e+00 : f32
      %sub3A_309 = vector.broadcast %sub3A_308 : f32 to vector<16xf32>
      %sub3A_310 = arith.subf %sub3A_309, %sub3A_307 : vector<16xf32>
      %add3A_311 = arith.constant 0 : i32
      %add3A_312 = vector.broadcast %add3A_311 : i32 to vector<16xi32>
      %add3A_313 = arith.addi %select_n3A_293, %add3A_312 : vector<16xi32>
      %add3A_314 = arith.constant 0 : i32
      %add3A_315 = vector.broadcast %add3A_314 : i32 to vector<16xi32>
      %add3A_316 = arith.addi %select_n3A_300, %add3A_315 : vector<16xi32>
      %ge3A = arith.constant 0 : i32
      %ge3A_317 = vector.broadcast %ge3A : i32 to vector<16xi32>
      %ge3A_318 = arith.cmpi sge, %add3A_313, %ge3A_317 : vector<16xi32>
      %le3A = arith.constant 383 : i32
      %le3A_319 = vector.broadcast %le3A : i32 to vector<16xi32>
      %le3A_320 = arith.cmpi sle, %add3A_313, %le3A_319 : vector<16xi32>
      %and3A_321 = arith.andi %ge3A_318, %le3A_320 : vector<16xi1>
      %ge3A_322 = arith.constant 0 : i32
      %ge3A_323 = vector.broadcast %ge3A_322 : i32 to vector<16xi32>
      %ge3A_324 = arith.cmpi sge, %add3A_316, %ge3A_323 : vector<16xi32>
      %and3A_325 = arith.andi %and3A_321, %ge3A_324 : vector<16xi1>
      %le3A_326 = arith.constant 383 : i32
      %le3A_327 = vector.broadcast %le3A_326 : i32 to vector<16xi32>
      %le3A_328 = arith.cmpi sle, %add3A_316, %le3A_327 : vector<16xi32>
      %and3A_329 = arith.andi %and3A_325, %le3A_328 : vector<16xi1>
      %min3A = arith.constant 383 : i32
      %min3A_330 = vector.broadcast %min3A : i32 to vector<16xi32>
      %min3A_331 = arith.minsi %add3A_313, %min3A_330 : vector<16xi32>
      %max3A = arith.constant 0 : i32
      %max3A_332 = vector.broadcast %max3A : i32 to vector<16xi32>
      %max3A_333 = arith.maxsi %min3A_331, %max3A_332 : vector<16xi32>
      %min3A_334 = arith.constant 383 : i32
      %min3A_335 = vector.broadcast %min3A_334 : i32 to vector<16xi32>
      %min3A_336 = arith.minsi %add3A_316, %min3A_335 : vector<16xi32>
      %max3A_337 = arith.constant 0 : i32
      %max3A_338 = vector.broadcast %max3A_337 : i32 to vector<16xi32>
      %max3A_339 = arith.maxsi %min3A_336, %max3A_338 : vector<16xi32>
      %mul3A_340 = arith.constant 384 : i32
      %mul3A_341 = vector.broadcast %mul3A_340 : i32 to vector<16xi32>
      %mul3A_342 = arith.muli %max3A_339, %mul3A_341 : vector<16xi32>
      %add3A_343 = vector.broadcast %mul3A_93 : i32 to vector<16xi32>
      %add3A_344 = arith.addi %add3A_343, %mul3A_342 : vector<16xi32>
      %add3A_345 = arith.addi %add3A_344, %max3A_333 : vector<16xi32>
      %mul3A_346 = arith.constant 16 : i32
      %mul3A_347 = arith.muli %scan3A_259, %mul3A_346 : i32
      %add3A_348 = arith.constant 0 : i32
      %add3A_349 = arith.addi %add3A_348, %mul3A_347 : i32
      %swap3A = arith.constant 1 : i32
      %swap3A_350 = arith.index_cast %swap3A : i32 to index
      %swap3A_351 = arith.index_cast %add3A_349 : i32 to index
      %swap3A_352 = tpu.vector_load %arg8[%swap3A_350, %swap3A_351] {strides = array<i32>} : memref<2x512xi32, #tpu.memory_space<vmem>>, vector<16xi32>,
      tpu.vector_store %arg8[%swap3A_350, %swap3A_351], %add3A_345 {strides = array<i32>} : memref<2x512xi32, #tpu.memory_space<vmem>>, vector<16xi32>,
      %mul3A_353 = arith.mulf %sub3A_310, %sub3A_305 : vector<16xf32>
      %jit3A_354 = arith.constant 0.000000e+00 : f32
      %broadcast_in_dim3A = vector.broadcast %jit3A_354 : f32 to vector<16xf32>
      %select_n3A_355 = arith.select %and3A_329, %mul3A_353, %broadcast_in_dim3A : vector<16xi1>, vector<16xf32>
      %mul3A_356 = arith.constant 16 : i32
      %mul3A_357 = arith.muli %scan3A_259, %mul3A_356 : i32
      %add3A_358 = arith.constant 0 : i32
      %add3A_359 = arith.addi %add3A_358, %mul3A_357 : i32
      %swap3A_360 = arith.constant 1 : i32
      %swap3A_361 = arith.index_cast %swap3A_360 : i32 to index
      %swap3A_362 = arith.index_cast %add3A_359 : i32 to index
      %swap3A_363 = tpu.vector_load %arg9[%swap3A_361, %swap3A_362] {strides = array<i32>} : memref<2x512xf32, #tpu.memory_space<vmem>>, vector<16xf32>,
      tpu.vector_store %arg9[%swap3A_361, %swap3A_362], %select_n3A_355 {strides = array<i32>} : memref<2x512xf32, #tpu.memory_space<vmem>>, vector<16xf32>,
      %add3A_364 = arith.constant 1 : i32
      %add3A_365 = vector.broadcast %add3A_364 : i32 to vector<16xi32>
      %add3A_366 = arith.addi %select_n3A_293, %add3A_365 : vector<16xi32>
      %add3A_367 = arith.constant 0 : i32
      %add3A_368 = vector.broadcast %add3A_367 : i32 to vector<16xi32>
      %add3A_369 = arith.addi %select_n3A_300, %add3A_368 : vector<16xi32>
      %ge3A_370 = arith.constant 0 : i32
      %ge3A_371 = vector.broadcast %ge3A_370 : i32 to vector<16xi32>
      %ge3A_372 = arith.cmpi sge, %add3A_366, %ge3A_371 : vector<16xi32>
      %le3A_373 = arith.constant 383 : i32
      %le3A_374 = vector.broadcast %le3A_373 : i32 to vector<16xi32>
      %le3A_375 = arith.cmpi sle, %add3A_366, %le3A_374 : vector<16xi32>
      %and3A_376 = arith.andi %ge3A_372, %le3A_375 : vector<16xi1>
      %ge3A_377 = arith.constant 0 : i32
      %ge3A_378 = vector.broadcast %ge3A_377 : i32 to vector<16xi32>
      %ge3A_379 = arith.cmpi sge, %add3A_369, %ge3A_378 : vector<16xi32>
      %and3A_380 = arith.andi %and3A_376, %ge3A_379 : vector<16xi1>
      %le3A_381 = arith.constant 383 : i32
      %le3A_382 = vector.broadcast %le3A_381 : i32 to vector<16xi32>
      %le3A_383 = arith.cmpi sle, %add3A_369, %le3A_382 : vector<16xi32>
      %and3A_384 = arith.andi %and3A_380, %le3A_383 : vector<16xi1>
      %min3A_385 = arith.constant 383 : i32
      %min3A_386 = vector.broadcast %min3A_385 : i32 to vector<16xi32>
      %min3A_387 = arith.minsi %add3A_366, %min3A_386 : vector<16xi32>
      %max3A_388 = arith.constant 0 : i32
      %max3A_389 = vector.broadcast %max3A_388 : i32 to vector<16xi32>
      %max3A_390 = arith.maxsi %min3A_387, %max3A_389 : vector<16xi32>
      %min3A_391 = arith.constant 383 : i32
      %min3A_392 = vector.broadcast %min3A_391 : i32 to vector<16xi32>
      %min3A_393 = arith.minsi %add3A_369, %min3A_392 : vector<16xi32>
      %max3A_394 = arith.constant 0 : i32
      %max3A_395 = vector.broadcast %max3A_394 : i32 to vector<16xi32>
      %max3A_396 = arith.maxsi %min3A_393, %max3A_395 : vector<16xi32>
      %mul3A_397 = arith.constant 384 : i32
      %mul3A_398 = vector.broadcast %mul3A_397 : i32 to vector<16xi32>
      %mul3A_399 = arith.muli %max3A_396, %mul3A_398 : vector<16xi32>
      %add3A_400 = vector.broadcast %mul3A_93 : i32 to vector<16xi32>
      %add3A_401 = arith.addi %add3A_400, %mul3A_399 : vector<16xi32>
      %add3A_402 = arith.addi %add3A_401, %max3A_390 : vector<16xi32>
      %mul3A_403 = arith.constant 16 : i32
      %mul3A_404 = arith.muli %scan3A_259, %mul3A_403 : i32
      %add3A_405 = arith.constant 128 : i32
      %add3A_406 = arith.addi %add3A_405, %mul3A_404 : i32
      %swap3A_407 = arith.constant 1 : i32
      %swap3A_408 = arith.index_cast %swap3A_407 : i32 to index
      %swap3A_409 = arith.index_cast %add3A_406 : i32 to index
      %swap3A_410 = tpu.vector_load %arg8[%swap3A_408, %swap3A_409] {strides = array<i32>} : memref<2x512xi32, #tpu.memory_space<vmem>>, vector<16xi32>,
      tpu.vector_store %arg8[%swap3A_408, %swap3A_409], %add3A_402 {strides = array<i32>} : memref<2x512xi32, #tpu.memory_space<vmem>>, vector<16xi32>,
      %mul3A_411 = arith.mulf %sub3A_310, %sub3A_302 : vector<16xf32>
      %jit3A_412 = arith.constant 0.000000e+00 : f32
      %broadcast_in_dim3A_413 = vector.broadcast %jit3A_412 : f32 to vector<16xf32>
      %select_n3A_414 = arith.select %and3A_384, %mul3A_411, %broadcast_in_dim3A_413 : vector<16xi1>, vector<16xf32>
      %mul3A_415 = arith.constant 16 : i32
      %mul3A_416 = arith.muli %scan3A_259, %mul3A_415 : i32
      %add3A_417 = arith.constant 128 : i32
      %add3A_418 = arith.addi %add3A_417, %mul3A_416 : i32
      %swap3A_419 = arith.constant 1 : i32
      %swap3A_420 = arith.index_cast %swap3A_419 : i32 to index
      %swap3A_421 = arith.index_cast %add3A_418 : i32 to index
      %swap3A_422 = tpu.vector_load %arg9[%swap3A_420, %swap3A_421] {strides = array<i32>} : memref<2x512xf32, #tpu.memory_space<vmem>>, vector<16xf32>,
      tpu.vector_store %arg9[%swap3A_420, %swap3A_421], %select_n3A_414 {strides = array<i32>} : memref<2x512xf32, #tpu.memory_space<vmem>>, vector<16xf32>,
      %add3A_423 = arith.constant 0 : i32
      %add3A_424 = vector.broadcast %add3A_423 : i32 to vector<16xi32>
      %add3A_425 = arith.addi %select_n3A_293, %add3A_424 : vector<16xi32>
      %add3A_426 = arith.constant 1 : i32
      %add3A_427 = vector.broadcast %add3A_426 : i32 to vector<16xi32>
      %add3A_428 = arith.addi %select_n3A_300, %add3A_427 : vector<16xi32>
      %ge3A_429 = arith.constant 0 : i32
      %ge3A_430 = vector.broadcast %ge3A_429 : i32 to vector<16xi32>
      %ge3A_431 = arith.cmpi sge, %add3A_425, %ge3A_430 : vector<16xi32>
      %le3A_432 = arith.constant 383 : i32
      %le3A_433 = vector.broadcast %le3A_432 : i32 to vector<16xi32>
      %le3A_434 = arith.cmpi sle, %add3A_425, %le3A_433 : vector<16xi32>
      %and3A_435 = arith.andi %ge3A_431, %le3A_434 : vector<16xi1>
      %ge3A_436 = arith.constant 0 : i32
      %ge3A_437 = vector.broadcast %ge3A_436 : i32 to vector<16xi32>
      %ge3A_438 = arith.cmpi sge, %add3A_428, %ge3A_437 : vector<16xi32>
      %and3A_439 = arith.andi %and3A_435, %ge3A_438 : vector<16xi1>
      %le3A_440 = arith.constant 383 : i32
      %le3A_441 = vector.broadcast %le3A_440 : i32 to vector<16xi32>
      %le3A_442 = arith.cmpi sle, %add3A_428, %le3A_441 : vector<16xi32>
      %and3A_443 = arith.andi %and3A_439, %le3A_442 : vector<16xi1>
      %min3A_444 = arith.constant 383 : i32
      %min3A_445 = vector.broadcast %min3A_444 : i32 to vector<16xi32>
      %min3A_446 = arith.minsi %add3A_425, %min3A_445 : vector<16xi32>
      %max3A_447 = arith.constant 0 : i32
      %max3A_448 = vector.broadcast %max3A_447 : i32 to vector<16xi32>
      %max3A_449 = arith.maxsi %min3A_446, %max3A_448 : vector<16xi32>
      %min3A_450 = arith.constant 383 : i32
      %min3A_451 = vector.broadcast %min3A_450 : i32 to vector<16xi32>
      %min3A_452 = arith.minsi %add3A_428, %min3A_451 : vector<16xi32>
      %max3A_453 = arith.constant 0 : i32
      %max3A_454 = vector.broadcast %max3A_453 : i32 to vector<16xi32>
      %max3A_455 = arith.maxsi %min3A_452, %max3A_454 : vector<16xi32>
      %mul3A_456 = arith.constant 384 : i32
      %mul3A_457 = vector.broadcast %mul3A_456 : i32 to vector<16xi32>
      %mul3A_458 = arith.muli %max3A_455, %mul3A_457 : vector<16xi32>
      %add3A_459 = vector.broadcast %mul3A_93 : i32 to vector<16xi32>
      %add3A_460 = arith.addi %add3A_459, %mul3A_458 : vector<16xi32>
      %add3A_461 = arith.addi %add3A_460, %max3A_449 : vector<16xi32>
      %mul3A_462 = arith.constant 16 : i32
      %mul3A_463 = arith.muli %scan3A_259, %mul3A_462 : i32
      %add3A_464 = arith.constant 256 : i32
      %add3A_465 = arith.addi %add3A_464, %mul3A_463 : i32
      %swap3A_466 = arith.constant 1 : i32
      %swap3A_467 = arith.index_cast %swap3A_466 : i32 to index
      %swap3A_468 = arith.index_cast %add3A_465 : i32 to index
      %swap3A_469 = tpu.vector_load %arg8[%swap3A_467, %swap3A_468] {strides = array<i32>} : memref<2x512xi32, #tpu.memory_space<vmem>>, vector<16xi32>,
      tpu.vector_store %arg8[%swap3A_467, %swap3A_468], %add3A_461 {strides = array<i32>} : memref<2x512xi32, #tpu.memory_space<vmem>>, vector<16xi32>,
      %mul3A_470 = arith.mulf %sub3A_307, %sub3A_305 : vector<16xf32>
      %jit3A_471 = arith.constant 0.000000e+00 : f32
      %broadcast_in_dim3A_472 = vector.broadcast %jit3A_471 : f32 to vector<16xf32>
      %select_n3A_473 = arith.select %and3A_443, %mul3A_470, %broadcast_in_dim3A_472 : vector<16xi1>, vector<16xf32>
      %mul3A_474 = arith.constant 16 : i32
      %mul3A_475 = arith.muli %scan3A_259, %mul3A_474 : i32
      %add3A_476 = arith.constant 256 : i32
      %add3A_477 = arith.addi %add3A_476, %mul3A_475 : i32
      %swap3A_478 = arith.constant 1 : i32
      %swap3A_479 = arith.index_cast %swap3A_478 : i32 to index
      %swap3A_480 = arith.index_cast %add3A_477 : i32 to index
      %swap3A_481 = tpu.vector_load %arg9[%swap3A_479, %swap3A_480] {strides = array<i32>} : memref<2x512xf32, #tpu.memory_space<vmem>>, vector<16xf32>,
      tpu.vector_store %arg9[%swap3A_479, %swap3A_480], %select_n3A_473 {strides = array<i32>} : memref<2x512xf32, #tpu.memory_space<vmem>>, vector<16xf32>,
      %add3A_482 = arith.constant 1 : i32
      %add3A_483 = vector.broadcast %add3A_482 : i32 to vector<16xi32>
      %add3A_484 = arith.addi %select_n3A_293, %add3A_483 : vector<16xi32>
      %add3A_485 = arith.constant 1 : i32
      %add3A_486 = vector.broadcast %add3A_485 : i32 to vector<16xi32>
      %add3A_487 = arith.addi %select_n3A_300, %add3A_486 : vector<16xi32>
      %ge3A_488 = arith.constant 0 : i32
      %ge3A_489 = vector.broadcast %ge3A_488 : i32 to vector<16xi32>
      %ge3A_490 = arith.cmpi sge, %add3A_484, %ge3A_489 : vector<16xi32>
      %le3A_491 = arith.constant 383 : i32
      %le3A_492 = vector.broadcast %le3A_491 : i32 to vector<16xi32>
      %le3A_493 = arith.cmpi sle, %add3A_484, %le3A_492 : vector<16xi32>
      %and3A_494 = arith.andi %ge3A_490, %le3A_493 : vector<16xi1>
      %ge3A_495 = arith.constant 0 : i32
      %ge3A_496 = vector.broadcast %ge3A_495 : i32 to vector<16xi32>
      %ge3A_497 = arith.cmpi sge, %add3A_487, %ge3A_496 : vector<16xi32>
      %and3A_498 = arith.andi %and3A_494, %ge3A_497 : vector<16xi1>
      %le3A_499 = arith.constant 383 : i32
      %le3A_500 = vector.broadcast %le3A_499 : i32 to vector<16xi32>
      %le3A_501 = arith.cmpi sle, %add3A_487, %le3A_500 : vector<16xi32>
      %and3A_502 = arith.andi %and3A_498, %le3A_501 : vector<16xi1>
      %min3A_503 = arith.constant 383 : i32
      %min3A_504 = vector.broadcast %min3A_503 : i32 to vector<16xi32>
      %min3A_505 = arith.minsi %add3A_484, %min3A_504 : vector<16xi32>
      %max3A_506 = arith.constant 0 : i32
      %max3A_507 = vector.broadcast %max3A_506 : i32 to vector<16xi32>
      %max3A_508 = arith.maxsi %min3A_505, %max3A_507 : vector<16xi32>
      %min3A_509 = arith.constant 383 : i32
      %min3A_510 = vector.broadcast %min3A_509 : i32 to vector<16xi32>
      %min3A_511 = arith.minsi %add3A_487, %min3A_510 : vector<16xi32>
      %max3A_512 = arith.constant 0 : i32
      %max3A_513 = vector.broadcast %max3A_512 : i32 to vector<16xi32>
      %max3A_514 = arith.maxsi %min3A_511, %max3A_513 : vector<16xi32>
      %mul3A_515 = arith.constant 384 : i32
      %mul3A_516 = vector.broadcast %mul3A_515 : i32 to vector<16xi32>
      %mul3A_517 = arith.muli %max3A_514, %mul3A_516 : vector<16xi32>
      %add3A_518 = vector.broadcast %mul3A_93 : i32 to vector<16xi32>
      %add3A_519 = arith.addi %add3A_518, %mul3A_517 : vector<16xi32>
      %add3A_520 = arith.addi %add3A_519, %max3A_508 : vector<16xi32>
      %mul3A_521 = arith.constant 16 : i32
      %mul3A_522 = arith.muli %scan3A_259, %mul3A_521 : i32
      %add3A_523 = arith.constant 384 : i32
      %add3A_524 = arith.addi %add3A_523, %mul3A_522 : i32
      %swap3A_525 = arith.constant 1 : i32
      %swap3A_526 = arith.index_cast %swap3A_525 : i32 to index
      %swap3A_527 = arith.index_cast %add3A_524 : i32 to index
      %swap3A_528 = tpu.vector_load %arg8[%swap3A_526, %swap3A_527] {strides = array<i32>} : memref<2x512xi32, #tpu.memory_space<vmem>>, vector<16xi32>,
      tpu.vector_store %arg8[%swap3A_526, %swap3A_527], %add3A_520 {strides = array<i32>} : memref<2x512xi32, #tpu.memory_space<vmem>>, vector<16xi32>,
      %mul3A_529 = arith.mulf %sub3A_307, %sub3A_302 : vector<16xf32>
      %jit3A_530 = arith.constant 0.000000e+00 : f32
      %broadcast_in_dim3A_531 = vector.broadcast %jit3A_530 : f32 to vector<16xf32>
      %select_n3A_532 = arith.select %and3A_502, %mul3A_529, %broadcast_in_dim3A_531 : vector<16xi1>, vector<16xf32>
      %mul3A_533 = arith.constant 16 : i32
      %mul3A_534 = arith.muli %scan3A_259, %mul3A_533 : i32
      %add3A_535 = arith.constant 384 : i32
      %add3A_536 = arith.addi %add3A_535, %mul3A_534 : i32
      %swap3A_537 = arith.constant 1 : i32
      %swap3A_538 = arith.index_cast %swap3A_537 : i32 to index
      %swap3A_539 = arith.index_cast %add3A_536 : i32 to index
      %swap3A_540 = tpu.vector_load %arg9[%swap3A_538, %swap3A_539] {strides = array<i32>} : memref<2x512xf32, #tpu.memory_space<vmem>>, vector<16xf32>,
      tpu.vector_store %arg9[%swap3A_538, %swap3A_539], %select_n3A_532 {strides = array<i32>} : memref<2x512xf32, #tpu.memory_space<vmem>>, vector<16xf32>,
    }
    %scan3A_99 = arith.constant 8 : i32
    %dma_start3A_100 = arith.constant 1 : i32
    %dma_start3A_101 = arith.constant 1 : i32
    %dma_start3A_102 = arith.constant 0 : i32
    %dma_start3A_103 = arith.constant 0 : i32
    %dma_start3A_104 = tpu.memref_slice %arg10[%dma_start3A_101, %dma_start3A_102, %dma_start3A_103] : memref<2x512x96xbf16, #tpu.memory_space<vmem>> -> memref<1x512x96xbf16, #tpu.memory_space<vmem>>
    %dma_start3A_105 = tpu.memref_squeeze %dma_start3A_104 : memref<1x512x96xbf16, #tpu.memory_space<vmem>> -> memref<512x96xbf16, #tpu.memory_space<vmem>>
    %dma_start3A_106 = arith.constant 0 : i32
    %dma_start3A_107 = tpu.memref_slice %arg8[%dma_start3A_100, %dma_start3A_106] : memref<2x512xi32, #tpu.memory_space<vmem>> -> memref<1x512xi32, #tpu.memory_space<vmem>>
    %dma_start3A_108 = tpu.memref_squeeze %dma_start3A_107 : memref<1x512xi32, #tpu.memory_space<vmem>> -> memref<512xi32, #tpu.memory_space<vmem>>
    %dma_start3A_109 = arith.constant 0 : i32
    %dma_start3A_110 = arith.constant 0 : i32
    %dma_start3A_111 = tpu.memref_slice %arg4[%dma_start3A_109, %dma_start3A_110] : memref<294912x96xbf16, #tpu.memory_space<hbm>> -> memref<294912x96xbf16, #tpu.memory_space<hbm>>
    tpu.enqueue_indirect_dma source(%dma_start3A_111 : memref<294912x96xbf16, #tpu.memory_space<hbm>>) target(%dma_start3A_105 : memref<512x96xbf16, #tpu.memory_space<vmem>>) offsets(%dma_start3A_108 : memref<512xi32, #tpu.memory_space<vmem>>) semaphore(%arg13 : memref<!tpu.dma_semaphore, #tpu.memory_space<semaphore_mem>>)
    %scan3A_112 = arith.constant 0 : i32
    %scan3A_113 = arith.constant 0 : i32
    %scan3A_114 = arith.constant 36 : i32
    %scan3A_115 = arith.addi %scan3A_113, %scan3A_114 : i32
    %scan3A_116 = arith.constant 1 : i32
    scf.for %scan3A_259 = %scan3A_113 to %scan3A_115 step %scan3A_116  : i32 {
      %mul3A_260 = arith.constant 2 : i32
      %mul3A_261 = arith.muli %mul3A_260, %scan3A_259 : i32
      %add3A_262 = arith.constant 0 : i32
      %add3A_263 = arith.addi %mul3A_261, %add3A_262 : i32
      %dma_wait3A_264 = arith.constant 0 : i32
      %dma_wait3A_265 = arith.constant 0 : i32
      %dma_wait3A_266 = arith.constant 0 : i32
      %dma_wait3A_267 = arith.constant 0 : i32
      %dma_wait3A_268 = tpu.memref_slice %arg10[%dma_wait3A_265, %dma_wait3A_266, %dma_wait3A_267] : memref<2x512x96xbf16, #tpu.memory_space<vmem>> -> memref<1x512x96xbf16, #tpu.memory_space<vmem>>
      %dma_wait3A_269 = tpu.memref_squeeze %dma_wait3A_268 : memref<1x512x96xbf16, #tpu.memory_space<vmem>> -> memref<512x96xbf16, #tpu.memory_space<vmem>>
      %dma_wait3A_270 = arith.constant 0 : i32
      %dma_wait3A_271 = tpu.memref_slice %arg8[%dma_wait3A_264, %dma_wait3A_270] : memref<2x512xi32, #tpu.memory_space<vmem>> -> memref<1x512xi32, #tpu.memory_space<vmem>>
      %dma_wait3A_272 = tpu.memref_squeeze %dma_wait3A_271 : memref<1x512xi32, #tpu.memory_space<vmem>> -> memref<512xi32, #tpu.memory_space<vmem>>
      %dma_wait3A_273 = arith.constant 0 : i32
      %dma_wait3A_274 = arith.constant 0 : i32
      %dma_wait3A_275 = tpu.memref_slice %arg4[%dma_wait3A_273, %dma_wait3A_274] : memref<294912x96xbf16, #tpu.memory_space<hbm>> -> memref<294912x96xbf16, #tpu.memory_space<hbm>>
      tpu.wait_indirect_dma semaphore(%arg12 : memref<!tpu.dma_semaphore, #tpu.memory_space<semaphore_mem>>) src(%dma_wait3A_275 : memref<294912x96xbf16, #tpu.memory_space<hbm>>) dst(%dma_wait3A_269 : memref<512x96xbf16, #tpu.memory_space<vmem>>)
      %gt3A = arith.constant 0 : i32
      %gt3A_276 = arith.cmpi sgt, %scan3A_259, %gt3A : i32
      %convert_element_type3A = arith.extui %gt3A_276 : i1 to i32
      %cond3A = arith.constant 0 : i32
      %cond3A_277 = arith.cmpi ne, %convert_element_type3A, %cond3A : i32
      scf.if %cond3A_277 {
        %sub3A_466 = arith.constant 2 : i32
        %sub3A_467 = arith.subi %add3A_263, %sub3A_466 : i32
        %mul3A_468 = arith.constant 128 : i32
        %mul3A_469 = arith.muli %sub3A_467, %mul3A_468 : i32
        %add3A_470 = arith.addi %mul3A_2, %mul3A_469 : i32
        %jit3A_471 = arith.constant 147456 : i32
        %div3A_472 = arith.divsi %add3A_470, %jit3A_471 : i32
        %sign3A_473 = arith.constant 0 : i32
        %sign3A_474 = arith.cmpi sgt, %add3A_470, %sign3A_473 : i32
        %sign3A_475 = arith.extui %sign3A_474 : i1 to i32
        %sign3A_476 = arith.constant 0 : i32
        %sign3A_477 = arith.cmpi slt, %add3A_470, %sign3A_476 : i32
        %sign3A_478 = arith.extui %sign3A_477 : i1 to i32
        %sign3A_479 = arith.subi %sign3A_475, %sign3A_478 : i32
        %sign3A_480 = arith.constant 0 : i32
        %sign3A_481 = arith.cmpi sgt, %jit3A_471, %sign3A_480 : i32
        %sign3A_482 = arith.extui %sign3A_481 : i1 to i32
        %sign3A_483 = arith.constant 0 : i32
        %sign3A_484 = arith.cmpi slt, %jit3A_471, %sign3A_483 : i32
        %sign3A_485 = arith.extui %sign3A_484 : i1 to i32
        %sign3A_486 = arith.subi %sign3A_482, %sign3A_485 : i32
        %ne3A_487 = arith.cmpi ne, %sign3A_479, %sign3A_486 : i32
        %rem3A_488 = arith.remsi %add3A_470, %jit3A_471 : i32
        %ne3A_489 = arith.constant 0 : i32
        %ne3A_490 = arith.cmpi ne, %rem3A_488, %ne3A_489 : i32
        %and3A_491 = arith.andi %ne3A_487, %ne3A_490 : i1
        %sub3A_492 = arith.constant 1 : i32
        %sub3A_493 = arith.subi %div3A_472, %sub3A_492 : i32
        %select_n3A_494 = arith.select %and3A_491, %sub3A_493, %div3A_472 : i32
        %mul3A_495 = arith.constant 147456 : i32
        %mul3A_496 = arith.muli %select_n3A_494, %mul3A_495 : i32
        %sub3A_497 = arith.subi %add3A_470, %mul3A_496 : i32
        %jit3A_498 = arith.constant 384 : i32
        %div3A_499 = arith.divsi %sub3A_497, %jit3A_498 : i32
        %sign3A_500 = arith.constant 0 : i32
        %sign3A_501 = arith.cmpi sgt, %sub3A_497, %sign3A_500 : i32
        %sign3A_502 = arith.extui %sign3A_501 : i1 to i32
        %sign3A_503 = arith.constant 0 : i32
        %sign3A_504 = arith.cmpi slt, %sub3A_497, %sign3A_503 : i32
        %sign3A_505 = arith.extui %sign3A_504 : i1 to i32
        %sign3A_506 = arith.subi %sign3A_502, %sign3A_505 : i32
        %sign3A_507 = arith.constant 0 : i32
        %sign3A_508 = arith.cmpi sgt, %jit3A_498, %sign3A_507 : i32
        %sign3A_509 = arith.extui %sign3A_508 : i1 to i32
        %sign3A_510 = arith.constant 0 : i32
        %sign3A_511 = arith.cmpi slt, %jit3A_498, %sign3A_510 : i32
        %sign3A_512 = arith.extui %sign3A_511 : i1 to i32
        %sign3A_513 = arith.subi %sign3A_509, %sign3A_512 : i32
        %ne3A_514 = arith.cmpi ne, %sign3A_506, %sign3A_513 : i32
        %rem3A_515 = arith.remsi %sub3A_497, %jit3A_498 : i32
        %ne3A_516 = arith.constant 0 : i32
        %ne3A_517 = arith.cmpi ne, %rem3A_515, %ne3A_516 : i32
        %and3A_518 = arith.andi %ne3A_514, %ne3A_517 : i1
        %sub3A_519 = arith.constant 1 : i32
        %sub3A_520 = arith.subi %div3A_499, %sub3A_519 : i32
        %select_n3A_521 = arith.select %and3A_518, %sub3A_520, %div3A_499 : i32
        %mul3A_522 = arith.constant 384 : i32
        %mul3A_523 = arith.muli %select_n3A_521, %mul3A_522 : i32
        %sub3A_524 = arith.subi %sub3A_497, %mul3A_523 : i32
        %dma_wait3A_525 = arith.constant 0 : i32
        %dma_wait3A_526 = arith.constant 0 : i32
        %dma_wait3A_527 = arith.constant 0 : i32
        %dma_wait3A_528 = tpu.memref_slice %arg11[%dma_wait3A_525, %dma_wait3A_526, %dma_wait3A_527] : memref<2x96x129xf32, #tpu.memory_space<vmem>> -> memref<1x96x128xf32, #tpu.memory_space<vmem>>
        %dma_wait3A_529 = tpu.memref_squeeze %dma_wait3A_528 : memref<1x96x128xf32, #tpu.memory_space<vmem>> -> memref<96x128xf32, #tpu.memory_space<vmem>>
        %dma_wait3A_530 = arith.constant 0 : i32
        %dma_wait3A_531 = tpu.memref_slice %arg5[%select_n3A_494, %dma_wait3A_530, %select_n3A_521, %sub3A_524] : memref<2x96x384x384xf32, #tpu.memory_space<hbm>> -> memref<1x96x1x128xf32, #tpu.memory_space<hbm>>
        %dma_wait3A_532 = tpu.memref_squeeze %dma_wait3A_531 : memref<1x96x1x128xf32, #tpu.memory_space<hbm>> -> memref<96x128xf32, #tpu.memory_space<hbm>>
        %dma_wait3A_533 = arith.constant 0 : i32
        %dma_wait3A_534 = tpu.memref_slice %arg5[%select_n3A_494, %dma_wait3A_533, %select_n3A_521, %sub3A_524] : memref<2x96x384x384xf32, #tpu.memory_space<hbm>> -> memref<1x96x1x128xf32, #tpu.memory_space<hbm>>
        %dma_wait3A_535 = tpu.memref_squeeze %dma_wait3A_534 : memref<1x96x1x128xf32, #tpu.memory_space<hbm>> -> memref<96x128xf32, #tpu.memory_space<hbm>>
        %dma_wait3A_536 = arith.constant 0 : i32
        %dma_wait3A_537 = arith.constant 0 : i32
        %dma_wait3A_538 = tpu.memref_slice %arg11[%dma_wait3A_525, %dma_wait3A_536, %dma_wait3A_537] : memref<2x96x129xf32, #tpu.memory_space<vmem>> -> memref<1x96x128xf32, #tpu.memory_space<vmem>>
        %dma_wait3A_539 = tpu.memref_squeeze %dma_wait3A_538 : memref<1x96x128xf32, #tpu.memory_space<vmem>> -> memref<96x128xf32, #tpu.memory_space<vmem>>
        tpu.wait_dma2 semaphore(%arg14 : memref<!tpu.dma_semaphore, #tpu.memory_space<semaphore_mem>>) src(%dma_wait3A_539 : memref<96x128xf32, #tpu.memory_space<vmem>>) dst(%dma_wait3A_535 : memref<96x128xf32, #tpu.memory_space<hbm>>)
      } else {
      }
      %scan3A_278 = arith.constant 0 : i32
      %scan3A_279 = arith.constant 0 : i32
      %scan3A_280 = arith.constant 128 : i32
      %scan3A_281 = arith.addi %scan3A_279, %scan3A_280 : i32
      %scan3A_282 = arith.constant 1 : i32
      scf.for %scan3A_466 = %scan3A_279 to %scan3A_281 step %scan3A_282  : i32 {
        %broadcast_in_dim3A = vector.broadcast %scan3A_466 : i32 to vector<16xi32>
        %add3A_467 = arith.constant 0 : i32
        %add3A_468 = vector.broadcast %add3A_467 : i32 to vector<16xi32>
        %add3A_469 = arith.addi %broadcast_in_dim3A, %add3A_468 : vector<16xi32>
        %gather3A = arith.constant 0 : i32
        %gather3A_470 = arith.constant 0 : i32
        %gather3A_471 = tpu.memref_slice %arg9[%gather3A, %gather3A_470] : memref<2x512xf32, #tpu.memory_space<vmem>> -> memref<1x512xf32, #tpu.memory_space<vmem>>
        %gather3A_472 = tpu.memref_squeeze %gather3A_471 : memref<1x512xf32, #tpu.memory_space<vmem>> -> memref<512xf32, #tpu.memory_space<vmem>>
        %gather3A_473 = tpu.vector_load_idx %gather3A_472[%add3A_469] : memref<512xf32, #tpu.memory_space<vmem>>[vector<16xi32>], vector<16xf32>,
        %add3A_474 = arith.constant 128 : i32
        %add3A_475 = vector.broadcast %add3A_474 : i32 to vector<16xi32>
        %add3A_476 = arith.addi %broadcast_in_dim3A, %add3A_475 : vector<16xi32>
        %gather3A_477 = arith.constant 0 : i32
        %gather3A_478 = arith.constant 0 : i32
        %gather3A_479 = tpu.memref_slice %arg9[%gather3A_477, %gather3A_478] : memref<2x512xf32, #tpu.memory_space<vmem>> -> memref<1x512xf32, #tpu.memory_space<vmem>>
        %gather3A_480 = tpu.memref_squeeze %gather3A_479 : memref<1x512xf32, #tpu.memory_space<vmem>> -> memref<512xf32, #tpu.memory_space<vmem>>
        %gather3A_481 = tpu.vector_load_idx %gather3A_480[%add3A_476] : memref<512xf32, #tpu.memory_space<vmem>>[vector<16xi32>], vector<16xf32>,
        %add3A_482 = arith.constant 256 : i32
        %add3A_483 = vector.broadcast %add3A_482 : i32 to vector<16xi32>
        %add3A_484 = arith.addi %broadcast_in_dim3A, %add3A_483 : vector<16xi32>
        %gather3A_485 = arith.constant 0 : i32
        %gather3A_486 = arith.constant 0 : i32
        %gather3A_487 = tpu.memref_slice %arg9[%gather3A_485, %gather3A_486] : memref<2x512xf32, #tpu.memory_space<vmem>> -> memref<1x512xf32, #tpu.memory_space<vmem>>
        %gather3A_488 = tpu.memref_squeeze %gather3A_487 : memref<1x512xf32, #tpu.memory_space<vmem>> -> memref<512xf32, #tpu.memory_space<vmem>>
        %gather3A_489 = tpu.vector_load_idx %gather3A_488[%add3A_484] : memref<512xf32, #tpu.memory_space<vmem>>[vector<16xi32>], vector<16xf32>,
        %add3A_490 = arith.constant 384 : i32
        %add3A_491 = vector.broadcast %add3A_490 : i32 to vector<16xi32>
        %add3A_492 = arith.addi %broadcast_in_dim3A, %add3A_491 : vector<16xi32>
        %gather3A_493 = arith.constant 0 : i32
        %gather3A_494 = arith.constant 0 : i32
        %gather3A_495 = tpu.memref_slice %arg9[%gather3A_493, %gather3A_494] : memref<2x512xf32, #tpu.memory_space<vmem>> -> memref<1x512xf32, #tpu.memory_space<vmem>>
        %gather3A_496 = tpu.memref_squeeze %gather3A_495 : memref<1x512xf32, #tpu.memory_space<vmem>> -> memref<512xf32, #tpu.memory_space<vmem>>
        %gather3A_497 = tpu.vector_load_idx %gather3A_496[%add3A_492] : memref<512xf32, #tpu.memory_space<vmem>>[vector<16xi32>], vector<16xf32>,
        %add3A_498 = arith.constant 0 : i32
        %add3A_499 = arith.addi %add3A_498, %scan3A_466 : i32
        %get3A = arith.constant 0 : i32
        %get3A_500 = arith.index_cast %get3A : i32 to index
        %get3A_501 = arith.index_cast %add3A_499 : i32 to index
        %get3A_502 = arith.constant 0 : index
        %get3A_503 = tpu.vector_load %arg10[%get3A_500, %get3A_501, %get3A_502] {strides = array<i32>} : memref<2x512x96xbf16, #tpu.memory_space<vmem>>, vector<32xbf16>,
        %unpack3A = tpu.unpack_subelements %get3A_503, 0 {pack_format = #tpu.pack_format<interleaved>} : vector<32xbf16> -> vector<16xf32>
        %unpack3A_504 = tpu.unpack_subelements %get3A_503, 1 {pack_format = #tpu.pack_format<interleaved>} : vector<32xbf16> -> vector<16xf32>
        %mul3A_505 = arith.mulf %gather3A_473, %unpack3A : vector<16xf32>
        %mul3A_506 = arith.mulf %gather3A_473, %unpack3A_504 : vector<16xf32>
        %add3A_507 = arith.constant 128 : i32
        %add3A_508 = arith.addi %add3A_507, %scan3A_466 : i32
        %get3A_509 = arith.constant 0 : i32
        %get3A_510 = arith.index_cast %get3A_509 : i32 to index
        %get3A_511 = arith.index_cast %add3A_508 : i32 to index
        %get3A_512 = arith.constant 0 : index
        %get3A_513 = tpu.vector_load %arg10[%get3A_510, %get3A_511, %get3A_512] {strides = array<i32>} : memref<2x512x96xbf16, #tpu.memory_space<vmem>>, vector<32xbf16>,
        %unpack3A_514 = tpu.unpack_subelements %get3A_513, 0 {pack_format = #tpu.pack_format<interleaved>} : vector<32xbf16> -> vector<16xf32>
        %unpack3A_515 = tpu.unpack_subelements %get3A_513, 1 {pack_format = #tpu.pack_format<interleaved>} : vector<32xbf16> -> vector<16xf32>
        %mul3A_516 = arith.mulf %gather3A_481, %unpack3A_514 : vector<16xf32>
        %mul3A_517 = arith.mulf %gather3A_481, %unpack3A_515 : vector<16xf32>
        %add3A_518 = arith.addf %mul3A_505, %mul3A_516 : vector<16xf32>
        %add3A_519 = arith.addf %mul3A_506, %mul3A_517 : vector<16xf32>
        %add3A_520 = arith.constant 256 : i32
        %add3A_521 = arith.addi %add3A_520, %scan3A_466 : i32
        %get3A_522 = arith.constant 0 : i32
        %get3A_523 = arith.index_cast %get3A_522 : i32 to index
        %get3A_524 = arith.index_cast %add3A_521 : i32 to index
        %get3A_525 = arith.constant 0 : index
        %get3A_526 = tpu.vector_load %arg10[%get3A_523, %get3A_524, %get3A_525] {strides = array<i32>} : memref<2x512x96xbf16, #tpu.memory_space<vmem>>, vector<32xbf16>,
        %unpack3A_527 = tpu.unpack_subelements %get3A_526, 0 {pack_format = #tpu.pack_format<interleaved>} : vector<32xbf16> -> vector<16xf32>
        %unpack3A_528 = tpu.unpack_subelements %get3A_526, 1 {pack_format = #tpu.pack_format<interleaved>} : vector<32xbf16> -> vector<16xf32>
        %mul3A_529 = arith.mulf %gather3A_489, %unpack3A_527 : vector<16xf32>
        %mul3A_530 = arith.mulf %gather3A_489, %unpack3A_528 : vector<16xf32>
        %add3A_531 = arith.addf %add3A_518, %mul3A_529 : vector<16xf32>
        %add3A_532 = arith.addf %add3A_519, %mul3A_530 : vector<16xf32>
        %add3A_533 = arith.constant 384 : i32
        %add3A_534 = arith.addi %add3A_533, %scan3A_466 : i32
        %get3A_535 = arith.constant 0 : i32
        %get3A_536 = arith.index_cast %get3A_535 : i32 to index
        %get3A_537 = arith.index_cast %add3A_534 : i32 to index
        %get3A_538 = arith.constant 0 : index
        %get3A_539 = tpu.vector_load %arg10[%get3A_536, %get3A_537, %get3A_538] {strides = array<i32>} : memref<2x512x96xbf16, #tpu.memory_space<vmem>>, vector<32xbf16>,
        %unpack3A_540 = tpu.unpack_subelements %get3A_539, 0 {pack_format = #tpu.pack_format<interleaved>} : vector<32xbf16> -> vector<16xf32>
        %unpack3A_541 = tpu.unpack_subelements %get3A_539, 1 {pack_format = #tpu.pack_format<interleaved>} : vector<32xbf16> -> vector<16xf32>
        %mul3A_542 = arith.mulf %gather3A_497, %unpack3A_540 : vector<16xf32>
        %mul3A_543 = arith.mulf %gather3A_497, %unpack3A_541 : vector<16xf32>
        %add3A_544 = arith.addf %add3A_531, %mul3A_542 : vector<16xf32>
        %add3A_545 = arith.addf %add3A_532, %mul3A_543 : vector<16xf32>
        %scatter3A = arith.constant 0 : i32
        %scatter3A_546 = arith.constant 0 : i32
        %scatter3A_547 = arith.constant 0 : i32
        %scatter3A_548 = tpu.memref_slice %arg11[%scatter3A, %scatter3A_546, %scatter3A_547] : memref<2x96x129xf32, #tpu.memory_space<vmem>> -> memref<1x96x129xf32, #tpu.memory_space<vmem>>
        %scatter3A_549 = tpu.memref_squeeze %scatter3A_548 : memref<1x96x129xf32, #tpu.memory_space<vmem>> -> memref<96x129xf32, #tpu.memory_space<vmem>>
        tpu.vector_store_idx %scatter3A_549[%add3A_8, %broadcast_in_dim3A], %add3A_544 : memref<96x129xf32, #tpu.memory_space<vmem>>[vector<16xi32>, vector<16xi32>], vector<16xf32>,
        %scatter3A_550 = arith.constant 0 : i32
        %scatter3A_551 = arith.constant 0 : i32
        %scatter3A_552 = arith.constant 0 : i32
        %scatter3A_553 = tpu.memref_slice %arg11[%scatter3A_550, %scatter3A_551, %scatter3A_552] : memref<2x96x129xf32, #tpu.memory_space<vmem>> -> memref<1x96x129xf32, #tpu.memory_space<vmem>>
        %scatter3A_554 = tpu.memref_squeeze %scatter3A_553 : memref<1x96x129xf32, #tpu.memory_space<vmem>> -> memref<96x129xf32, #tpu.memory_space<vmem>>
        tpu.vector_store_idx %scatter3A_554[%add3A_23, %broadcast_in_dim3A], %add3A_545 : memref<96x129xf32, #tpu.memory_space<vmem>>[vector<16xi32>, vector<16xi32>], vector<16xf32>,
        %add3A_555 = arith.constant 0 : i32
        %add3A_556 = arith.addi %add3A_555, %scan3A_466 : i32
        %get3A_557 = arith.constant 0 : i32
        %get3A_558 = arith.index_cast %get3A_557 : i32 to index
        %get3A_559 = arith.index_cast %add3A_556 : i32 to index
        %get3A_560 = arith.constant 32 : index
        %get3A_561 = tpu.vector_load %arg10[%get3A_558, %get3A_559, %get3A_560] {strides = array<i32>} : memref<2x512x96xbf16, #tpu.memory_space<vmem>>, vector<32xbf16>,
        %unpack3A_562 = tpu.unpack_subelements %get3A_561, 0 {pack_format = #tpu.pack_format<interleaved>} : vector<32xbf16> -> vector<16xf32>
        %unpack3A_563 = tpu.unpack_subelements %get3A_561, 1 {pack_format = #tpu.pack_format<interleaved>} : vector<32xbf16> -> vector<16xf32>
        %mul3A_564 = arith.mulf %gather3A_473, %unpack3A_562 : vector<16xf32>
        %mul3A_565 = arith.mulf %gather3A_473, %unpack3A_563 : vector<16xf32>
        %add3A_566 = arith.constant 128 : i32
        %add3A_567 = arith.addi %add3A_566, %scan3A_466 : i32
        %get3A_568 = arith.constant 0 : i32
        %get3A_569 = arith.index_cast %get3A_568 : i32 to index
        %get3A_570 = arith.index_cast %add3A_567 : i32 to index
        %get3A_571 = arith.constant 32 : index
        %get3A_572 = tpu.vector_load %arg10[%get3A_569, %get3A_570, %get3A_571] {strides = array<i32>} : memref<2x512x96xbf16, #tpu.memory_space<vmem>>, vector<32xbf16>,
        %unpack3A_573 = tpu.unpack_subelements %get3A_572, 0 {pack_format = #tpu.pack_format<interleaved>} : vector<32xbf16> -> vector<16xf32>
        %unpack3A_574 = tpu.unpack_subelements %get3A_572, 1 {pack_format = #tpu.pack_format<interleaved>} : vector<32xbf16> -> vector<16xf32>
        %mul3A_575 = arith.mulf %gather3A_481, %unpack3A_573 : vector<16xf32>
        %mul3A_576 = arith.mulf %gather3A_481, %unpack3A_574 : vector<16xf32>
        %add3A_577 = arith.addf %mul3A_564, %mul3A_575 : vector<16xf32>
        %add3A_578 = arith.addf %mul3A_565, %mul3A_576 : vector<16xf32>
        %add3A_579 = arith.constant 256 : i32
        %add3A_580 = arith.addi %add3A_579, %scan3A_466 : i32
        %get3A_581 = arith.constant 0 : i32
        %get3A_582 = arith.index_cast %get3A_581 : i32 to index
        %get3A_583 = arith.index_cast %add3A_580 : i32 to index
        %get3A_584 = arith.constant 32 : index
        %get3A_585 = tpu.vector_load %arg10[%get3A_582, %get3A_583, %get3A_584] {strides = array<i32>} : memref<2x512x96xbf16, #tpu.memory_space<vmem>>, vector<32xbf16>,
        %unpack3A_586 = tpu.unpack_subelements %get3A_585, 0 {pack_format = #tpu.pack_format<interleaved>} : vector<32xbf16> -> vector<16xf32>
        %unpack3A_587 = tpu.unpack_subelements %get3A_585, 1 {pack_format = #tpu.pack_format<interleaved>} : vector<32xbf16> -> vector<16xf32>
        %mul3A_588 = arith.mulf %gather3A_489, %unpack3A_586 : vector<16xf32>
        %mul3A_589 = arith.mulf %gather3A_489, %unpack3A_587 : vector<16xf32>
        %add3A_590 = arith.addf %add3A_577, %mul3A_588 : vector<16xf32>
        %add3A_591 = arith.addf %add3A_578, %mul3A_589 : vector<16xf32>
        %add3A_592 = arith.constant 384 : i32
        %add3A_593 = arith.addi %add3A_592, %scan3A_466 : i32
        %get3A_594 = arith.constant 0 : i32
        %get3A_595 = arith.index_cast %get3A_594 : i32 to index
        %get3A_596 = arith.index_cast %add3A_593 : i32 to index
        %get3A_597 = arith.constant 32 : index
        %get3A_598 = tpu.vector_load %arg10[%get3A_595, %get3A_596, %get3A_597] {strides = array<i32>} : memref<2x512x96xbf16, #tpu.memory_space<vmem>>, vector<32xbf16>,
        %unpack3A_599 = tpu.unpack_subelements %get3A_598, 0 {pack_format = #tpu.pack_format<interleaved>} : vector<32xbf16> -> vector<16xf32>
        %unpack3A_600 = tpu.unpack_subelements %get3A_598, 1 {pack_format = #tpu.pack_format<interleaved>} : vector<32xbf16> -> vector<16xf32>
        %mul3A_601 = arith.mulf %gather3A_497, %unpack3A_599 : vector<16xf32>
        %mul3A_602 = arith.mulf %gather3A_497, %unpack3A_600 : vector<16xf32>
        %add3A_603 = arith.addf %add3A_590, %mul3A_601 : vector<16xf32>
        %add3A_604 = arith.addf %add3A_591, %mul3A_602 : vector<16xf32>
        %scatter3A_605 = arith.constant 0 : i32
        %scatter3A_606 = arith.constant 0 : i32
        %scatter3A_607 = arith.constant 0 : i32
        %scatter3A_608 = tpu.memref_slice %arg11[%scatter3A_605, %scatter3A_606, %scatter3A_607] : memref<2x96x129xf32, #tpu.memory_space<vmem>> -> memref<1x96x129xf32, #tpu.memory_space<vmem>>
        %scatter3A_609 = tpu.memref_squeeze %scatter3A_608 : memref<1x96x129xf32, #tpu.memory_space<vmem>> -> memref<96x129xf32, #tpu.memory_space<vmem>>
        tpu.vector_store_idx %scatter3A_609[%add3A_14, %broadcast_in_dim3A], %add3A_603 : memref<96x129xf32, #tpu.memory_space<vmem>>[vector<16xi32>, vector<16xi32>], vector<16xf32>,
        %scatter3A_610 = arith.constant 0 : i32
        %scatter3A_611 = arith.constant 0 : i32
        %scatter3A_612 = arith.constant 0 : i32
        %scatter3A_613 = tpu.memref_slice %arg11[%scatter3A_610, %scatter3A_611, %scatter3A_612] : memref<2x96x129xf32, #tpu.memory_space<vmem>> -> memref<1x96x129xf32, #tpu.memory_space<vmem>>
        %scatter3A_614 = tpu.memref_squeeze %scatter3A_613 : memref<1x96x129xf32, #tpu.memory_space<vmem>> -> memref<96x129xf32, #tpu.memory_space<vmem>>
        tpu.vector_store_idx %scatter3A_614[%add3A_26, %broadcast_in_dim3A], %add3A_604 : memref<96x129xf32, #tpu.memory_space<vmem>>[vector<16xi32>, vector<16xi32>], vector<16xf32>,
        %add3A_615 = arith.constant 0 : i32
        %add3A_616 = arith.addi %add3A_615, %scan3A_466 : i32
        %get3A_617 = arith.constant 0 : i32
        %get3A_618 = arith.index_cast %get3A_617 : i32 to index
        %get3A_619 = arith.index_cast %add3A_616 : i32 to index
        %get3A_620 = arith.constant 64 : index
        %get3A_621 = tpu.vector_load %arg10[%get3A_618, %get3A_619, %get3A_620] {strides = array<i32>} : memref<2x512x96xbf16, #tpu.memory_space<vmem>>, vector<32xbf16>,
        %unpack3A_622 = tpu.unpack_subelements %get3A_621, 0 {pack_format = #tpu.pack_format<interleaved>} : vector<32xbf16> -> vector<16xf32>
        %unpack3A_623 = tpu.unpack_subelements %get3A_621, 1 {pack_format = #tpu.pack_format<interleaved>} : vector<32xbf16> -> vector<16xf32>
        %mul3A_624 = arith.mulf %gather3A_473, %unpack3A_622 : vector<16xf32>
        %mul3A_625 = arith.mulf %gather3A_473, %unpack3A_623 : vector<16xf32>
        %add3A_626 = arith.constant 128 : i32
        %add3A_627 = arith.addi %add3A_626, %scan3A_466 : i32
        %get3A_628 = arith.constant 0 : i32
        %get3A_629 = arith.index_cast %get3A_628 : i32 to index
        %get3A_630 = arith.index_cast %add3A_627 : i32 to index
        %get3A_631 = arith.constant 64 : index
        %get3A_632 = tpu.vector_load %arg10[%get3A_629, %get3A_630, %get3A_631] {strides = array<i32>} : memref<2x512x96xbf16, #tpu.memory_space<vmem>>, vector<32xbf16>,
        %unpack3A_633 = tpu.unpack_subelements %get3A_632, 0 {pack_format = #tpu.pack_format<interleaved>} : vector<32xbf16> -> vector<16xf32>
        %unpack3A_634 = tpu.unpack_subelements %get3A_632, 1 {pack_format = #tpu.pack_format<interleaved>} : vector<32xbf16> -> vector<16xf32>
        %mul3A_635 = arith.mulf %gather3A_481, %unpack3A_633 : vector<16xf32>
        %mul3A_636 = arith.mulf %gather3A_481, %unpack3A_634 : vector<16xf32>
        %add3A_637 = arith.addf %mul3A_624, %mul3A_635 : vector<16xf32>
        %add3A_638 = arith.addf %mul3A_625, %mul3A_636 : vector<16xf32>
        %add3A_639 = arith.constant 256 : i32
        %add3A_640 = arith.addi %add3A_639, %scan3A_466 : i32
        %get3A_641 = arith.constant 0 : i32
        %get3A_642 = arith.index_cast %get3A_641 : i32 to index
        %get3A_643 = arith.index_cast %add3A_640 : i32 to index
        %get3A_644 = arith.constant 64 : index
        %get3A_645 = tpu.vector_load %arg10[%get3A_642, %get3A_643, %get3A_644] {strides = array<i32>} : memref<2x512x96xbf16, #tpu.memory_space<vmem>>, vector<32xbf16>,
        %unpack3A_646 = tpu.unpack_subelements %get3A_645, 0 {pack_format = #tpu.pack_format<interleaved>} : vector<32xbf16> -> vector<16xf32>
        %unpack3A_647 = tpu.unpack_subelements %get3A_645, 1 {pack_format = #tpu.pack_format<interleaved>} : vector<32xbf16> -> vector<16xf32>
        %mul3A_648 = arith.mulf %gather3A_489, %unpack3A_646 : vector<16xf32>
        %mul3A_649 = arith.mulf %gather3A_489, %unpack3A_647 : vector<16xf32>
        %add3A_650 = arith.addf %add3A_637, %mul3A_648 : vector<16xf32>
        %add3A_651 = arith.addf %add3A_638, %mul3A_649 : vector<16xf32>
        %add3A_652 = arith.constant 384 : i32
        %add3A_653 = arith.addi %add3A_652, %scan3A_466 : i32
        %get3A_654 = arith.constant 0 : i32
        %get3A_655 = arith.index_cast %get3A_654 : i32 to index
        %get3A_656 = arith.index_cast %add3A_653 : i32 to index
        %get3A_657 = arith.constant 64 : index
        %get3A_658 = tpu.vector_load %arg10[%get3A_655, %get3A_656, %get3A_657] {strides = array<i32>} : memref<2x512x96xbf16, #tpu.memory_space<vmem>>, vector<32xbf16>,
        %unpack3A_659 = tpu.unpack_subelements %get3A_658, 0 {pack_format = #tpu.pack_format<interleaved>} : vector<32xbf16> -> vector<16xf32>
        %unpack3A_660 = tpu.unpack_subelements %get3A_658, 1 {pack_format = #tpu.pack_format<interleaved>} : vector<32xbf16> -> vector<16xf32>
        %mul3A_661 = arith.mulf %gather3A_497, %unpack3A_659 : vector<16xf32>
        %mul3A_662 = arith.mulf %gather3A_497, %unpack3A_660 : vector<16xf32>
        %add3A_663 = arith.addf %add3A_650, %mul3A_661 : vector<16xf32>
        %add3A_664 = arith.addf %add3A_651, %mul3A_662 : vector<16xf32>
        %scatter3A_665 = arith.constant 0 : i32
        %scatter3A_666 = arith.constant 0 : i32
        %scatter3A_667 = arith.constant 0 : i32
        %scatter3A_668 = tpu.memref_slice %arg11[%scatter3A_665, %scatter3A_666, %scatter3A_667] : memref<2x96x129xf32, #tpu.memory_space<vmem>> -> memref<1x96x129xf32, #tpu.memory_space<vmem>>
        %scatter3A_669 = tpu.memref_squeeze %scatter3A_668 : memref<1x96x129xf32, #tpu.memory_space<vmem>> -> memref<96x129xf32, #tpu.memory_space<vmem>>
        tpu.vector_store_idx %scatter3A_669[%add3A_20, %broadcast_in_dim3A], %add3A_663 : memref<96x129xf32, #tpu.memory_space<vmem>>[vector<16xi32>, vector<16xi32>], vector<16xf32>,
        %scatter3A_670 = arith.constant 0 : i32
        %scatter3A_671 = arith.constant 0 : i32
        %scatter3A_672 = arith.constant 0 : i32
        %scatter3A_673 = tpu.memref_slice %arg11[%scatter3A_670, %scatter3A_671, %scatter3A_672] : memref<2x96x129xf32, #tpu.memory_space<vmem>> -> memref<1x96x129xf32, #tpu.memory_space<vmem>>
        %scatter3A_674 = tpu.memref_squeeze %scatter3A_673 : memref<1x96x129xf32, #tpu.memory_space<vmem>> -> memref<96x129xf32, #tpu.memory_space<vmem>>
        tpu.vector_store_idx %scatter3A_674[%add3A_29, %broadcast_in_dim3A], %add3A_664 : memref<96x129xf32, #tpu.memory_space<vmem>>[vector<16xi32>, vector<16xi32>], vector<16xf32>,
      }
      %scan3A_283 = arith.constant 128 : i32
      %mul3A_284 = arith.constant 128 : i32
      %mul3A_285 = arith.muli %add3A_263, %mul3A_284 : i32
      %add3A_286 = arith.addi %mul3A_2, %mul3A_285 : i32
      %jit3A_287 = arith.constant 147456 : i32
      %div3A_288 = arith.divsi %add3A_286, %jit3A_287 : i32
      %sign3A_289 = arith.constant 0 : i32
      %sign3A_290 = arith.cmpi sgt, %add3A_286, %sign3A_289 : i32
      %sign3A_291 = arith.extui %sign3A_290 : i1 to i32
      %sign3A_292 = arith.constant 0 : i32
      %sign3A_293 = arith.cmpi slt, %add3A_286, %sign3A_292 : i32
      %sign3A_294 = arith.extui %sign3A_293 : i1 to i32
      %sign3A_295 = arith.subi %sign3A_291, %sign3A_294 : i32
      %sign3A_296 = arith.constant 0 : i32
      %sign3A_297 = arith.cmpi sgt, %jit3A_287, %sign3A_296 : i32
      %sign3A_298 = arith.extui %sign3A_297 : i1 to i32
      %sign3A_299 = arith.constant 0 : i32
      %sign3A_300 = arith.cmpi slt, %jit3A_287, %sign3A_299 : i32
      %sign3A_301 = arith.extui %sign3A_300 : i1 to i32
      %sign3A_302 = arith.subi %sign3A_298, %sign3A_301 : i32
      %ne3A_303 = arith.cmpi ne, %sign3A_295, %sign3A_302 : i32
      %rem3A_304 = arith.remsi %add3A_286, %jit3A_287 : i32
      %ne3A_305 = arith.constant 0 : i32
      %ne3A_306 = arith.cmpi ne, %rem3A_304, %ne3A_305 : i32
      %and3A_307 = arith.andi %ne3A_303, %ne3A_306 : i1
      %sub3A_308 = arith.constant 1 : i32
      %sub3A_309 = arith.subi %div3A_288, %sub3A_308 : i32
      %select_n3A_310 = arith.select %and3A_307, %sub3A_309, %div3A_288 : i32
      %mul3A_311 = arith.constant 147456 : i32
      %mul3A_312 = arith.muli %select_n3A_310, %mul3A_311 : i32
      %sub3A_313 = arith.subi %add3A_286, %mul3A_312 : i32
      %jit3A_314 = arith.constant 384 : i32
      %div3A_315 = arith.divsi %sub3A_313, %jit3A_314 : i32
      %sign3A_316 = arith.constant 0 : i32
      %sign3A_317 = arith.cmpi sgt, %sub3A_313, %sign3A_316 : i32
      %sign3A_318 = arith.extui %sign3A_317 : i1 to i32
      %sign3A_319 = arith.constant 0 : i32
      %sign3A_320 = arith.cmpi slt, %sub3A_313, %sign3A_319 : i32
      %sign3A_321 = arith.extui %sign3A_320 : i1 to i32
      %sign3A_322 = arith.subi %sign3A_318, %sign3A_321 : i32
      %sign3A_323 = arith.constant 0 : i32
      %sign3A_324 = arith.cmpi sgt, %jit3A_314, %sign3A_323 : i32
      %sign3A_325 = arith.extui %sign3A_324 : i1 to i32
      %sign3A_326 = arith.constant 0 : i32
      %sign3A_327 = arith.cmpi slt, %jit3A_314, %sign3A_326 : i32
      %sign3A_328 = arith.extui %sign3A_327 : i1 to i32
      %sign3A_329 = arith.subi %sign3A_325, %sign3A_328 : i32
      %ne3A_330 = arith.cmpi ne, %sign3A_322, %sign3A_329 : i32
      %rem3A_331 = arith.remsi %sub3A_313, %jit3A_314 : i32
      %ne3A_332 = arith.constant 0 : i32
      %ne3A_333 = arith.cmpi ne, %rem3A_331, %ne3A_332 : i32
      %and3A_334 = arith.andi %ne3A_330, %ne3A_333 : i1
      %sub3A_335 = arith.constant 1 : i32
      %sub3A_336 = arith.subi %div3A_315, %sub3A_335 : i32
      %select_n3A_337 = arith.select %and3A_334, %sub3A_336, %div3A_315 : i32
      %mul3A_338 = arith.constant 384 : i32
      %mul3A_339 = arith.muli %select_n3A_337, %mul3A_338 : i32
      %sub3A_340 = arith.subi %sub3A_313, %mul3A_339 : i32
      %dma_start3A_341 = arith.constant 0 : i32
      %dma_start3A_342 = arith.constant 0 : i32
      %dma_start3A_343 = arith.constant 0 : i32
      %dma_start3A_344 = tpu.memref_slice %arg11[%dma_start3A_341, %dma_start3A_342, %dma_start3A_343] : memref<2x96x129xf32, #tpu.memory_space<vmem>> -> memref<1x96x128xf32, #tpu.memory_space<vmem>>
      %dma_start3A_345 = tpu.memref_squeeze %dma_start3A_344 : memref<1x96x128xf32, #tpu.memory_space<vmem>> -> memref<96x128xf32, #tpu.memory_space<vmem>>
      %dma_start3A_346 = arith.constant 0 : i32
      %dma_start3A_347 = tpu.memref_slice %arg5[%select_n3A_310, %dma_start3A_346, %select_n3A_337, %sub3A_340] : memref<2x96x384x384xf32, #tpu.memory_space<hbm>> -> memref<1x96x1x128xf32, #tpu.memory_space<hbm>>
      %dma_start3A_348 = tpu.memref_squeeze %dma_start3A_347 : memref<1x96x1x128xf32, #tpu.memory_space<hbm>> -> memref<96x128xf32, #tpu.memory_space<hbm>>
      %dma_start3A_349 = arith.constant 0 : i32
      %dma_start3A_350 = tpu.memref_slice %arg5[%select_n3A_310, %dma_start3A_349, %select_n3A_337, %sub3A_340] : memref<2x96x384x384xf32, #tpu.memory_space<hbm>> -> memref<1x96x1x128xf32, #tpu.memory_space<hbm>>
      %dma_start3A_351 = tpu.memref_squeeze %dma_start3A_350 : memref<1x96x1x128xf32, #tpu.memory_space<hbm>> -> memref<96x128xf32, #tpu.memory_space<hbm>>
      %dma_start3A_352 = arith.constant 0 : i32
      %dma_start3A_353 = arith.constant 0 : i32
      %dma_start3A_354 = tpu.memref_slice %arg11[%dma_start3A_341, %dma_start3A_352, %dma_start3A_353] : memref<2x96x129xf32, #tpu.memory_space<vmem>> -> memref<1x96x128xf32, #tpu.memory_space<vmem>>
      %dma_start3A_355 = tpu.memref_squeeze %dma_start3A_354 : memref<1x96x128xf32, #tpu.memory_space<vmem>> -> memref<96x128xf32, #tpu.memory_space<vmem>>
      tpu.enqueue_dma source(%dma_start3A_355 : memref<96x128xf32, #tpu.memory_space<vmem>>) target(%dma_start3A_351 : memref<96x128xf32, #tpu.memory_space<hbm>>) target_semaphore(%arg14 : memref<!tpu.dma_semaphore, #tpu.memory_space<semaphore_mem>>)
      %add3A_356 = arith.constant 2 : i32
      %add3A_357 = arith.addi %add3A_263, %add3A_356 : i32
      %lt3A = arith.constant 72 : i32
      %lt3A_358 = arith.cmpi slt, %add3A_357, %lt3A : i32
      %convert_element_type3A_359 = arith.extui %lt3A_358 : i1 to i32
      %cond3A_360 = arith.constant 0 : i32
      %cond3A_361 = arith.cmpi ne, %convert_element_type3A_359, %cond3A_360 : i32
      scf.if %cond3A_361 {
        %add3A_466 = arith.constant 2 : i32
        %add3A_467 = arith.addi %add3A_263, %add3A_466 : i32
        %mul3A_468 = arith.constant 128 : i32
        %mul3A_469 = arith.muli %add3A_467, %mul3A_468 : i32
        %add3A_470 = arith.addi %mul3A_2, %mul3A_469 : i32
        %jit3A_471 = arith.constant 147456 : i32
        %div3A_472 = arith.divsi %add3A_470, %jit3A_471 : i32
        %sign3A_473 = arith.constant 0 : i32
        %sign3A_474 = arith.cmpi sgt, %add3A_470, %sign3A_473 : i32
        %sign3A_475 = arith.extui %sign3A_474 : i1 to i32
        %sign3A_476 = arith.constant 0 : i32
        %sign3A_477 = arith.cmpi slt, %add3A_470, %sign3A_476 : i32
        %sign3A_478 = arith.extui %sign3A_477 : i1 to i32
        %sign3A_479 = arith.subi %sign3A_475, %sign3A_478 : i32
        %sign3A_480 = arith.constant 0 : i32
        %sign3A_481 = arith.cmpi sgt, %jit3A_471, %sign3A_480 : i32
        %sign3A_482 = arith.extui %sign3A_481 : i1 to i32
        %sign3A_483 = arith.constant 0 : i32
        %sign3A_484 = arith.cmpi slt, %jit3A_471, %sign3A_483 : i32
        %sign3A_485 = arith.extui %sign3A_484 : i1 to i32
        %sign3A_486 = arith.subi %sign3A_482, %sign3A_485 : i32
        %ne3A_487 = arith.cmpi ne, %sign3A_479, %sign3A_486 : i32
        %rem3A_488 = arith.remsi %add3A_470, %jit3A_471 : i32
        %ne3A_489 = arith.constant 0 : i32
        %ne3A_490 = arith.cmpi ne, %rem3A_488, %ne3A_489 : i32
        %and3A_491 = arith.andi %ne3A_487, %ne3A_490 : i1
        %sub3A_492 = arith.constant 1 : i32
        %sub3A_493 = arith.subi %div3A_472, %sub3A_492 : i32
        %select_n3A_494 = arith.select %and3A_491, %sub3A_493, %div3A_472 : i32
        %mul3A_495 = arith.constant 147456 : i32
        %mul3A_496 = arith.muli %select_n3A_494, %mul3A_495 : i32
        %scan3A_497 = arith.constant 0 : i32
        %scan3A_498 = arith.constant 0 : i32
        %scan3A_499 = arith.constant 8 : i32
        %scan3A_500 = arith.addi %scan3A_498, %scan3A_499 : i32
        %scan3A_501 = arith.constant 1 : i32
        scf.for %scan3A_515 = %scan3A_498 to %scan3A_500 step %scan3A_501  : i32 {
          %mul3A_516 = arith.constant 128 : i32
          %mul3A_517 = arith.muli %add3A_467, %mul3A_516 : i32
          %mul3A_518 = arith.constant 16 : i32
          %mul3A_519 = arith.muli %scan3A_515, %mul3A_518 : i32
          %add3A_520 = arith.addi %mul3A_517, %mul3A_519 : i32
          %get3A = arith.index_cast %add3A_520 : i32 to index
          %get3A_521 = tpu.vector_load %arg6[%get3A] {strides = array<i32>} : memref<9216xf32, #tpu.memory_space<vmem>>, vector<16xf32>,
          %mul3A_522 = arith.constant 128 : i32
          %mul3A_523 = arith.muli %add3A_467, %mul3A_522 : i32
          %mul3A_524 = arith.constant 16 : i32
          %mul3A_525 = arith.muli %scan3A_515, %mul3A_524 : i32
          %add3A_526 = arith.addi %mul3A_523, %mul3A_525 : i32
          %get3A_527 = arith.index_cast %add3A_526 : i32 to index
          %get3A_528 = tpu.vector_load %arg7[%get3A_527] {strides = array<i32>} : memref<9216xf32, #tpu.memory_space<vmem>>, vector<16xf32>,
          %add3A_529 = arith.constant 1.000000e+00 : f32
          %add3A_530 = vector.broadcast %add3A_529 : f32 to vector<16xf32>
          %add3A_531 = arith.addf %get3A_521, %add3A_530 : vector<16xf32>
          %mul3A_532 = arith.constant 1.920000e+02 : f32
          %mul3A_533 = vector.broadcast %mul3A_532 : f32 to vector<16xf32>
          %mul3A_534 = arith.mulf %add3A_531, %mul3A_533 : vector<16xf32>
          %sub3A_535 = arith.constant 5.000000e-01 : f32
          %sub3A_536 = vector.broadcast %sub3A_535 : f32 to vector<16xf32>
          %sub3A_537 = arith.subf %mul3A_534, %sub3A_536 : vector<16xf32>
          %add3A_538 = arith.constant 1.000000e+00 : f32
          %add3A_539 = vector.broadcast %add3A_538 : f32 to vector<16xf32>
          %add3A_540 = arith.addf %get3A_528, %add3A_539 : vector<16xf32>
          %mul3A_541 = arith.constant 1.920000e+02 : f32
          %mul3A_542 = vector.broadcast %mul3A_541 : f32 to vector<16xf32>
          %mul3A_543 = arith.mulf %add3A_540, %mul3A_542 : vector<16xf32>
          %sub3A_544 = arith.constant 5.000000e-01 : f32
          %sub3A_545 = vector.broadcast %sub3A_544 : f32 to vector<16xf32>
          %sub3A_546 = arith.subf %mul3A_543, %sub3A_545 : vector<16xf32>
          %convert_element_type3A_547 = arith.fptosi %sub3A_537 : vector<16xf32> to vector<16xi32>
          %convert_element_type3A_548 = arith.sitofp %convert_element_type3A_547 : vector<16xi32> to vector<16xf32>
          %gt3A_549 = arith.cmpf ogt, %convert_element_type3A_548, %sub3A_537 : vector<16xf32>
          %sub3A_550 = arith.constant 1 : i32
          %sub3A_551 = vector.broadcast %sub3A_550 : i32 to vector<16xi32>
          %sub3A_552 = arith.subi %convert_element_type3A_547, %sub3A_551 : vector<16xi32>
          %select_n3A_553 = arith.select %gt3A_549, %sub3A_552, %convert_element_type3A_547 : vector<16xi1>, vector<16xi32>
          %convert_element_type3A_554 = arith.fptosi %sub3A_546 : vector<16xf32> to vector<16xi32>
          %convert_element_type3A_555 = arith.sitofp %convert_element_type3A_554 : vector<16xi32> to vector<16xf32>
          %gt3A_556 = arith.cmpf ogt, %convert_element_type3A_555, %sub3A_546 : vector<16xf32>
          %sub3A_557 = arith.constant 1 : i32
          %sub3A_558 = vector.broadcast %sub3A_557 : i32 to vector<16xi32>
          %sub3A_559 = arith.subi %convert_element_type3A_554, %sub3A_558 : vector<16xi32>
          %select_n3A_560 = arith.select %gt3A_556, %sub3A_559, %convert_element_type3A_554 : vector<16xi1>, vector<16xi32>
          %convert_element_type3A_561 = arith.sitofp %select_n3A_553 : vector<16xi32> to vector<16xf32>
          %sub3A_562 = arith.subf %sub3A_537, %convert_element_type3A_561 : vector<16xf32>
          %sub3A_563 = arith.constant 1.000000e+00 : f32
          %sub3A_564 = vector.broadcast %sub3A_563 : f32 to vector<16xf32>
          %sub3A_565 = arith.subf %sub3A_564, %sub3A_562 : vector<16xf32>
          %convert_element_type3A_566 = arith.sitofp %select_n3A_560 : vector<16xi32> to vector<16xf32>
          %sub3A_567 = arith.subf %sub3A_546, %convert_element_type3A_566 : vector<16xf32>
          %sub3A_568 = arith.constant 1.000000e+00 : f32
          %sub3A_569 = vector.broadcast %sub3A_568 : f32 to vector<16xf32>
          %sub3A_570 = arith.subf %sub3A_569, %sub3A_567 : vector<16xf32>
          %add3A_571 = arith.constant 0 : i32
          %add3A_572 = vector.broadcast %add3A_571 : i32 to vector<16xi32>
          %add3A_573 = arith.addi %select_n3A_553, %add3A_572 : vector<16xi32>
          %add3A_574 = arith.constant 0 : i32
          %add3A_575 = vector.broadcast %add3A_574 : i32 to vector<16xi32>
          %add3A_576 = arith.addi %select_n3A_560, %add3A_575 : vector<16xi32>
          %ge3A = arith.constant 0 : i32
          %ge3A_577 = vector.broadcast %ge3A : i32 to vector<16xi32>
          %ge3A_578 = arith.cmpi sge, %add3A_573, %ge3A_577 : vector<16xi32>
          %le3A = arith.constant 383 : i32
          %le3A_579 = vector.broadcast %le3A : i32 to vector<16xi32>
          %le3A_580 = arith.cmpi sle, %add3A_573, %le3A_579 : vector<16xi32>
          %and3A_581 = arith.andi %ge3A_578, %le3A_580 : vector<16xi1>
          %ge3A_582 = arith.constant 0 : i32
          %ge3A_583 = vector.broadcast %ge3A_582 : i32 to vector<16xi32>
          %ge3A_584 = arith.cmpi sge, %add3A_576, %ge3A_583 : vector<16xi32>
          %and3A_585 = arith.andi %and3A_581, %ge3A_584 : vector<16xi1>
          %le3A_586 = arith.constant 383 : i32
          %le3A_587 = vector.broadcast %le3A_586 : i32 to vector<16xi32>
          %le3A_588 = arith.cmpi sle, %add3A_576, %le3A_587 : vector<16xi32>
          %and3A_589 = arith.andi %and3A_585, %le3A_588 : vector<16xi1>
          %min3A = arith.constant 383 : i32
          %min3A_590 = vector.broadcast %min3A : i32 to vector<16xi32>
          %min3A_591 = arith.minsi %add3A_573, %min3A_590 : vector<16xi32>
          %max3A = arith.constant 0 : i32
          %max3A_592 = vector.broadcast %max3A : i32 to vector<16xi32>
          %max3A_593 = arith.maxsi %min3A_591, %max3A_592 : vector<16xi32>
          %min3A_594 = arith.constant 383 : i32
          %min3A_595 = vector.broadcast %min3A_594 : i32 to vector<16xi32>
          %min3A_596 = arith.minsi %add3A_576, %min3A_595 : vector<16xi32>
          %max3A_597 = arith.constant 0 : i32
          %max3A_598 = vector.broadcast %max3A_597 : i32 to vector<16xi32>
          %max3A_599 = arith.maxsi %min3A_596, %max3A_598 : vector<16xi32>
          %mul3A_600 = arith.constant 384 : i32
          %mul3A_601 = vector.broadcast %mul3A_600 : i32 to vector<16xi32>
          %mul3A_602 = arith.muli %max3A_599, %mul3A_601 : vector<16xi32>
          %add3A_603 = vector.broadcast %mul3A_496 : i32 to vector<16xi32>
          %add3A_604 = arith.addi %add3A_603, %mul3A_602 : vector<16xi32>
          %add3A_605 = arith.addi %add3A_604, %max3A_593 : vector<16xi32>
          %mul3A_606 = arith.constant 16 : i32
          %mul3A_607 = arith.muli %scan3A_515, %mul3A_606 : i32
          %add3A_608 = arith.constant 0 : i32
          %add3A_609 = arith.addi %add3A_608, %mul3A_607 : i32
          %swap3A = arith.constant 0 : i32
          %swap3A_610 = arith.index_cast %swap3A : i32 to index
          %swap3A_611 = arith.index_cast %add3A_609 : i32 to index
          %swap3A_612 = tpu.vector_load %arg8[%swap3A_610, %swap3A_611] {strides = array<i32>} : memref<2x512xi32, #tpu.memory_space<vmem>>, vector<16xi32>,
          tpu.vector_store %arg8[%swap3A_610, %swap3A_611], %add3A_605 {strides = array<i32>} : memref<2x512xi32, #tpu.memory_space<vmem>>, vector<16xi32>,
          %mul3A_613 = arith.mulf %sub3A_570, %sub3A_565 : vector<16xf32>
          %jit3A_614 = arith.constant 0.000000e+00 : f32
          %broadcast_in_dim3A = vector.broadcast %jit3A_614 : f32 to vector<16xf32>
          %select_n3A_615 = arith.select %and3A_589, %mul3A_613, %broadcast_in_dim3A : vector<16xi1>, vector<16xf32>
          %mul3A_616 = arith.constant 16 : i32
          %mul3A_617 = arith.muli %scan3A_515, %mul3A_616 : i32
          %add3A_618 = arith.constant 0 : i32
          %add3A_619 = arith.addi %add3A_618, %mul3A_617 : i32
          %swap3A_620 = arith.constant 0 : i32
          %swap3A_621 = arith.index_cast %swap3A_620 : i32 to index
          %swap3A_622 = arith.index_cast %add3A_619 : i32 to index
          %swap3A_623 = tpu.vector_load %arg9[%swap3A_621, %swap3A_622] {strides = array<i32>} : memref<2x512xf32, #tpu.memory_space<vmem>>, vector<16xf32>,
          tpu.vector_store %arg9[%swap3A_621, %swap3A_622], %select_n3A_615 {strides = array<i32>} : memref<2x512xf32, #tpu.memory_space<vmem>>, vector<16xf32>,
          %add3A_624 = arith.constant 1 : i32
          %add3A_625 = vector.broadcast %add3A_624 : i32 to vector<16xi32>
          %add3A_626 = arith.addi %select_n3A_553, %add3A_625 : vector<16xi32>
          %add3A_627 = arith.constant 0 : i32
          %add3A_628 = vector.broadcast %add3A_627 : i32 to vector<16xi32>
          %add3A_629 = arith.addi %select_n3A_560, %add3A_628 : vector<16xi32>
          %ge3A_630 = arith.constant 0 : i32
          %ge3A_631 = vector.broadcast %ge3A_630 : i32 to vector<16xi32>
          %ge3A_632 = arith.cmpi sge, %add3A_626, %ge3A_631 : vector<16xi32>
          %le3A_633 = arith.constant 383 : i32
          %le3A_634 = vector.broadcast %le3A_633 : i32 to vector<16xi32>
          %le3A_635 = arith.cmpi sle, %add3A_626, %le3A_634 : vector<16xi32>
          %and3A_636 = arith.andi %ge3A_632, %le3A_635 : vector<16xi1>
          %ge3A_637 = arith.constant 0 : i32
          %ge3A_638 = vector.broadcast %ge3A_637 : i32 to vector<16xi32>
          %ge3A_639 = arith.cmpi sge, %add3A_629, %ge3A_638 : vector<16xi32>
          %and3A_640 = arith.andi %and3A_636, %ge3A_639 : vector<16xi1>
          %le3A_641 = arith.constant 383 : i32
          %le3A_642 = vector.broadcast %le3A_641 : i32 to vector<16xi32>
          %le3A_643 = arith.cmpi sle, %add3A_629, %le3A_642 : vector<16xi32>
          %and3A_644 = arith.andi %and3A_640, %le3A_643 : vector<16xi1>
          %min3A_645 = arith.constant 383 : i32
          %min3A_646 = vector.broadcast %min3A_645 : i32 to vector<16xi32>
          %min3A_647 = arith.minsi %add3A_626, %min3A_646 : vector<16xi32>
          %max3A_648 = arith.constant 0 : i32
          %max3A_649 = vector.broadcast %max3A_648 : i32 to vector<16xi32>
          %max3A_650 = arith.maxsi %min3A_647, %max3A_649 : vector<16xi32>
          %min3A_651 = arith.constant 383 : i32
          %min3A_652 = vector.broadcast %min3A_651 : i32 to vector<16xi32>
          %min3A_653 = arith.minsi %add3A_629, %min3A_652 : vector<16xi32>
          %max3A_654 = arith.constant 0 : i32
          %max3A_655 = vector.broadcast %max3A_654 : i32 to vector<16xi32>
          %max3A_656 = arith.maxsi %min3A_653, %max3A_655 : vector<16xi32>
          %mul3A_657 = arith.constant 384 : i32
          %mul3A_658 = vector.broadcast %mul3A_657 : i32 to vector<16xi32>
          %mul3A_659 = arith.muli %max3A_656, %mul3A_658 : vector<16xi32>
          %add3A_660 = vector.broadcast %mul3A_496 : i32 to vector<16xi32>
          %add3A_661 = arith.addi %add3A_660, %mul3A_659 : vector<16xi32>
          %add3A_662 = arith.addi %add3A_661, %max3A_650 : vector<16xi32>
          %mul3A_663 = arith.constant 16 : i32
          %mul3A_664 = arith.muli %scan3A_515, %mul3A_663 : i32
          %add3A_665 = arith.constant 128 : i32
          %add3A_666 = arith.addi %add3A_665, %mul3A_664 : i32
          %swap3A_667 = arith.constant 0 : i32
          %swap3A_668 = arith.index_cast %swap3A_667 : i32 to index
          %swap3A_669 = arith.index_cast %add3A_666 : i32 to index
          %swap3A_670 = tpu.vector_load %arg8[%swap3A_668, %swap3A_669] {strides = array<i32>} : memref<2x512xi32, #tpu.memory_space<vmem>>, vector<16xi32>,
          tpu.vector_store %arg8[%swap3A_668, %swap3A_669], %add3A_662 {strides = array<i32>} : memref<2x512xi32, #tpu.memory_space<vmem>>, vector<16xi32>,
          %mul3A_671 = arith.mulf %sub3A_570, %sub3A_562 : vector<16xf32>
          %jit3A_672 = arith.constant 0.000000e+00 : f32
          %broadcast_in_dim3A_673 = vector.broadcast %jit3A_672 : f32 to vector<16xf32>
          %select_n3A_674 = arith.select %and3A_644, %mul3A_671, %broadcast_in_dim3A_673 : vector<16xi1>, vector<16xf32>
          %mul3A_675 = arith.constant 16 : i32
          %mul3A_676 = arith.muli %scan3A_515, %mul3A_675 : i32
          %add3A_677 = arith.constant 128 : i32
          %add3A_678 = arith.addi %add3A_677, %mul3A_676 : i32
          %swap3A_679 = arith.constant 0 : i32
          %swap3A_680 = arith.index_cast %swap3A_679 : i32 to index
          %swap3A_681 = arith.index_cast %add3A_678 : i32 to index
          %swap3A_682 = tpu.vector_load %arg9[%swap3A_680, %swap3A_681] {strides = array<i32>} : memref<2x512xf32, #tpu.memory_space<vmem>>, vector<16xf32>,
          tpu.vector_store %arg9[%swap3A_680, %swap3A_681], %select_n3A_674 {strides = array<i32>} : memref<2x512xf32, #tpu.memory_space<vmem>>, vector<16xf32>,
          %add3A_683 = arith.constant 0 : i32
          %add3A_684 = vector.broadcast %add3A_683 : i32 to vector<16xi32>
          %add3A_685 = arith.addi %select_n3A_553, %add3A_684 : vector<16xi32>
          %add3A_686 = arith.constant 1 : i32
          %add3A_687 = vector.broadcast %add3A_686 : i32 to vector<16xi32>
          %add3A_688 = arith.addi %select_n3A_560, %add3A_687 : vector<16xi32>
          %ge3A_689 = arith.constant 0 : i32
          %ge3A_690 = vector.broadcast %ge3A_689 : i32 to vector<16xi32>
          %ge3A_691 = arith.cmpi sge, %add3A_685, %ge3A_690 : vector<16xi32>
          %le3A_692 = arith.constant 383 : i32
          %le3A_693 = vector.broadcast %le3A_692 : i32 to vector<16xi32>
          %le3A_694 = arith.cmpi sle, %add3A_685, %le3A_693 : vector<16xi32>
          %and3A_695 = arith.andi %ge3A_691, %le3A_694 : vector<16xi1>
          %ge3A_696 = arith.constant 0 : i32
          %ge3A_697 = vector.broadcast %ge3A_696 : i32 to vector<16xi32>
          %ge3A_698 = arith.cmpi sge, %add3A_688, %ge3A_697 : vector<16xi32>
          %and3A_699 = arith.andi %and3A_695, %ge3A_698 : vector<16xi1>
          %le3A_700 = arith.constant 383 : i32
          %le3A_701 = vector.broadcast %le3A_700 : i32 to vector<16xi32>
          %le3A_702 = arith.cmpi sle, %add3A_688, %le3A_701 : vector<16xi32>
          %and3A_703 = arith.andi %and3A_699, %le3A_702 : vector<16xi1>
          %min3A_704 = arith.constant 383 : i32
          %min3A_705 = vector.broadcast %min3A_704 : i32 to vector<16xi32>
          %min3A_706 = arith.minsi %add3A_685, %min3A_705 : vector<16xi32>
          %max3A_707 = arith.constant 0 : i32
          %max3A_708 = vector.broadcast %max3A_707 : i32 to vector<16xi32>
          %max3A_709 = arith.maxsi %min3A_706, %max3A_708 : vector<16xi32>
          %min3A_710 = arith.constant 383 : i32
          %min3A_711 = vector.broadcast %min3A_710 : i32 to vector<16xi32>
          %min3A_712 = arith.minsi %add3A_688, %min3A_711 : vector<16xi32>
          %max3A_713 = arith.constant 0 : i32
          %max3A_714 = vector.broadcast %max3A_713 : i32 to vector<16xi32>
          %max3A_715 = arith.maxsi %min3A_712, %max3A_714 : vector<16xi32>
          %mul3A_716 = arith.constant 384 : i32
          %mul3A_717 = vector.broadcast %mul3A_716 : i32 to vector<16xi32>
          %mul3A_718 = arith.muli %max3A_715, %mul3A_717 : vector<16xi32>
          %add3A_719 = vector.broadcast %mul3A_496 : i32 to vector<16xi32>
          %add3A_720 = arith.addi %add3A_719, %mul3A_718 : vector<16xi32>
          %add3A_721 = arith.addi %add3A_720, %max3A_709 : vector<16xi32>
          %mul3A_722 = arith.constant 16 : i32
          %mul3A_723 = arith.muli %scan3A_515, %mul3A_722 : i32
          %add3A_724 = arith.constant 256 : i32
          %add3A_725 = arith.addi %add3A_724, %mul3A_723 : i32
          %swap3A_726 = arith.constant 0 : i32
          %swap3A_727 = arith.index_cast %swap3A_726 : i32 to index
          %swap3A_728 = arith.index_cast %add3A_725 : i32 to index
          %swap3A_729 = tpu.vector_load %arg8[%swap3A_727, %swap3A_728] {strides = array<i32>} : memref<2x512xi32, #tpu.memory_space<vmem>>, vector<16xi32>,
          tpu.vector_store %arg8[%swap3A_727, %swap3A_728], %add3A_721 {strides = array<i32>} : memref<2x512xi32, #tpu.memory_space<vmem>>, vector<16xi32>,
          %mul3A_730 = arith.mulf %sub3A_567, %sub3A_565 : vector<16xf32>
          %jit3A_731 = arith.constant 0.000000e+00 : f32
          %broadcast_in_dim3A_732 = vector.broadcast %jit3A_731 : f32 to vector<16xf32>
          %select_n3A_733 = arith.select %and3A_703, %mul3A_730, %broadcast_in_dim3A_732 : vector<16xi1>, vector<16xf32>
          %mul3A_734 = arith.constant 16 : i32
          %mul3A_735 = arith.muli %scan3A_515, %mul3A_734 : i32
          %add3A_736 = arith.constant 256 : i32
          %add3A_737 = arith.addi %add3A_736, %mul3A_735 : i32
          %swap3A_738 = arith.constant 0 : i32
          %swap3A_739 = arith.index_cast %swap3A_738 : i32 to index
          %swap3A_740 = arith.index_cast %add3A_737 : i32 to index
          %swap3A_741 = tpu.vector_load %arg9[%swap3A_739, %swap3A_740] {strides = array<i32>} : memref<2x512xf32, #tpu.memory_space<vmem>>, vector<16xf32>,
          tpu.vector_store %arg9[%swap3A_739, %swap3A_740], %select_n3A_733 {strides = array<i32>} : memref<2x512xf32, #tpu.memory_space<vmem>>, vector<16xf32>,
          %add3A_742 = arith.constant 1 : i32
          %add3A_743 = vector.broadcast %add3A_742 : i32 to vector<16xi32>
          %add3A_744 = arith.addi %select_n3A_553, %add3A_743 : vector<16xi32>
          %add3A_745 = arith.constant 1 : i32
          %add3A_746 = vector.broadcast %add3A_745 : i32 to vector<16xi32>
          %add3A_747 = arith.addi %select_n3A_560, %add3A_746 : vector<16xi32>
          %ge3A_748 = arith.constant 0 : i32
          %ge3A_749 = vector.broadcast %ge3A_748 : i32 to vector<16xi32>
          %ge3A_750 = arith.cmpi sge, %add3A_744, %ge3A_749 : vector<16xi32>
          %le3A_751 = arith.constant 383 : i32
          %le3A_752 = vector.broadcast %le3A_751 : i32 to vector<16xi32>
          %le3A_753 = arith.cmpi sle, %add3A_744, %le3A_752 : vector<16xi32>
          %and3A_754 = arith.andi %ge3A_750, %le3A_753 : vector<16xi1>
          %ge3A_755 = arith.constant 0 : i32
          %ge3A_756 = vector.broadcast %ge3A_755 : i32 to vector<16xi32>
          %ge3A_757 = arith.cmpi sge, %add3A_747, %ge3A_756 : vector<16xi32>
          %and3A_758 = arith.andi %and3A_754, %ge3A_757 : vector<16xi1>
          %le3A_759 = arith.constant 383 : i32
          %le3A_760 = vector.broadcast %le3A_759 : i32 to vector<16xi32>
          %le3A_761 = arith.cmpi sle, %add3A_747, %le3A_760 : vector<16xi32>
          %and3A_762 = arith.andi %and3A_758, %le3A_761 : vector<16xi1>
          %min3A_763 = arith.constant 383 : i32
          %min3A_764 = vector.broadcast %min3A_763 : i32 to vector<16xi32>
          %min3A_765 = arith.minsi %add3A_744, %min3A_764 : vector<16xi32>
          %max3A_766 = arith.constant 0 : i32
          %max3A_767 = vector.broadcast %max3A_766 : i32 to vector<16xi32>
          %max3A_768 = arith.maxsi %min3A_765, %max3A_767 : vector<16xi32>
          %min3A_769 = arith.constant 383 : i32
          %min3A_770 = vector.broadcast %min3A_769 : i32 to vector<16xi32>
          %min3A_771 = arith.minsi %add3A_747, %min3A_770 : vector<16xi32>
          %max3A_772 = arith.constant 0 : i32
          %max3A_773 = vector.broadcast %max3A_772 : i32 to vector<16xi32>
          %max3A_774 = arith.maxsi %min3A_771, %max3A_773 : vector<16xi32>
          %mul3A_775 = arith.constant 384 : i32
          %mul3A_776 = vector.broadcast %mul3A_775 : i32 to vector<16xi32>
          %mul3A_777 = arith.muli %max3A_774, %mul3A_776 : vector<16xi32>
          %add3A_778 = vector.broadcast %mul3A_496 : i32 to vector<16xi32>
          %add3A_779 = arith.addi %add3A_778, %mul3A_777 : vector<16xi32>
          %add3A_780 = arith.addi %add3A_779, %max3A_768 : vector<16xi32>
          %mul3A_781 = arith.constant 16 : i32
          %mul3A_782 = arith.muli %scan3A_515, %mul3A_781 : i32
          %add3A_783 = arith.constant 384 : i32
          %add3A_784 = arith.addi %add3A_783, %mul3A_782 : i32
          %swap3A_785 = arith.constant 0 : i32
          %swap3A_786 = arith.index_cast %swap3A_785 : i32 to index
          %swap3A_787 = arith.index_cast %add3A_784 : i32 to index
          %swap3A_788 = tpu.vector_load %arg8[%swap3A_786, %swap3A_787] {strides = array<i32>} : memref<2x512xi32, #tpu.memory_space<vmem>>, vector<16xi32>,
          tpu.vector_store %arg8[%swap3A_786, %swap3A_787], %add3A_780 {strides = array<i32>} : memref<2x512xi32, #tpu.memory_space<vmem>>, vector<16xi32>,
          %mul3A_789 = arith.mulf %sub3A_567, %sub3A_562 : vector<16xf32>
          %jit3A_790 = arith.constant 0.000000e+00 : f32
          %broadcast_in_dim3A_791 = vector.broadcast %jit3A_790 : f32 to vector<16xf32>
          %select_n3A_792 = arith.select %and3A_762, %mul3A_789, %broadcast_in_dim3A_791 : vector<16xi1>, vector<16xf32>
          %mul3A_793 = arith.constant 16 : i32
          %mul3A_794 = arith.muli %scan3A_515, %mul3A_793 : i32
          %add3A_795 = arith.constant 384 : i32
          %add3A_796 = arith.addi %add3A_795, %mul3A_794 : i32
          %swap3A_797 = arith.constant 0 : i32
          %swap3A_798 = arith.index_cast %swap3A_797 : i32 to index
          %swap3A_799 = arith.index_cast %add3A_796 : i32 to index
          %swap3A_800 = tpu.vector_load %arg9[%swap3A_798, %swap3A_799] {strides = array<i32>} : memref<2x512xf32, #tpu.memory_space<vmem>>, vector<16xf32>,
          tpu.vector_store %arg9[%swap3A_798, %swap3A_799], %select_n3A_792 {strides = array<i32>} : memref<2x512xf32, #tpu.memory_space<vmem>>, vector<16xf32>,
        }
        %scan3A_502 = arith.constant 8 : i32
        %dma_start3A_503 = arith.constant 0 : i32
        %dma_start3A_504 = arith.constant 0 : i32
        %dma_start3A_505 = arith.constant 0 : i32
        %dma_start3A_506 = arith.constant 0 : i32
        %dma_start3A_507 = tpu.memref_slice %arg10[%dma_start3A_504, %dma_start3A_505, %dma_start3A_506] : memref<2x512x96xbf16, #tpu.memory_space<vmem>> -> memref<1x512x96xbf16, #tpu.memory_space<vmem>>
        %dma_start3A_508 = tpu.memref_squeeze %dma_start3A_507 : memref<1x512x96xbf16, #tpu.memory_space<vmem>> -> memref<512x96xbf16, #tpu.memory_space<vmem>>
        %dma_start3A_509 = arith.constant 0 : i32
        %dma_start3A_510 = tpu.memref_slice %arg8[%dma_start3A_503, %dma_start3A_509] : memref<2x512xi32, #tpu.memory_space<vmem>> -> memref<1x512xi32, #tpu.memory_space<vmem>>
        %dma_start3A_511 = tpu.memref_squeeze %dma_start3A_510 : memref<1x512xi32, #tpu.memory_space<vmem>> -> memref<512xi32, #tpu.memory_space<vmem>>
        %dma_start3A_512 = arith.constant 0 : i32
        %dma_start3A_513 = arith.constant 0 : i32
        %dma_start3A_514 = tpu.memref_slice %arg4[%dma_start3A_512, %dma_start3A_513] : memref<294912x96xbf16, #tpu.memory_space<hbm>> -> memref<294912x96xbf16, #tpu.memory_space<hbm>>
        tpu.enqueue_indirect_dma source(%dma_start3A_514 : memref<294912x96xbf16, #tpu.memory_space<hbm>>) target(%dma_start3A_508 : memref<512x96xbf16, #tpu.memory_space<vmem>>) offsets(%dma_start3A_511 : memref<512xi32, #tpu.memory_space<vmem>>) semaphore(%arg12 : memref<!tpu.dma_semaphore, #tpu.memory_space<semaphore_mem>>)
      } else {
      }
      %add3A_362 = arith.constant 1 : i32
      %add3A_363 = arith.addi %mul3A_261, %add3A_362 : i32
      %dma_wait3A_364 = arith.constant 1 : i32
      %dma_wait3A_365 = arith.constant 1 : i32
      %dma_wait3A_366 = arith.constant 0 : i32
      %dma_wait3A_367 = arith.constant 0 : i32
      %dma_wait3A_368 = tpu.memref_slice %arg10[%dma_wait3A_365, %dma_wait3A_366, %dma_wait3A_367] : memref<2x512x96xbf16, #tpu.memory_space<vmem>> -> memref<1x512x96xbf16, #tpu.memory_space<vmem>>
      %dma_wait3A_369 = tpu.memref_squeeze %dma_wait3A_368 : memref<1x512x96xbf16, #tpu.memory_space<vmem>> -> memref<512x96xbf16, #tpu.memory_space<vmem>>
      %dma_wait3A_370 = arith.constant 0 : i32
      %dma_wait3A_371 = tpu.memref_slice %arg8[%dma_wait3A_364, %dma_wait3A_370] : memref<2x512xi32, #tpu.memory_space<vmem>> -> memref<1x512xi32, #tpu.memory_space<vmem>>
      %dma_wait3A_372 = tpu.memref_squeeze %dma_wait3A_371 : memref<1x512xi32, #tpu.memory_space<vmem>> -> memref<512xi32, #tpu.memory_space<vmem>>
      %dma_wait3A_373 = arith.constant 0 : i32
      %dma_wait3A_374 = arith.constant 0 : i32
      %dma_wait3A_375 = tpu.memref_slice %arg4[%dma_wait3A_373, %dma_wait3A_374] : memref<294912x96xbf16, #tpu.memory_space<hbm>> -> memref<294912x96xbf16, #tpu.memory_space<hbm>>
      tpu.wait_indirect_dma semaphore(%arg13 : memref<!tpu.dma_semaphore, #tpu.memory_space<semaphore_mem>>) src(%dma_wait3A_375 : memref<294912x96xbf16, #tpu.memory_space<hbm>>) dst(%dma_wait3A_369 : memref<512x96xbf16, #tpu.memory_space<vmem>>)
      %gt3A_376 = arith.constant 0 : i32
      %gt3A_377 = arith.cmpi sgt, %scan3A_259, %gt3A_376 : i32
      %convert_element_type3A_378 = arith.extui %gt3A_377 : i1 to i32
      %cond3A_379 = arith.constant 0 : i32
      %cond3A_380 = arith.cmpi ne, %convert_element_type3A_378, %cond3A_379 : i32
      scf.if %cond3A_380 {
        %sub3A_466 = arith.constant 2 : i32
        %sub3A_467 = arith.subi %add3A_363, %sub3A_466 : i32
        %mul3A_468 = arith.constant 128 : i32
        %mul3A_469 = arith.muli %sub3A_467, %mul3A_468 : i32
        %add3A_470 = arith.addi %mul3A_2, %mul3A_469 : i32
        %jit3A_471 = arith.constant 147456 : i32
        %div3A_472 = arith.divsi %add3A_470, %jit3A_471 : i32
        %sign3A_473 = arith.constant 0 : i32
        %sign3A_474 = arith.cmpi sgt, %add3A_470, %sign3A_473 : i32
        %sign3A_475 = arith.extui %sign3A_474 : i1 to i32
        %sign3A_476 = arith.constant 0 : i32
        %sign3A_477 = arith.cmpi slt, %add3A_470, %sign3A_476 : i32
        %sign3A_478 = arith.extui %sign3A_477 : i1 to i32
        %sign3A_479 = arith.subi %sign3A_475, %sign3A_478 : i32
        %sign3A_480 = arith.constant 0 : i32
        %sign3A_481 = arith.cmpi sgt, %jit3A_471, %sign3A_480 : i32
        %sign3A_482 = arith.extui %sign3A_481 : i1 to i32
        %sign3A_483 = arith.constant 0 : i32
        %sign3A_484 = arith.cmpi slt, %jit3A_471, %sign3A_483 : i32
        %sign3A_485 = arith.extui %sign3A_484 : i1 to i32
        %sign3A_486 = arith.subi %sign3A_482, %sign3A_485 : i32
        %ne3A_487 = arith.cmpi ne, %sign3A_479, %sign3A_486 : i32
        %rem3A_488 = arith.remsi %add3A_470, %jit3A_471 : i32
        %ne3A_489 = arith.constant 0 : i32
        %ne3A_490 = arith.cmpi ne, %rem3A_488, %ne3A_489 : i32
        %and3A_491 = arith.andi %ne3A_487, %ne3A_490 : i1
        %sub3A_492 = arith.constant 1 : i32
        %sub3A_493 = arith.subi %div3A_472, %sub3A_492 : i32
        %select_n3A_494 = arith.select %and3A_491, %sub3A_493, %div3A_472 : i32
        %mul3A_495 = arith.constant 147456 : i32
        %mul3A_496 = arith.muli %select_n3A_494, %mul3A_495 : i32
        %sub3A_497 = arith.subi %add3A_470, %mul3A_496 : i32
        %jit3A_498 = arith.constant 384 : i32
        %div3A_499 = arith.divsi %sub3A_497, %jit3A_498 : i32
        %sign3A_500 = arith.constant 0 : i32
        %sign3A_501 = arith.cmpi sgt, %sub3A_497, %sign3A_500 : i32
        %sign3A_502 = arith.extui %sign3A_501 : i1 to i32
        %sign3A_503 = arith.constant 0 : i32
        %sign3A_504 = arith.cmpi slt, %sub3A_497, %sign3A_503 : i32
        %sign3A_505 = arith.extui %sign3A_504 : i1 to i32
        %sign3A_506 = arith.subi %sign3A_502, %sign3A_505 : i32
        %sign3A_507 = arith.constant 0 : i32
        %sign3A_508 = arith.cmpi sgt, %jit3A_498, %sign3A_507 : i32
        %sign3A_509 = arith.extui %sign3A_508 : i1 to i32
        %sign3A_510 = arith.constant 0 : i32
        %sign3A_511 = arith.cmpi slt, %jit3A_498, %sign3A_510 : i32
        %sign3A_512 = arith.extui %sign3A_511 : i1 to i32
        %sign3A_513 = arith.subi %sign3A_509, %sign3A_512 : i32
        %ne3A_514 = arith.cmpi ne, %sign3A_506, %sign3A_513 : i32
        %rem3A_515 = arith.remsi %sub3A_497, %jit3A_498 : i32
        %ne3A_516 = arith.constant 0 : i32
        %ne3A_517 = arith.cmpi ne, %rem3A_515, %ne3A_516 : i32
        %and3A_518 = arith.andi %ne3A_514, %ne3A_517 : i1
        %sub3A_519 = arith.constant 1 : i32
        %sub3A_520 = arith.subi %div3A_499, %sub3A_519 : i32
        %select_n3A_521 = arith.select %and3A_518, %sub3A_520, %div3A_499 : i32
        %mul3A_522 = arith.constant 384 : i32
        %mul3A_523 = arith.muli %select_n3A_521, %mul3A_522 : i32
        %sub3A_524 = arith.subi %sub3A_497, %mul3A_523 : i32
        %dma_wait3A_525 = arith.constant 1 : i32
        %dma_wait3A_526 = arith.constant 0 : i32
        %dma_wait3A_527 = arith.constant 0 : i32
        %dma_wait3A_528 = tpu.memref_slice %arg11[%dma_wait3A_525, %dma_wait3A_526, %dma_wait3A_527] : memref<2x96x129xf32, #tpu.memory_space<vmem>> -> memref<1x96x128xf32, #tpu.memory_space<vmem>>
        %dma_wait3A_529 = tpu.memref_squeeze %dma_wait3A_528 : memref<1x96x128xf32, #tpu.memory_space<vmem>> -> memref<96x128xf32, #tpu.memory_space<vmem>>
        %dma_wait3A_530 = arith.constant 0 : i32
        %dma_wait3A_531 = tpu.memref_slice %arg5[%select_n3A_494, %dma_wait3A_530, %select_n3A_521, %sub3A_524] : memref<2x96x384x384xf32, #tpu.memory_space<hbm>> -> memref<1x96x1x128xf32, #tpu.memory_space<hbm>>
        %dma_wait3A_532 = tpu.memref_squeeze %dma_wait3A_531 : memref<1x96x1x128xf32, #tpu.memory_space<hbm>> -> memref<96x128xf32, #tpu.memory_space<hbm>>
        %dma_wait3A_533 = arith.constant 0 : i32
        %dma_wait3A_534 = tpu.memref_slice %arg5[%select_n3A_494, %dma_wait3A_533, %select_n3A_521, %sub3A_524] : memref<2x96x384x384xf32, #tpu.memory_space<hbm>> -> memref<1x96x1x128xf32, #tpu.memory_space<hbm>>
        %dma_wait3A_535 = tpu.memref_squeeze %dma_wait3A_534 : memref<1x96x1x128xf32, #tpu.memory_space<hbm>> -> memref<96x128xf32, #tpu.memory_space<hbm>>
        %dma_wait3A_536 = arith.constant 0 : i32
        %dma_wait3A_537 = arith.constant 0 : i32
        %dma_wait3A_538 = tpu.memref_slice %arg11[%dma_wait3A_525, %dma_wait3A_536, %dma_wait3A_537] : memref<2x96x129xf32, #tpu.memory_space<vmem>> -> memref<1x96x128xf32, #tpu.memory_space<vmem>>
        %dma_wait3A_539 = tpu.memref_squeeze %dma_wait3A_538 : memref<1x96x128xf32, #tpu.memory_space<vmem>> -> memref<96x128xf32, #tpu.memory_space<vmem>>
        tpu.wait_dma2 semaphore(%arg15 : memref<!tpu.dma_semaphore, #tpu.memory_space<semaphore_mem>>) src(%dma_wait3A_539 : memref<96x128xf32, #tpu.memory_space<vmem>>) dst(%dma_wait3A_535 : memref<96x128xf32, #tpu.memory_space<hbm>>)
      } else {
      }
      %scan3A_381 = arith.constant 0 : i32
      %scan3A_382 = arith.constant 0 : i32
      %scan3A_383 = arith.constant 128 : i32
      %scan3A_384 = arith.addi %scan3A_382, %scan3A_383 : i32
      %scan3A_385 = arith.constant 1 : i32
      scf.for %scan3A_466 = %scan3A_382 to %scan3A_384 step %scan3A_385  : i32 {
        %broadcast_in_dim3A = vector.broadcast %scan3A_466 : i32 to vector<16xi32>
        %add3A_467 = arith.constant 0 : i32
        %add3A_468 = vector.broadcast %add3A_467 : i32 to vector<16xi32>
        %add3A_469 = arith.addi %broadcast_in_dim3A, %add3A_468 : vector<16xi32>
        %gather3A = arith.constant 1 : i32
        %gather3A_470 = arith.constant 0 : i32
        %gather3A_471 = tpu.memref_slice %arg9[%gather3A, %gather3A_470] : memref<2x512xf32, #tpu.memory_space<vmem>> -> memref<1x512xf32, #tpu.memory_space<vmem>>
        %gather3A_472 = tpu.memref_squeeze %gather3A_471 : memref<1x512xf32, #tpu.memory_space<vmem>> -> memref<512xf32, #tpu.memory_space<vmem>>
        %gather3A_473 = tpu.vector_load_idx %gather3A_472[%add3A_469] : memref<512xf32, #tpu.memory_space<vmem>>[vector<16xi32>], vector<16xf32>,
        %add3A_474 = arith.constant 128 : i32
        %add3A_475 = vector.broadcast %add3A_474 : i32 to vector<16xi32>
        %add3A_476 = arith.addi %broadcast_in_dim3A, %add3A_475 : vector<16xi32>
        %gather3A_477 = arith.constant 1 : i32
        %gather3A_478 = arith.constant 0 : i32
        %gather3A_479 = tpu.memref_slice %arg9[%gather3A_477, %gather3A_478] : memref<2x512xf32, #tpu.memory_space<vmem>> -> memref<1x512xf32, #tpu.memory_space<vmem>>
        %gather3A_480 = tpu.memref_squeeze %gather3A_479 : memref<1x512xf32, #tpu.memory_space<vmem>> -> memref<512xf32, #tpu.memory_space<vmem>>
        %gather3A_481 = tpu.vector_load_idx %gather3A_480[%add3A_476] : memref<512xf32, #tpu.memory_space<vmem>>[vector<16xi32>], vector<16xf32>,
        %add3A_482 = arith.constant 256 : i32
        %add3A_483 = vector.broadcast %add3A_482 : i32 to vector<16xi32>
        %add3A_484 = arith.addi %broadcast_in_dim3A, %add3A_483 : vector<16xi32>
        %gather3A_485 = arith.constant 1 : i32
        %gather3A_486 = arith.constant 0 : i32
        %gather3A_487 = tpu.memref_slice %arg9[%gather3A_485, %gather3A_486] : memref<2x512xf32, #tpu.memory_space<vmem>> -> memref<1x512xf32, #tpu.memory_space<vmem>>
        %gather3A_488 = tpu.memref_squeeze %gather3A_487 : memref<1x512xf32, #tpu.memory_space<vmem>> -> memref<512xf32, #tpu.memory_space<vmem>>
        %gather3A_489 = tpu.vector_load_idx %gather3A_488[%add3A_484] : memref<512xf32, #tpu.memory_space<vmem>>[vector<16xi32>], vector<16xf32>,
        %add3A_490 = arith.constant 384 : i32
        %add3A_491 = vector.broadcast %add3A_490 : i32 to vector<16xi32>
        %add3A_492 = arith.addi %broadcast_in_dim3A, %add3A_491 : vector<16xi32>
        %gather3A_493 = arith.constant 1 : i32
        %gather3A_494 = arith.constant 0 : i32
        %gather3A_495 = tpu.memref_slice %arg9[%gather3A_493, %gather3A_494] : memref<2x512xf32, #tpu.memory_space<vmem>> -> memref<1x512xf32, #tpu.memory_space<vmem>>
        %gather3A_496 = tpu.memref_squeeze %gather3A_495 : memref<1x512xf32, #tpu.memory_space<vmem>> -> memref<512xf32, #tpu.memory_space<vmem>>
        %gather3A_497 = tpu.vector_load_idx %gather3A_496[%add3A_492] : memref<512xf32, #tpu.memory_space<vmem>>[vector<16xi32>], vector<16xf32>,
        %add3A_498 = arith.constant 0 : i32
        %add3A_499 = arith.addi %add3A_498, %scan3A_466 : i32
        %get3A = arith.constant 1 : i32
        %get3A_500 = arith.index_cast %get3A : i32 to index
        %get3A_501 = arith.index_cast %add3A_499 : i32 to index
        %get3A_502 = arith.constant 0 : index
        %get3A_503 = tpu.vector_load %arg10[%get3A_500, %get3A_501, %get3A_502] {strides = array<i32>} : memref<2x512x96xbf16, #tpu.memory_space<vmem>>, vector<32xbf16>,
        %unpack3A = tpu.unpack_subelements %get3A_503, 0 {pack_format = #tpu.pack_format<interleaved>} : vector<32xbf16> -> vector<16xf32>
        %unpack3A_504 = tpu.unpack_subelements %get3A_503, 1 {pack_format = #tpu.pack_format<interleaved>} : vector<32xbf16> -> vector<16xf32>
        %mul3A_505 = arith.mulf %gather3A_473, %unpack3A : vector<16xf32>
        %mul3A_506 = arith.mulf %gather3A_473, %unpack3A_504 : vector<16xf32>
        %add3A_507 = arith.constant 128 : i32
        %add3A_508 = arith.addi %add3A_507, %scan3A_466 : i32
        %get3A_509 = arith.constant 1 : i32
        %get3A_510 = arith.index_cast %get3A_509 : i32 to index
        %get3A_511 = arith.index_cast %add3A_508 : i32 to index
        %get3A_512 = arith.constant 0 : index
        %get3A_513 = tpu.vector_load %arg10[%get3A_510, %get3A_511, %get3A_512] {strides = array<i32>} : memref<2x512x96xbf16, #tpu.memory_space<vmem>>, vector<32xbf16>,
        %unpack3A_514 = tpu.unpack_subelements %get3A_513, 0 {pack_format = #tpu.pack_format<interleaved>} : vector<32xbf16> -> vector<16xf32>
        %unpack3A_515 = tpu.unpack_subelements %get3A_513, 1 {pack_format = #tpu.pack_format<interleaved>} : vector<32xbf16> -> vector<16xf32>
        %mul3A_516 = arith.mulf %gather3A_481, %unpack3A_514 : vector<16xf32>
        %mul3A_517 = arith.mulf %gather3A_481, %unpack3A_515 : vector<16xf32>
        %add3A_518 = arith.addf %mul3A_505, %mul3A_516 : vector<16xf32>
        %add3A_519 = arith.addf %mul3A_506, %mul3A_517 : vector<16xf32>
        %add3A_520 = arith.constant 256 : i32
        %add3A_521 = arith.addi %add3A_520, %scan3A_466 : i32
        %get3A_522 = arith.constant 1 : i32
        %get3A_523 = arith.index_cast %get3A_522 : i32 to index
        %get3A_524 = arith.index_cast %add3A_521 : i32 to index
        %get3A_525 = arith.constant 0 : index
        %get3A_526 = tpu.vector_load %arg10[%get3A_523, %get3A_524, %get3A_525] {strides = array<i32>} : memref<2x512x96xbf16, #tpu.memory_space<vmem>>, vector<32xbf16>,
        %unpack3A_527 = tpu.unpack_subelements %get3A_526, 0 {pack_format = #tpu.pack_format<interleaved>} : vector<32xbf16> -> vector<16xf32>
        %unpack3A_528 = tpu.unpack_subelements %get3A_526, 1 {pack_format = #tpu.pack_format<interleaved>} : vector<32xbf16> -> vector<16xf32>
        %mul3A_529 = arith.mulf %gather3A_489, %unpack3A_527 : vector<16xf32>
        %mul3A_530 = arith.mulf %gather3A_489, %unpack3A_528 : vector<16xf32>
        %add3A_531 = arith.addf %add3A_518, %mul3A_529 : vector<16xf32>
        %add3A_532 = arith.addf %add3A_519, %mul3A_530 : vector<16xf32>
        %add3A_533 = arith.constant 384 : i32
        %add3A_534 = arith.addi %add3A_533, %scan3A_466 : i32
        %get3A_535 = arith.constant 1 : i32
        %get3A_536 = arith.index_cast %get3A_535 : i32 to index
        %get3A_537 = arith.index_cast %add3A_534 : i32 to index
        %get3A_538 = arith.constant 0 : index
        %get3A_539 = tpu.vector_load %arg10[%get3A_536, %get3A_537, %get3A_538] {strides = array<i32>} : memref<2x512x96xbf16, #tpu.memory_space<vmem>>, vector<32xbf16>,
        %unpack3A_540 = tpu.unpack_subelements %get3A_539, 0 {pack_format = #tpu.pack_format<interleaved>} : vector<32xbf16> -> vector<16xf32>
        %unpack3A_541 = tpu.unpack_subelements %get3A_539, 1 {pack_format = #tpu.pack_format<interleaved>} : vector<32xbf16> -> vector<16xf32>
        %mul3A_542 = arith.mulf %gather3A_497, %unpack3A_540 : vector<16xf32>
        %mul3A_543 = arith.mulf %gather3A_497, %unpack3A_541 : vector<16xf32>
        %add3A_544 = arith.addf %add3A_531, %mul3A_542 : vector<16xf32>
        %add3A_545 = arith.addf %add3A_532, %mul3A_543 : vector<16xf32>
        %scatter3A = arith.constant 1 : i32
        %scatter3A_546 = arith.constant 0 : i32
        %scatter3A_547 = arith.constant 0 : i32
        %scatter3A_548 = tpu.memref_slice %arg11[%scatter3A, %scatter3A_546, %scatter3A_547] : memref<2x96x129xf32, #tpu.memory_space<vmem>> -> memref<1x96x129xf32, #tpu.memory_space<vmem>>
        %scatter3A_549 = tpu.memref_squeeze %scatter3A_548 : memref<1x96x129xf32, #tpu.memory_space<vmem>> -> memref<96x129xf32, #tpu.memory_space<vmem>>
        tpu.vector_store_idx %scatter3A_549[%add3A_8, %broadcast_in_dim3A], %add3A_544 : memref<96x129xf32, #tpu.memory_space<vmem>>[vector<16xi32>, vector<16xi32>], vector<16xf32>,
        %scatter3A_550 = arith.constant 1 : i32
        %scatter3A_551 = arith.constant 0 : i32
        %scatter3A_552 = arith.constant 0 : i32
        %scatter3A_553 = tpu.memref_slice %arg11[%scatter3A_550, %scatter3A_551, %scatter3A_552] : memref<2x96x129xf32, #tpu.memory_space<vmem>> -> memref<1x96x129xf32, #tpu.memory_space<vmem>>
        %scatter3A_554 = tpu.memref_squeeze %scatter3A_553 : memref<1x96x129xf32, #tpu.memory_space<vmem>> -> memref<96x129xf32, #tpu.memory_space<vmem>>
        tpu.vector_store_idx %scatter3A_554[%add3A_23, %broadcast_in_dim3A], %add3A_545 : memref<96x129xf32, #tpu.memory_space<vmem>>[vector<16xi32>, vector<16xi32>], vector<16xf32>,
        %add3A_555 = arith.constant 0 : i32
        %add3A_556 = arith.addi %add3A_555, %scan3A_466 : i32
        %get3A_557 = arith.constant 1 : i32
        %get3A_558 = arith.index_cast %get3A_557 : i32 to index
        %get3A_559 = arith.index_cast %add3A_556 : i32 to index
        %get3A_560 = arith.constant 32 : index
        %get3A_561 = tpu.vector_load %arg10[%get3A_558, %get3A_559, %get3A_560] {strides = array<i32>} : memref<2x512x96xbf16, #tpu.memory_space<vmem>>, vector<32xbf16>,
        %unpack3A_562 = tpu.unpack_subelements %get3A_561, 0 {pack_format = #tpu.pack_format<interleaved>} : vector<32xbf16> -> vector<16xf32>
        %unpack3A_563 = tpu.unpack_subelements %get3A_561, 1 {pack_format = #tpu.pack_format<interleaved>} : vector<32xbf16> -> vector<16xf32>
        %mul3A_564 = arith.mulf %gather3A_473, %unpack3A_562 : vector<16xf32>
        %mul3A_565 = arith.mulf %gather3A_473, %unpack3A_563 : vector<16xf32>
        %add3A_566 = arith.constant 128 : i32
        %add3A_567 = arith.addi %add3A_566, %scan3A_466 : i32
        %get3A_568 = arith.constant 1 : i32
        %get3A_569 = arith.index_cast %get3A_568 : i32 to index
        %get3A_570 = arith.index_cast %add3A_567 : i32 to index
        %get3A_571 = arith.constant 32 : index
        %get3A_572 = tpu.vector_load %arg10[%get3A_569, %get3A_570, %get3A_571] {strides = array<i32>} : memref<2x512x96xbf16, #tpu.memory_space<vmem>>, vector<32xbf16>,
        %unpack3A_573 = tpu.unpack_subelements %get3A_572, 0 {pack_format = #tpu.pack_format<interleaved>} : vector<32xbf16> -> vector<16xf32>
        %unpack3A_574 = tpu.unpack_subelements %get3A_572, 1 {pack_format = #tpu.pack_format<interleaved>} : vector<32xbf16> -> vector<16xf32>
        %mul3A_575 = arith.mulf %gather3A_481, %unpack3A_573 : vector<16xf32>
        %mul3A_576 = arith.mulf %gather3A_481, %unpack3A_574 : vector<16xf32>
        %add3A_577 = arith.addf %mul3A_564, %mul3A_575 : vector<16xf32>
        %add3A_578 = arith.addf %mul3A_565, %mul3A_576 : vector<16xf32>
        %add3A_579 = arith.constant 256 : i32
        %add3A_580 = arith.addi %add3A_579, %scan3A_466 : i32
        %get3A_581 = arith.constant 1 : i32
        %get3A_582 = arith.index_cast %get3A_581 : i32 to index
        %get3A_583 = arith.index_cast %add3A_580 : i32 to index
        %get3A_584 = arith.constant 32 : index
        %get3A_585 = tpu.vector_load %arg10[%get3A_582, %get3A_583, %get3A_584] {strides = array<i32>} : memref<2x512x96xbf16, #tpu.memory_space<vmem>>, vector<32xbf16>,
        %unpack3A_586 = tpu.unpack_subelements %get3A_585, 0 {pack_format = #tpu.pack_format<interleaved>} : vector<32xbf16> -> vector<16xf32>
        %unpack3A_587 = tpu.unpack_subelements %get3A_585, 1 {pack_format = #tpu.pack_format<interleaved>} : vector<32xbf16> -> vector<16xf32>
        %mul3A_588 = arith.mulf %gather3A_489, %unpack3A_586 : vector<16xf32>
        %mul3A_589 = arith.mulf %gather3A_489, %unpack3A_587 : vector<16xf32>
        %add3A_590 = arith.addf %add3A_577, %mul3A_588 : vector<16xf32>
        %add3A_591 = arith.addf %add3A_578, %mul3A_589 : vector<16xf32>
        %add3A_592 = arith.constant 384 : i32
        %add3A_593 = arith.addi %add3A_592, %scan3A_466 : i32
        %get3A_594 = arith.constant 1 : i32
        %get3A_595 = arith.index_cast %get3A_594 : i32 to index
        %get3A_596 = arith.index_cast %add3A_593 : i32 to index
        %get3A_597 = arith.constant 32 : index
        %get3A_598 = tpu.vector_load %arg10[%get3A_595, %get3A_596, %get3A_597] {strides = array<i32>} : memref<2x512x96xbf16, #tpu.memory_space<vmem>>, vector<32xbf16>,
        %unpack3A_599 = tpu.unpack_subelements %get3A_598, 0 {pack_format = #tpu.pack_format<interleaved>} : vector<32xbf16> -> vector<16xf32>
        %unpack3A_600 = tpu.unpack_subelements %get3A_598, 1 {pack_format = #tpu.pack_format<interleaved>} : vector<32xbf16> -> vector<16xf32>
        %mul3A_601 = arith.mulf %gather3A_497, %unpack3A_599 : vector<16xf32>
        %mul3A_602 = arith.mulf %gather3A_497, %unpack3A_600 : vector<16xf32>
        %add3A_603 = arith.addf %add3A_590, %mul3A_601 : vector<16xf32>
        %add3A_604 = arith.addf %add3A_591, %mul3A_602 : vector<16xf32>
        %scatter3A_605 = arith.constant 1 : i32
        %scatter3A_606 = arith.constant 0 : i32
        %scatter3A_607 = arith.constant 0 : i32
        %scatter3A_608 = tpu.memref_slice %arg11[%scatter3A_605, %scatter3A_606, %scatter3A_607] : memref<2x96x129xf32, #tpu.memory_space<vmem>> -> memref<1x96x129xf32, #tpu.memory_space<vmem>>
        %scatter3A_609 = tpu.memref_squeeze %scatter3A_608 : memref<1x96x129xf32, #tpu.memory_space<vmem>> -> memref<96x129xf32, #tpu.memory_space<vmem>>
        tpu.vector_store_idx %scatter3A_609[%add3A_14, %broadcast_in_dim3A], %add3A_603 : memref<96x129xf32, #tpu.memory_space<vmem>>[vector<16xi32>, vector<16xi32>], vector<16xf32>,
        %scatter3A_610 = arith.constant 1 : i32
        %scatter3A_611 = arith.constant 0 : i32
        %scatter3A_612 = arith.constant 0 : i32
        %scatter3A_613 = tpu.memref_slice %arg11[%scatter3A_610, %scatter3A_611, %scatter3A_612] : memref<2x96x129xf32, #tpu.memory_space<vmem>> -> memref<1x96x129xf32, #tpu.memory_space<vmem>>
        %scatter3A_614 = tpu.memref_squeeze %scatter3A_613 : memref<1x96x129xf32, #tpu.memory_space<vmem>> -> memref<96x129xf32, #tpu.memory_space<vmem>>
        tpu.vector_store_idx %scatter3A_614[%add3A_26, %broadcast_in_dim3A], %add3A_604 : memref<96x129xf32, #tpu.memory_space<vmem>>[vector<16xi32>, vector<16xi32>], vector<16xf32>,
        %add3A_615 = arith.constant 0 : i32
        %add3A_616 = arith.addi %add3A_615, %scan3A_466 : i32
        %get3A_617 = arith.constant 1 : i32
        %get3A_618 = arith.index_cast %get3A_617 : i32 to index
        %get3A_619 = arith.index_cast %add3A_616 : i32 to index
        %get3A_620 = arith.constant 64 : index
        %get3A_621 = tpu.vector_load %arg10[%get3A_618, %get3A_619, %get3A_620] {strides = array<i32>} : memref<2x512x96xbf16, #tpu.memory_space<vmem>>, vector<32xbf16>,
        %unpack3A_622 = tpu.unpack_subelements %get3A_621, 0 {pack_format = #tpu.pack_format<interleaved>} : vector<32xbf16> -> vector<16xf32>
        %unpack3A_623 = tpu.unpack_subelements %get3A_621, 1 {pack_format = #tpu.pack_format<interleaved>} : vector<32xbf16> -> vector<16xf32>
        %mul3A_624 = arith.mulf %gather3A_473, %unpack3A_622 : vector<16xf32>
        %mul3A_625 = arith.mulf %gather3A_473, %unpack3A_623 : vector<16xf32>
        %add3A_626 = arith.constant 128 : i32
        %add3A_627 = arith.addi %add3A_626, %scan3A_466 : i32
        %get3A_628 = arith.constant 1 : i32
        %get3A_629 = arith.index_cast %get3A_628 : i32 to index
        %get3A_630 = arith.index_cast %add3A_627 : i32 to index
        %get3A_631 = arith.constant 64 : index
        %get3A_632 = tpu.vector_load %arg10[%get3A_629, %get3A_630, %get3A_631] {strides = array<i32>} : memref<2x512x96xbf16, #tpu.memory_space<vmem>>, vector<32xbf16>,
        %unpack3A_633 = tpu.unpack_subelements %get3A_632, 0 {pack_format = #tpu.pack_format<interleaved>} : vector<32xbf16> -> vector<16xf32>
        %unpack3A_634 = tpu.unpack_subelements %get3A_632, 1 {pack_format = #tpu.pack_format<interleaved>} : vector<32xbf16> -> vector<16xf32>
        %mul3A_635 = arith.mulf %gather3A_481, %unpack3A_633 : vector<16xf32>
        %mul3A_636 = arith.mulf %gather3A_481, %unpack3A_634 : vector<16xf32>
        %add3A_637 = arith.addf %mul3A_624, %mul3A_635 : vector<16xf32>
        %add3A_638 = arith.addf %mul3A_625, %mul3A_636 : vector<16xf32>
        %add3A_639 = arith.constant 256 : i32
        %add3A_640 = arith.addi %add3A_639, %scan3A_466 : i32
        %get3A_641 = arith.constant 1 : i32
        %get3A_642 = arith.index_cast %get3A_641 : i32 to index
        %get3A_643 = arith.index_cast %add3A_640 : i32 to index
        %get3A_644 = arith.constant 64 : index
        %get3A_645 = tpu.vector_load %arg10[%get3A_642, %get3A_643, %get3A_644] {strides = array<i32>} : memref<2x512x96xbf16, #tpu.memory_space<vmem>>, vector<32xbf16>,
        %unpack3A_646 = tpu.unpack_subelements %get3A_645, 0 {pack_format = #tpu.pack_format<interleaved>} : vector<32xbf16> -> vector<16xf32>
        %unpack3A_647 = tpu.unpack_subelements %get3A_645, 1 {pack_format = #tpu.pack_format<interleaved>} : vector<32xbf16> -> vector<16xf32>
        %mul3A_648 = arith.mulf %gather3A_489, %unpack3A_646 : vector<16xf32>
        %mul3A_649 = arith.mulf %gather3A_489, %unpack3A_647 : vector<16xf32>
        %add3A_650 = arith.addf %add3A_637, %mul3A_648 : vector<16xf32>
        %add3A_651 = arith.addf %add3A_638, %mul3A_649 : vector<16xf32>
        %add3A_652 = arith.constant 384 : i32
        %add3A_653 = arith.addi %add3A_652, %scan3A_466 : i32
        %get3A_654 = arith.constant 1 : i32
        %get3A_655 = arith.index_cast %get3A_654 : i32 to index
        %get3A_656 = arith.index_cast %add3A_653 : i32 to index
        %get3A_657 = arith.constant 64 : index
        %get3A_658 = tpu.vector_load %arg10[%get3A_655, %get3A_656, %get3A_657] {strides = array<i32>} : memref<2x512x96xbf16, #tpu.memory_space<vmem>>, vector<32xbf16>,
        %unpack3A_659 = tpu.unpack_subelements %get3A_658, 0 {pack_format = #tpu.pack_format<interleaved>} : vector<32xbf16> -> vector<16xf32>
        %unpack3A_660 = tpu.unpack_subelements %get3A_658, 1 {pack_format = #tpu.pack_format<interleaved>} : vector<32xbf16> -> vector<16xf32>
        %mul3A_661 = arith.mulf %gather3A_497, %unpack3A_659 : vector<16xf32>
        %mul3A_662 = arith.mulf %gather3A_497, %unpack3A_660 : vector<16xf32>
        %add3A_663 = arith.addf %add3A_650, %mul3A_661 : vector<16xf32>
        %add3A_664 = arith.addf %add3A_651, %mul3A_662 : vector<16xf32>
        %scatter3A_665 = arith.constant 1 : i32
        %scatter3A_666 = arith.constant 0 : i32
        %scatter3A_667 = arith.constant 0 : i32
        %scatter3A_668 = tpu.memref_slice %arg11[%scatter3A_665, %scatter3A_666, %scatter3A_667] : memref<2x96x129xf32, #tpu.memory_space<vmem>> -> memref<1x96x129xf32, #tpu.memory_space<vmem>>
        %scatter3A_669 = tpu.memref_squeeze %scatter3A_668 : memref<1x96x129xf32, #tpu.memory_space<vmem>> -> memref<96x129xf32, #tpu.memory_space<vmem>>
        tpu.vector_store_idx %scatter3A_669[%add3A_20, %broadcast_in_dim3A], %add3A_663 : memref<96x129xf32, #tpu.memory_space<vmem>>[vector<16xi32>, vector<16xi32>], vector<16xf32>,
        %scatter3A_670 = arith.constant 1 : i32
        %scatter3A_671 = arith.constant 0 : i32
        %scatter3A_672 = arith.constant 0 : i32
        %scatter3A_673 = tpu.memref_slice %arg11[%scatter3A_670, %scatter3A_671, %scatter3A_672] : memref<2x96x129xf32, #tpu.memory_space<vmem>> -> memref<1x96x129xf32, #tpu.memory_space<vmem>>
        %scatter3A_674 = tpu.memref_squeeze %scatter3A_673 : memref<1x96x129xf32, #tpu.memory_space<vmem>> -> memref<96x129xf32, #tpu.memory_space<vmem>>
        tpu.vector_store_idx %scatter3A_674[%add3A_29, %broadcast_in_dim3A], %add3A_664 : memref<96x129xf32, #tpu.memory_space<vmem>>[vector<16xi32>, vector<16xi32>], vector<16xf32>,
      }
      %scan3A_386 = arith.constant 128 : i32
      %mul3A_387 = arith.constant 128 : i32
      %mul3A_388 = arith.muli %add3A_363, %mul3A_387 : i32
      %add3A_389 = arith.addi %mul3A_2, %mul3A_388 : i32
      %jit3A_390 = arith.constant 147456 : i32
      %div3A_391 = arith.divsi %add3A_389, %jit3A_390 : i32
      %sign3A_392 = arith.constant 0 : i32
      %sign3A_393 = arith.cmpi sgt, %add3A_389, %sign3A_392 : i32
      %sign3A_394 = arith.extui %sign3A_393 : i1 to i32
      %sign3A_395 = arith.constant 0 : i32
      %sign3A_396 = arith.cmpi slt, %add3A_389, %sign3A_395 : i32
      %sign3A_397 = arith.extui %sign3A_396 : i1 to i32
      %sign3A_398 = arith.subi %sign3A_394, %sign3A_397 : i32
      %sign3A_399 = arith.constant 0 : i32
      %sign3A_400 = arith.cmpi sgt, %jit3A_390, %sign3A_399 : i32
      %sign3A_401 = arith.extui %sign3A_400 : i1 to i32
      %sign3A_402 = arith.constant 0 : i32
      %sign3A_403 = arith.cmpi slt, %jit3A_390, %sign3A_402 : i32
      %sign3A_404 = arith.extui %sign3A_403 : i1 to i32
      %sign3A_405 = arith.subi %sign3A_401, %sign3A_404 : i32
      %ne3A_406 = arith.cmpi ne, %sign3A_398, %sign3A_405 : i32
      %rem3A_407 = arith.remsi %add3A_389, %jit3A_390 : i32
      %ne3A_408 = arith.constant 0 : i32
      %ne3A_409 = arith.cmpi ne, %rem3A_407, %ne3A_408 : i32
      %and3A_410 = arith.andi %ne3A_406, %ne3A_409 : i1
      %sub3A_411 = arith.constant 1 : i32
      %sub3A_412 = arith.subi %div3A_391, %sub3A_411 : i32
      %select_n3A_413 = arith.select %and3A_410, %sub3A_412, %div3A_391 : i32
      %mul3A_414 = arith.constant 147456 : i32
      %mul3A_415 = arith.muli %select_n3A_413, %mul3A_414 : i32
      %sub3A_416 = arith.subi %add3A_389, %mul3A_415 : i32
      %jit3A_417 = arith.constant 384 : i32
      %div3A_418 = arith.divsi %sub3A_416, %jit3A_417 : i32
      %sign3A_419 = arith.constant 0 : i32
      %sign3A_420 = arith.cmpi sgt, %sub3A_416, %sign3A_419 : i32
      %sign3A_421 = arith.extui %sign3A_420 : i1 to i32
      %sign3A_422 = arith.constant 0 : i32
      %sign3A_423 = arith.cmpi slt, %sub3A_416, %sign3A_422 : i32
      %sign3A_424 = arith.extui %sign3A_423 : i1 to i32
      %sign3A_425 = arith.subi %sign3A_421, %sign3A_424 : i32
      %sign3A_426 = arith.constant 0 : i32
      %sign3A_427 = arith.cmpi sgt, %jit3A_417, %sign3A_426 : i32
      %sign3A_428 = arith.extui %sign3A_427 : i1 to i32
      %sign3A_429 = arith.constant 0 : i32
      %sign3A_430 = arith.cmpi slt, %jit3A_417, %sign3A_429 : i32
      %sign3A_431 = arith.extui %sign3A_430 : i1 to i32
      %sign3A_432 = arith.subi %sign3A_428, %sign3A_431 : i32
      %ne3A_433 = arith.cmpi ne, %sign3A_425, %sign3A_432 : i32
      %rem3A_434 = arith.remsi %sub3A_416, %jit3A_417 : i32
      %ne3A_435 = arith.constant 0 : i32
      %ne3A_436 = arith.cmpi ne, %rem3A_434, %ne3A_435 : i32
      %and3A_437 = arith.andi %ne3A_433, %ne3A_436 : i1
      %sub3A_438 = arith.constant 1 : i32
      %sub3A_439 = arith.subi %div3A_418, %sub3A_438 : i32
      %select_n3A_440 = arith.select %and3A_437, %sub3A_439, %div3A_418 : i32
      %mul3A_441 = arith.constant 384 : i32
      %mul3A_442 = arith.muli %select_n3A_440, %mul3A_441 : i32
      %sub3A_443 = arith.subi %sub3A_416, %mul3A_442 : i32
      %dma_start3A_444 = arith.constant 1 : i32
      %dma_start3A_445 = arith.constant 0 : i32
      %dma_start3A_446 = arith.constant 0 : i32
      %dma_start3A_447 = tpu.memref_slice %arg11[%dma_start3A_444, %dma_start3A_445, %dma_start3A_446] : memref<2x96x129xf32, #tpu.memory_space<vmem>> -> memref<1x96x128xf32, #tpu.memory_space<vmem>>
      %dma_start3A_448 = tpu.memref_squeeze %dma_start3A_447 : memref<1x96x128xf32, #tpu.memory_space<vmem>> -> memref<96x128xf32, #tpu.memory_space<vmem>>
      %dma_start3A_449 = arith.constant 0 : i32
      %dma_start3A_450 = tpu.memref_slice %arg5[%select_n3A_413, %dma_start3A_449, %select_n3A_440, %sub3A_443] : memref<2x96x384x384xf32, #tpu.memory_space<hbm>> -> memref<1x96x1x128xf32, #tpu.memory_space<hbm>>
      %dma_start3A_451 = tpu.memref_squeeze %dma_start3A_450 : memref<1x96x1x128xf32, #tpu.memory_space<hbm>> -> memref<96x128xf32, #tpu.memory_space<hbm>>
      %dma_start3A_452 = arith.constant 0 : i32
      %dma_start3A_453 = tpu.memref_slice %arg5[%select_n3A_413, %dma_start3A_452, %select_n3A_440, %sub3A_443] : memref<2x96x384x384xf32, #tpu.memory_space<hbm>> -> memref<1x96x1x128xf32, #tpu.memory_space<hbm>>
      %dma_start3A_454 = tpu.memref_squeeze %dma_start3A_453 : memref<1x96x1x128xf32, #tpu.memory_space<hbm>> -> memref<96x128xf32, #tpu.memory_space<hbm>>
      %dma_start3A_455 = arith.constant 0 : i32
      %dma_start3A_456 = arith.constant 0 : i32
      %dma_start3A_457 = tpu.memref_slice %arg11[%dma_start3A_444, %dma_start3A_455, %dma_start3A_456] : memref<2x96x129xf32, #tpu.memory_space<vmem>> -> memref<1x96x128xf32, #tpu.memory_space<vmem>>
      %dma_start3A_458 = tpu.memref_squeeze %dma_start3A_457 : memref<1x96x128xf32, #tpu.memory_space<vmem>> -> memref<96x128xf32, #tpu.memory_space<vmem>>
      tpu.enqueue_dma source(%dma_start3A_458 : memref<96x128xf32, #tpu.memory_space<vmem>>) target(%dma_start3A_454 : memref<96x128xf32, #tpu.memory_space<hbm>>) target_semaphore(%arg15 : memref<!tpu.dma_semaphore, #tpu.memory_space<semaphore_mem>>)
      %add3A_459 = arith.constant 2 : i32
      %add3A_460 = arith.addi %add3A_363, %add3A_459 : i32
      %lt3A_461 = arith.constant 72 : i32
      %lt3A_462 = arith.cmpi slt, %add3A_460, %lt3A_461 : i32
      %convert_element_type3A_463 = arith.extui %lt3A_462 : i1 to i32
      %cond3A_464 = arith.constant 0 : i32
      %cond3A_465 = arith.cmpi ne, %convert_element_type3A_463, %cond3A_464 : i32
      scf.if %cond3A_465 {
        %add3A_466 = arith.constant 2 : i32
        %add3A_467 = arith.addi %add3A_363, %add3A_466 : i32
        %mul3A_468 = arith.constant 128 : i32
        %mul3A_469 = arith.muli %add3A_467, %mul3A_468 : i32
        %add3A_470 = arith.addi %mul3A_2, %mul3A_469 : i32
        %jit3A_471 = arith.constant 147456 : i32
        %div3A_472 = arith.divsi %add3A_470, %jit3A_471 : i32
        %sign3A_473 = arith.constant 0 : i32
        %sign3A_474 = arith.cmpi sgt, %add3A_470, %sign3A_473 : i32
        %sign3A_475 = arith.extui %sign3A_474 : i1 to i32
        %sign3A_476 = arith.constant 0 : i32
        %sign3A_477 = arith.cmpi slt, %add3A_470, %sign3A_476 : i32
        %sign3A_478 = arith.extui %sign3A_477 : i1 to i32
        %sign3A_479 = arith.subi %sign3A_475, %sign3A_478 : i32
        %sign3A_480 = arith.constant 0 : i32
        %sign3A_481 = arith.cmpi sgt, %jit3A_471, %sign3A_480 : i32
        %sign3A_482 = arith.extui %sign3A_481 : i1 to i32
        %sign3A_483 = arith.constant 0 : i32
        %sign3A_484 = arith.cmpi slt, %jit3A_471, %sign3A_483 : i32
        %sign3A_485 = arith.extui %sign3A_484 : i1 to i32
        %sign3A_486 = arith.subi %sign3A_482, %sign3A_485 : i32
        %ne3A_487 = arith.cmpi ne, %sign3A_479, %sign3A_486 : i32
        %rem3A_488 = arith.remsi %add3A_470, %jit3A_471 : i32
        %ne3A_489 = arith.constant 0 : i32
        %ne3A_490 = arith.cmpi ne, %rem3A_488, %ne3A_489 : i32
        %and3A_491 = arith.andi %ne3A_487, %ne3A_490 : i1
        %sub3A_492 = arith.constant 1 : i32
        %sub3A_493 = arith.subi %div3A_472, %sub3A_492 : i32
        %select_n3A_494 = arith.select %and3A_491, %sub3A_493, %div3A_472 : i32
        %mul3A_495 = arith.constant 147456 : i32
        %mul3A_496 = arith.muli %select_n3A_494, %mul3A_495 : i32
        %scan3A_497 = arith.constant 0 : i32
        %scan3A_498 = arith.constant 0 : i32
        %scan3A_499 = arith.constant 8 : i32
        %scan3A_500 = arith.addi %scan3A_498, %scan3A_499 : i32
        %scan3A_501 = arith.constant 1 : i32
        scf.for %scan3A_515 = %scan3A_498 to %scan3A_500 step %scan3A_501  : i32 {
          %mul3A_516 = arith.constant 128 : i32
          %mul3A_517 = arith.muli %add3A_467, %mul3A_516 : i32
          %mul3A_518 = arith.constant 16 : i32
          %mul3A_519 = arith.muli %scan3A_515, %mul3A_518 : i32
          %add3A_520 = arith.addi %mul3A_517, %mul3A_519 : i32
          %get3A = arith.index_cast %add3A_520 : i32 to index
          %get3A_521 = tpu.vector_load %arg6[%get3A] {strides = array<i32>} : memref<9216xf32, #tpu.memory_space<vmem>>, vector<16xf32>,
          %mul3A_522 = arith.constant 128 : i32
          %mul3A_523 = arith.muli %add3A_467, %mul3A_522 : i32
          %mul3A_524 = arith.constant 16 : i32
          %mul3A_525 = arith.muli %scan3A_515, %mul3A_524 : i32
          %add3A_526 = arith.addi %mul3A_523, %mul3A_525 : i32
          %get3A_527 = arith.index_cast %add3A_526 : i32 to index
          %get3A_528 = tpu.vector_load %arg7[%get3A_527] {strides = array<i32>} : memref<9216xf32, #tpu.memory_space<vmem>>, vector<16xf32>,
          %add3A_529 = arith.constant 1.000000e+00 : f32
          %add3A_530 = vector.broadcast %add3A_529 : f32 to vector<16xf32>
          %add3A_531 = arith.addf %get3A_521, %add3A_530 : vector<16xf32>
          %mul3A_532 = arith.constant 1.920000e+02 : f32
          %mul3A_533 = vector.broadcast %mul3A_532 : f32 to vector<16xf32>
          %mul3A_534 = arith.mulf %add3A_531, %mul3A_533 : vector<16xf32>
          %sub3A_535 = arith.constant 5.000000e-01 : f32
          %sub3A_536 = vector.broadcast %sub3A_535 : f32 to vector<16xf32>
          %sub3A_537 = arith.subf %mul3A_534, %sub3A_536 : vector<16xf32>
          %add3A_538 = arith.constant 1.000000e+00 : f32
          %add3A_539 = vector.broadcast %add3A_538 : f32 to vector<16xf32>
          %add3A_540 = arith.addf %get3A_528, %add3A_539 : vector<16xf32>
          %mul3A_541 = arith.constant 1.920000e+02 : f32
          %mul3A_542 = vector.broadcast %mul3A_541 : f32 to vector<16xf32>
          %mul3A_543 = arith.mulf %add3A_540, %mul3A_542 : vector<16xf32>
          %sub3A_544 = arith.constant 5.000000e-01 : f32
          %sub3A_545 = vector.broadcast %sub3A_544 : f32 to vector<16xf32>
          %sub3A_546 = arith.subf %mul3A_543, %sub3A_545 : vector<16xf32>
          %convert_element_type3A_547 = arith.fptosi %sub3A_537 : vector<16xf32> to vector<16xi32>
          %convert_element_type3A_548 = arith.sitofp %convert_element_type3A_547 : vector<16xi32> to vector<16xf32>
          %gt3A_549 = arith.cmpf ogt, %convert_element_type3A_548, %sub3A_537 : vector<16xf32>
          %sub3A_550 = arith.constant 1 : i32
          %sub3A_551 = vector.broadcast %sub3A_550 : i32 to vector<16xi32>
          %sub3A_552 = arith.subi %convert_element_type3A_547, %sub3A_551 : vector<16xi32>
          %select_n3A_553 = arith.select %gt3A_549, %sub3A_552, %convert_element_type3A_547 : vector<16xi1>, vector<16xi32>
          %convert_element_type3A_554 = arith.fptosi %sub3A_546 : vector<16xf32> to vector<16xi32>
          %convert_element_type3A_555 = arith.sitofp %convert_element_type3A_554 : vector<16xi32> to vector<16xf32>
          %gt3A_556 = arith.cmpf ogt, %convert_element_type3A_555, %sub3A_546 : vector<16xf32>
          %sub3A_557 = arith.constant 1 : i32
          %sub3A_558 = vector.broadcast %sub3A_557 : i32 to vector<16xi32>
          %sub3A_559 = arith.subi %convert_element_type3A_554, %sub3A_558 : vector<16xi32>
          %select_n3A_560 = arith.select %gt3A_556, %sub3A_559, %convert_element_type3A_554 : vector<16xi1>, vector<16xi32>
          %convert_element_type3A_561 = arith.sitofp %select_n3A_553 : vector<16xi32> to vector<16xf32>
          %sub3A_562 = arith.subf %sub3A_537, %convert_element_type3A_561 : vector<16xf32>
          %sub3A_563 = arith.constant 1.000000e+00 : f32
          %sub3A_564 = vector.broadcast %sub3A_563 : f32 to vector<16xf32>
          %sub3A_565 = arith.subf %sub3A_564, %sub3A_562 : vector<16xf32>
          %convert_element_type3A_566 = arith.sitofp %select_n3A_560 : vector<16xi32> to vector<16xf32>
          %sub3A_567 = arith.subf %sub3A_546, %convert_element_type3A_566 : vector<16xf32>
          %sub3A_568 = arith.constant 1.000000e+00 : f32
          %sub3A_569 = vector.broadcast %sub3A_568 : f32 to vector<16xf32>
          %sub3A_570 = arith.subf %sub3A_569, %sub3A_567 : vector<16xf32>
          %add3A_571 = arith.constant 0 : i32
          %add3A_572 = vector.broadcast %add3A_571 : i32 to vector<16xi32>
          %add3A_573 = arith.addi %select_n3A_553, %add3A_572 : vector<16xi32>
          %add3A_574 = arith.constant 0 : i32
          %add3A_575 = vector.broadcast %add3A_574 : i32 to vector<16xi32>
          %add3A_576 = arith.addi %select_n3A_560, %add3A_575 : vector<16xi32>
          %ge3A = arith.constant 0 : i32
          %ge3A_577 = vector.broadcast %ge3A : i32 to vector<16xi32>
          %ge3A_578 = arith.cmpi sge, %add3A_573, %ge3A_577 : vector<16xi32>
          %le3A = arith.constant 383 : i32
          %le3A_579 = vector.broadcast %le3A : i32 to vector<16xi32>
          %le3A_580 = arith.cmpi sle, %add3A_573, %le3A_579 : vector<16xi32>
          %and3A_581 = arith.andi %ge3A_578, %le3A_580 : vector<16xi1>
          %ge3A_582 = arith.constant 0 : i32
          %ge3A_583 = vector.broadcast %ge3A_582 : i32 to vector<16xi32>
          %ge3A_584 = arith.cmpi sge, %add3A_576, %ge3A_583 : vector<16xi32>
          %and3A_585 = arith.andi %and3A_581, %ge3A_584 : vector<16xi1>
          %le3A_586 = arith.constant 383 : i32
          %le3A_587 = vector.broadcast %le3A_586 : i32 to vector<16xi32>
          %le3A_588 = arith.cmpi sle, %add3A_576, %le3A_587 : vector<16xi32>
          %and3A_589 = arith.andi %and3A_585, %le3A_588 : vector<16xi1>
          %min3A = arith.constant 383 : i32
          %min3A_590 = vector.broadcast %min3A : i32 to vector<16xi32>
          %min3A_591 = arith.minsi %add3A_573, %min3A_590 : vector<16xi32>
          %max3A = arith.constant 0 : i32
          %max3A_592 = vector.broadcast %max3A : i32 to vector<16xi32>
          %max3A_593 = arith.maxsi %min3A_591, %max3A_592 : vector<16xi32>
          %min3A_594 = arith.constant 383 : i32
          %min3A_595 = vector.broadcast %min3A_594 : i32 to vector<16xi32>
          %min3A_596 = arith.minsi %add3A_576, %min3A_595 : vector<16xi32>
          %max3A_597 = arith.constant 0 : i32
          %max3A_598 = vector.broadcast %max3A_597 : i32 to vector<16xi32>
          %max3A_599 = arith.maxsi %min3A_596, %max3A_598 : vector<16xi32>
          %mul3A_600 = arith.constant 384 : i32
          %mul3A_601 = vector.broadcast %mul3A_600 : i32 to vector<16xi32>
          %mul3A_602 = arith.muli %max3A_599, %mul3A_601 : vector<16xi32>
          %add3A_603 = vector.broadcast %mul3A_496 : i32 to vector<16xi32>
          %add3A_604 = arith.addi %add3A_603, %mul3A_602 : vector<16xi32>
          %add3A_605 = arith.addi %add3A_604, %max3A_593 : vector<16xi32>
          %mul3A_606 = arith.constant 16 : i32
          %mul3A_607 = arith.muli %scan3A_515, %mul3A_606 : i32
          %add3A_608 = arith.constant 0 : i32
          %add3A_609 = arith.addi %add3A_608, %mul3A_607 : i32
          %swap3A = arith.constant 1 : i32
          %swap3A_610 = arith.index_cast %swap3A : i32 to index
          %swap3A_611 = arith.index_cast %add3A_609 : i32 to index
          %swap3A_612 = tpu.vector_load %arg8[%swap3A_610, %swap3A_611] {strides = array<i32>} : memref<2x512xi32, #tpu.memory_space<vmem>>, vector<16xi32>,
          tpu.vector_store %arg8[%swap3A_610, %swap3A_611], %add3A_605 {strides = array<i32>} : memref<2x512xi32, #tpu.memory_space<vmem>>, vector<16xi32>,
          %mul3A_613 = arith.mulf %sub3A_570, %sub3A_565 : vector<16xf32>
          %jit3A_614 = arith.constant 0.000000e+00 : f32
          %broadcast_in_dim3A = vector.broadcast %jit3A_614 : f32 to vector<16xf32>
          %select_n3A_615 = arith.select %and3A_589, %mul3A_613, %broadcast_in_dim3A : vector<16xi1>, vector<16xf32>
          %mul3A_616 = arith.constant 16 : i32
          %mul3A_617 = arith.muli %scan3A_515, %mul3A_616 : i32
          %add3A_618 = arith.constant 0 : i32
          %add3A_619 = arith.addi %add3A_618, %mul3A_617 : i32
          %swap3A_620 = arith.constant 1 : i32
          %swap3A_621 = arith.index_cast %swap3A_620 : i32 to index
          %swap3A_622 = arith.index_cast %add3A_619 : i32 to index
          %swap3A_623 = tpu.vector_load %arg9[%swap3A_621, %swap3A_622] {strides = array<i32>} : memref<2x512xf32, #tpu.memory_space<vmem>>, vector<16xf32>,
          tpu.vector_store %arg9[%swap3A_621, %swap3A_622], %select_n3A_615 {strides = array<i32>} : memref<2x512xf32, #tpu.memory_space<vmem>>, vector<16xf32>,
          %add3A_624 = arith.constant 1 : i32
          %add3A_625 = vector.broadcast %add3A_624 : i32 to vector<16xi32>
          %add3A_626 = arith.addi %select_n3A_553, %add3A_625 : vector<16xi32>
          %add3A_627 = arith.constant 0 : i32
          %add3A_628 = vector.broadcast %add3A_627 : i32 to vector<16xi32>
          %add3A_629 = arith.addi %select_n3A_560, %add3A_628 : vector<16xi32>
          %ge3A_630 = arith.constant 0 : i32
          %ge3A_631 = vector.broadcast %ge3A_630 : i32 to vector<16xi32>
          %ge3A_632 = arith.cmpi sge, %add3A_626, %ge3A_631 : vector<16xi32>
          %le3A_633 = arith.constant 383 : i32
          %le3A_634 = vector.broadcast %le3A_633 : i32 to vector<16xi32>
          %le3A_635 = arith.cmpi sle, %add3A_626, %le3A_634 : vector<16xi32>
          %and3A_636 = arith.andi %ge3A_632, %le3A_635 : vector<16xi1>
          %ge3A_637 = arith.constant 0 : i32
          %ge3A_638 = vector.broadcast %ge3A_637 : i32 to vector<16xi32>
          %ge3A_639 = arith.cmpi sge, %add3A_629, %ge3A_638 : vector<16xi32>
          %and3A_640 = arith.andi %and3A_636, %ge3A_639 : vector<16xi1>
          %le3A_641 = arith.constant 383 : i32
          %le3A_642 = vector.broadcast %le3A_641 : i32 to vector<16xi32>
          %le3A_643 = arith.cmpi sle, %add3A_629, %le3A_642 : vector<16xi32>
          %and3A_644 = arith.andi %and3A_640, %le3A_643 : vector<16xi1>
          %min3A_645 = arith.constant 383 : i32
          %min3A_646 = vector.broadcast %min3A_645 : i32 to vector<16xi32>
          %min3A_647 = arith.minsi %add3A_626, %min3A_646 : vector<16xi32>
          %max3A_648 = arith.constant 0 : i32
          %max3A_649 = vector.broadcast %max3A_648 : i32 to vector<16xi32>
          %max3A_650 = arith.maxsi %min3A_647, %max3A_649 : vector<16xi32>
          %min3A_651 = arith.constant 383 : i32
          %min3A_652 = vector.broadcast %min3A_651 : i32 to vector<16xi32>
          %min3A_653 = arith.minsi %add3A_629, %min3A_652 : vector<16xi32>
          %max3A_654 = arith.constant 0 : i32
          %max3A_655 = vector.broadcast %max3A_654 : i32 to vector<16xi32>
          %max3A_656 = arith.maxsi %min3A_653, %max3A_655 : vector<16xi32>
          %mul3A_657 = arith.constant 384 : i32
          %mul3A_658 = vector.broadcast %mul3A_657 : i32 to vector<16xi32>
          %mul3A_659 = arith.muli %max3A_656, %mul3A_658 : vector<16xi32>
          %add3A_660 = vector.broadcast %mul3A_496 : i32 to vector<16xi32>
          %add3A_661 = arith.addi %add3A_660, %mul3A_659 : vector<16xi32>
          %add3A_662 = arith.addi %add3A_661, %max3A_650 : vector<16xi32>
          %mul3A_663 = arith.constant 16 : i32
          %mul3A_664 = arith.muli %scan3A_515, %mul3A_663 : i32
          %add3A_665 = arith.constant 128 : i32
          %add3A_666 = arith.addi %add3A_665, %mul3A_664 : i32
          %swap3A_667 = arith.constant 1 : i32
          %swap3A_668 = arith.index_cast %swap3A_667 : i32 to index
          %swap3A_669 = arith.index_cast %add3A_666 : i32 to index
          %swap3A_670 = tpu.vector_load %arg8[%swap3A_668, %swap3A_669] {strides = array<i32>} : memref<2x512xi32, #tpu.memory_space<vmem>>, vector<16xi32>,
          tpu.vector_store %arg8[%swap3A_668, %swap3A_669], %add3A_662 {strides = array<i32>} : memref<2x512xi32, #tpu.memory_space<vmem>>, vector<16xi32>,
          %mul3A_671 = arith.mulf %sub3A_570, %sub3A_562 : vector<16xf32>
          %jit3A_672 = arith.constant 0.000000e+00 : f32
          %broadcast_in_dim3A_673 = vector.broadcast %jit3A_672 : f32 to vector<16xf32>
          %select_n3A_674 = arith.select %and3A_644, %mul3A_671, %broadcast_in_dim3A_673 : vector<16xi1>, vector<16xf32>
          %mul3A_675 = arith.constant 16 : i32
          %mul3A_676 = arith.muli %scan3A_515, %mul3A_675 : i32
          %add3A_677 = arith.constant 128 : i32
          %add3A_678 = arith.addi %add3A_677, %mul3A_676 : i32
          %swap3A_679 = arith.constant 1 : i32
          %swap3A_680 = arith.index_cast %swap3A_679 : i32 to index
          %swap3A_681 = arith.index_cast %add3A_678 : i32 to index
          %swap3A_682 = tpu.vector_load %arg9[%swap3A_680, %swap3A_681] {strides = array<i32>} : memref<2x512xf32, #tpu.memory_space<vmem>>, vector<16xf32>,
          tpu.vector_store %arg9[%swap3A_680, %swap3A_681], %select_n3A_674 {strides = array<i32>} : memref<2x512xf32, #tpu.memory_space<vmem>>, vector<16xf32>,
          %add3A_683 = arith.constant 0 : i32
          %add3A_684 = vector.broadcast %add3A_683 : i32 to vector<16xi32>
          %add3A_685 = arith.addi %select_n3A_553, %add3A_684 : vector<16xi32>
          %add3A_686 = arith.constant 1 : i32
          %add3A_687 = vector.broadcast %add3A_686 : i32 to vector<16xi32>
          %add3A_688 = arith.addi %select_n3A_560, %add3A_687 : vector<16xi32>
          %ge3A_689 = arith.constant 0 : i32
          %ge3A_690 = vector.broadcast %ge3A_689 : i32 to vector<16xi32>
          %ge3A_691 = arith.cmpi sge, %add3A_685, %ge3A_690 : vector<16xi32>
          %le3A_692 = arith.constant 383 : i32
          %le3A_693 = vector.broadcast %le3A_692 : i32 to vector<16xi32>
          %le3A_694 = arith.cmpi sle, %add3A_685, %le3A_693 : vector<16xi32>
          %and3A_695 = arith.andi %ge3A_691, %le3A_694 : vector<16xi1>
          %ge3A_696 = arith.constant 0 : i32
          %ge3A_697 = vector.broadcast %ge3A_696 : i32 to vector<16xi32>
          %ge3A_698 = arith.cmpi sge, %add3A_688, %ge3A_697 : vector<16xi32>
          %and3A_699 = arith.andi %and3A_695, %ge3A_698 : vector<16xi1>
          %le3A_700 = arith.constant 383 : i32
          %le3A_701 = vector.broadcast %le3A_700 : i32 to vector<16xi32>
          %le3A_702 = arith.cmpi sle, %add3A_688, %le3A_701 : vector<16xi32>
          %and3A_703 = arith.andi %and3A_699, %le3A_702 : vector<16xi1>
          %min3A_704 = arith.constant 383 : i32
          %min3A_705 = vector.broadcast %min3A_704 : i32 to vector<16xi32>
          %min3A_706 = arith.minsi %add3A_685, %min3A_705 : vector<16xi32>
          %max3A_707 = arith.constant 0 : i32
          %max3A_708 = vector.broadcast %max3A_707 : i32 to vector<16xi32>
          %max3A_709 = arith.maxsi %min3A_706, %max3A_708 : vector<16xi32>
          %min3A_710 = arith.constant 383 : i32
          %min3A_711 = vector.broadcast %min3A_710 : i32 to vector<16xi32>
          %min3A_712 = arith.minsi %add3A_688, %min3A_711 : vector<16xi32>
          %max3A_713 = arith.constant 0 : i32
          %max3A_714 = vector.broadcast %max3A_713 : i32 to vector<16xi32>
          %max3A_715 = arith.maxsi %min3A_712, %max3A_714 : vector<16xi32>
          %mul3A_716 = arith.constant 384 : i32
          %mul3A_717 = vector.broadcast %mul3A_716 : i32 to vector<16xi32>
          %mul3A_718 = arith.muli %max3A_715, %mul3A_717 : vector<16xi32>
          %add3A_719 = vector.broadcast %mul3A_496 : i32 to vector<16xi32>
          %add3A_720 = arith.addi %add3A_719, %mul3A_718 : vector<16xi32>
          %add3A_721 = arith.addi %add3A_720, %max3A_709 : vector<16xi32>
          %mul3A_722 = arith.constant 16 : i32
          %mul3A_723 = arith.muli %scan3A_515, %mul3A_722 : i32
          %add3A_724 = arith.constant 256 : i32
          %add3A_725 = arith.addi %add3A_724, %mul3A_723 : i32
          %swap3A_726 = arith.constant 1 : i32
          %swap3A_727 = arith.index_cast %swap3A_726 : i32 to index
          %swap3A_728 = arith.index_cast %add3A_725 : i32 to index
          %swap3A_729 = tpu.vector_load %arg8[%swap3A_727, %swap3A_728] {strides = array<i32>} : memref<2x512xi32, #tpu.memory_space<vmem>>, vector<16xi32>,
          tpu.vector_store %arg8[%swap3A_727, %swap3A_728], %add3A_721 {strides = array<i32>} : memref<2x512xi32, #tpu.memory_space<vmem>>, vector<16xi32>,
          %mul3A_730 = arith.mulf %sub3A_567, %sub3A_565 : vector<16xf32>
          %jit3A_731 = arith.constant 0.000000e+00 : f32
          %broadcast_in_dim3A_732 = vector.broadcast %jit3A_731 : f32 to vector<16xf32>
          %select_n3A_733 = arith.select %and3A_703, %mul3A_730, %broadcast_in_dim3A_732 : vector<16xi1>, vector<16xf32>
          %mul3A_734 = arith.constant 16 : i32
          %mul3A_735 = arith.muli %scan3A_515, %mul3A_734 : i32
          %add3A_736 = arith.constant 256 : i32
          %add3A_737 = arith.addi %add3A_736, %mul3A_735 : i32
          %swap3A_738 = arith.constant 1 : i32
          %swap3A_739 = arith.index_cast %swap3A_738 : i32 to index
          %swap3A_740 = arith.index_cast %add3A_737 : i32 to index
          %swap3A_741 = tpu.vector_load %arg9[%swap3A_739, %swap3A_740] {strides = array<i32>} : memref<2x512xf32, #tpu.memory_space<vmem>>, vector<16xf32>,
          tpu.vector_store %arg9[%swap3A_739, %swap3A_740], %select_n3A_733 {strides = array<i32>} : memref<2x512xf32, #tpu.memory_space<vmem>>, vector<16xf32>,
          %add3A_742 = arith.constant 1 : i32
          %add3A_743 = vector.broadcast %add3A_742 : i32 to vector<16xi32>
          %add3A_744 = arith.addi %select_n3A_553, %add3A_743 : vector<16xi32>
          %add3A_745 = arith.constant 1 : i32
          %add3A_746 = vector.broadcast %add3A_745 : i32 to vector<16xi32>
          %add3A_747 = arith.addi %select_n3A_560, %add3A_746 : vector<16xi32>
          %ge3A_748 = arith.constant 0 : i32
          %ge3A_749 = vector.broadcast %ge3A_748 : i32 to vector<16xi32>
          %ge3A_750 = arith.cmpi sge, %add3A_744, %ge3A_749 : vector<16xi32>
          %le3A_751 = arith.constant 383 : i32
          %le3A_752 = vector.broadcast %le3A_751 : i32 to vector<16xi32>
          %le3A_753 = arith.cmpi sle, %add3A_744, %le3A_752 : vector<16xi32>
          %and3A_754 = arith.andi %ge3A_750, %le3A_753 : vector<16xi1>
          %ge3A_755 = arith.constant 0 : i32
          %ge3A_756 = vector.broadcast %ge3A_755 : i32 to vector<16xi32>
          %ge3A_757 = arith.cmpi sge, %add3A_747, %ge3A_756 : vector<16xi32>
          %and3A_758 = arith.andi %and3A_754, %ge3A_757 : vector<16xi1>
          %le3A_759 = arith.constant 383 : i32
          %le3A_760 = vector.broadcast %le3A_759 : i32 to vector<16xi32>
          %le3A_761 = arith.cmpi sle, %add3A_747, %le3A_760 : vector<16xi32>
          %and3A_762 = arith.andi %and3A_758, %le3A_761 : vector<16xi1>
          %min3A_763 = arith.constant 383 : i32
          %min3A_764 = vector.broadcast %min3A_763 : i32 to vector<16xi32>
          %min3A_765 = arith.minsi %add3A_744, %min3A_764 : vector<16xi32>
          %max3A_766 = arith.constant 0 : i32
          %max3A_767 = vector.broadcast %max3A_766 : i32 to vector<16xi32>
          %max3A_768 = arith.maxsi %min3A_765, %max3A_767 : vector<16xi32>
          %min3A_769 = arith.constant 383 : i32
          %min3A_770 = vector.broadcast %min3A_769 : i32 to vector<16xi32>
          %min3A_771 = arith.minsi %add3A_747, %min3A_770 : vector<16xi32>
          %max3A_772 = arith.constant 0 : i32
          %max3A_773 = vector.broadcast %max3A_772 : i32 to vector<16xi32>
          %max3A_774 = arith.maxsi %min3A_771, %max3A_773 : vector<16xi32>
          %mul3A_775 = arith.constant 384 : i32
          %mul3A_776 = vector.broadcast %mul3A_775 : i32 to vector<16xi32>
          %mul3A_777 = arith.muli %max3A_774, %mul3A_776 : vector<16xi32>
          %add3A_778 = vector.broadcast %mul3A_496 : i32 to vector<16xi32>
          %add3A_779 = arith.addi %add3A_778, %mul3A_777 : vector<16xi32>
          %add3A_780 = arith.addi %add3A_779, %max3A_768 : vector<16xi32>
          %mul3A_781 = arith.constant 16 : i32
          %mul3A_782 = arith.muli %scan3A_515, %mul3A_781 : i32
          %add3A_783 = arith.constant 384 : i32
          %add3A_784 = arith.addi %add3A_783, %mul3A_782 : i32
          %swap3A_785 = arith.constant 1 : i32
          %swap3A_786 = arith.index_cast %swap3A_785 : i32 to index
          %swap3A_787 = arith.index_cast %add3A_784 : i32 to index
          %swap3A_788 = tpu.vector_load %arg8[%swap3A_786, %swap3A_787] {strides = array<i32>} : memref<2x512xi32, #tpu.memory_space<vmem>>, vector<16xi32>,
          tpu.vector_store %arg8[%swap3A_786, %swap3A_787], %add3A_780 {strides = array<i32>} : memref<2x512xi32, #tpu.memory_space<vmem>>, vector<16xi32>,
          %mul3A_789 = arith.mulf %sub3A_567, %sub3A_562 : vector<16xf32>
          %jit3A_790 = arith.constant 0.000000e+00 : f32
          %broadcast_in_dim3A_791 = vector.broadcast %jit3A_790 : f32 to vector<16xf32>
          %select_n3A_792 = arith.select %and3A_762, %mul3A_789, %broadcast_in_dim3A_791 : vector<16xi1>, vector<16xf32>
          %mul3A_793 = arith.constant 16 : i32
          %mul3A_794 = arith.muli %scan3A_515, %mul3A_793 : i32
          %add3A_795 = arith.constant 384 : i32
          %add3A_796 = arith.addi %add3A_795, %mul3A_794 : i32
          %swap3A_797 = arith.constant 1 : i32
          %swap3A_798 = arith.index_cast %swap3A_797 : i32 to index
          %swap3A_799 = arith.index_cast %add3A_796 : i32 to index
          %swap3A_800 = tpu.vector_load %arg9[%swap3A_798, %swap3A_799] {strides = array<i32>} : memref<2x512xf32, #tpu.memory_space<vmem>>, vector<16xf32>,
          tpu.vector_store %arg9[%swap3A_798, %swap3A_799], %select_n3A_792 {strides = array<i32>} : memref<2x512xf32, #tpu.memory_space<vmem>>, vector<16xf32>,
        }
        %scan3A_502 = arith.constant 8 : i32
        %dma_start3A_503 = arith.constant 1 : i32
        %dma_start3A_504 = arith.constant 1 : i32
        %dma_start3A_505 = arith.constant 0 : i32
        %dma_start3A_506 = arith.constant 0 : i32
        %dma_start3A_507 = tpu.memref_slice %arg10[%dma_start3A_504, %dma_start3A_505, %dma_start3A_506] : memref<2x512x96xbf16, #tpu.memory_space<vmem>> -> memref<1x512x96xbf16, #tpu.memory_space<vmem>>
        %dma_start3A_508 = tpu.memref_squeeze %dma_start3A_507 : memref<1x512x96xbf16, #tpu.memory_space<vmem>> -> memref<512x96xbf16, #tpu.memory_space<vmem>>
        %dma_start3A_509 = arith.constant 0 : i32
        %dma_start3A_510 = tpu.memref_slice %arg8[%dma_start3A_503, %dma_start3A_509] : memref<2x512xi32, #tpu.memory_space<vmem>> -> memref<1x512xi32, #tpu.memory_space<vmem>>
        %dma_start3A_511 = tpu.memref_squeeze %dma_start3A_510 : memref<1x512xi32, #tpu.memory_space<vmem>> -> memref<512xi32, #tpu.memory_space<vmem>>
        %dma_start3A_512 = arith.constant 0 : i32
        %dma_start3A_513 = arith.constant 0 : i32
        %dma_start3A_514 = tpu.memref_slice %arg4[%dma_start3A_512, %dma_start3A_513] : memref<294912x96xbf16, #tpu.memory_space<hbm>> -> memref<294912x96xbf16, #tpu.memory_space<hbm>>
        tpu.enqueue_indirect_dma source(%dma_start3A_514 : memref<294912x96xbf16, #tpu.memory_space<hbm>>) target(%dma_start3A_508 : memref<512x96xbf16, #tpu.memory_space<vmem>>) offsets(%dma_start3A_511 : memref<512xi32, #tpu.memory_space<vmem>>) semaphore(%arg13 : memref<!tpu.dma_semaphore, #tpu.memory_space<semaphore_mem>>)
      } else {
      }
    }
    %scan3A_117 = arith.constant 36 : i32
    %add3A_118 = arith.constant 8960 : i32
    %add3A_119 = arith.addi %mul3A_2, %add3A_118 : i32
    %jit3A_120 = arith.constant 147456 : i32
    %div3A_121 = arith.divsi %add3A_119, %jit3A_120 : i32
    %sign3A_122 = arith.constant 0 : i32
    %sign3A_123 = arith.cmpi sgt, %add3A_119, %sign3A_122 : i32
    %sign3A_124 = arith.extui %sign3A_123 : i1 to i32
    %sign3A_125 = arith.constant 0 : i32
    %sign3A_126 = arith.cmpi slt, %add3A_119, %sign3A_125 : i32
    %sign3A_127 = arith.extui %sign3A_126 : i1 to i32
    %sign3A_128 = arith.subi %sign3A_124, %sign3A_127 : i32
    %sign3A_129 = arith.constant 0 : i32
    %sign3A_130 = arith.cmpi sgt, %jit3A_120, %sign3A_129 : i32
    %sign3A_131 = arith.extui %sign3A_130 : i1 to i32
    %sign3A_132 = arith.constant 0 : i32
    %sign3A_133 = arith.cmpi slt, %jit3A_120, %sign3A_132 : i32
    %sign3A_134 = arith.extui %sign3A_133 : i1 to i32
    %sign3A_135 = arith.subi %sign3A_131, %sign3A_134 : i32
    %ne3A_136 = arith.cmpi ne, %sign3A_128, %sign3A_135 : i32
    %rem3A_137 = arith.remsi %add3A_119, %jit3A_120 : i32
    %ne3A_138 = arith.constant 0 : i32
    %ne3A_139 = arith.cmpi ne, %rem3A_137, %ne3A_138 : i32
    %and3A_140 = arith.andi %ne3A_136, %ne3A_139 : i1
    %sub3A_141 = arith.constant 1 : i32
    %sub3A_142 = arith.subi %div3A_121, %sub3A_141 : i32
    %select_n3A_143 = arith.select %and3A_140, %sub3A_142, %div3A_121 : i32
    %mul3A_144 = arith.constant 147456 : i32
    %mul3A_145 = arith.muli %select_n3A_143, %mul3A_144 : i32
    %sub3A_146 = arith.subi %add3A_119, %mul3A_145 : i32
    %jit3A_147 = arith.constant 384 : i32
    %div3A_148 = arith.divsi %sub3A_146, %jit3A_147 : i32
    %sign3A_149 = arith.constant 0 : i32
    %sign3A_150 = arith.cmpi sgt, %sub3A_146, %sign3A_149 : i32
    %sign3A_151 = arith.extui %sign3A_150 : i1 to i32
    %sign3A_152 = arith.constant 0 : i32
    %sign3A_153 = arith.cmpi slt, %sub3A_146, %sign3A_152 : i32
    %sign3A_154 = arith.extui %sign3A_153 : i1 to i32
    %sign3A_155 = arith.subi %sign3A_151, %sign3A_154 : i32
    %sign3A_156 = arith.constant 0 : i32
    %sign3A_157 = arith.cmpi sgt, %jit3A_147, %sign3A_156 : i32
    %sign3A_158 = arith.extui %sign3A_157 : i1 to i32
    %sign3A_159 = arith.constant 0 : i32
    %sign3A_160 = arith.cmpi slt, %jit3A_147, %sign3A_159 : i32
    %sign3A_161 = arith.extui %sign3A_160 : i1 to i32
    %sign3A_162 = arith.subi %sign3A_158, %sign3A_161 : i32
    %ne3A_163 = arith.cmpi ne, %sign3A_155, %sign3A_162 : i32
    %rem3A_164 = arith.remsi %sub3A_146, %jit3A_147 : i32
    %ne3A_165 = arith.constant 0 : i32
    %ne3A_166 = arith.cmpi ne, %rem3A_164, %ne3A_165 : i32
    %and3A_167 = arith.andi %ne3A_163, %ne3A_166 : i1
    %sub3A_168 = arith.constant 1 : i32
    %sub3A_169 = arith.subi %div3A_148, %sub3A_168 : i32
    %select_n3A_170 = arith.select %and3A_167, %sub3A_169, %div3A_148 : i32
    %mul3A_171 = arith.constant 384 : i32
    %mul3A_172 = arith.muli %select_n3A_170, %mul3A_171 : i32
    %sub3A_173 = arith.subi %sub3A_146, %mul3A_172 : i32
    %dma_wait3A = arith.constant 0 : i32
    %dma_wait3A_174 = arith.constant 0 : i32
    %dma_wait3A_175 = arith.constant 0 : i32
    %dma_wait3A_176 = tpu.memref_slice %arg11[%dma_wait3A, %dma_wait3A_174, %dma_wait3A_175] : memref<2x96x129xf32, #tpu.memory_space<vmem>> -> memref<1x96x128xf32, #tpu.memory_space<vmem>>
    %dma_wait3A_177 = tpu.memref_squeeze %dma_wait3A_176 : memref<1x96x128xf32, #tpu.memory_space<vmem>> -> memref<96x128xf32, #tpu.memory_space<vmem>>
    %dma_wait3A_178 = arith.constant 0 : i32
    %dma_wait3A_179 = tpu.memref_slice %arg5[%select_n3A_143, %dma_wait3A_178, %select_n3A_170, %sub3A_173] : memref<2x96x384x384xf32, #tpu.memory_space<hbm>> -> memref<1x96x1x128xf32, #tpu.memory_space<hbm>>
    %dma_wait3A_180 = tpu.memref_squeeze %dma_wait3A_179 : memref<1x96x1x128xf32, #tpu.memory_space<hbm>> -> memref<96x128xf32, #tpu.memory_space<hbm>>
    %dma_wait3A_181 = arith.constant 0 : i32
    %dma_wait3A_182 = tpu.memref_slice %arg5[%select_n3A_143, %dma_wait3A_181, %select_n3A_170, %sub3A_173] : memref<2x96x384x384xf32, #tpu.memory_space<hbm>> -> memref<1x96x1x128xf32, #tpu.memory_space<hbm>>
    %dma_wait3A_183 = tpu.memref_squeeze %dma_wait3A_182 : memref<1x96x1x128xf32, #tpu.memory_space<hbm>> -> memref<96x128xf32, #tpu.memory_space<hbm>>
    %dma_wait3A_184 = arith.constant 0 : i32
    %dma_wait3A_185 = arith.constant 0 : i32
    %dma_wait3A_186 = tpu.memref_slice %arg11[%dma_wait3A, %dma_wait3A_184, %dma_wait3A_185] : memref<2x96x129xf32, #tpu.memory_space<vmem>> -> memref<1x96x128xf32, #tpu.memory_space<vmem>>
    %dma_wait3A_187 = tpu.memref_squeeze %dma_wait3A_186 : memref<1x96x128xf32, #tpu.memory_space<vmem>> -> memref<96x128xf32, #tpu.memory_space<vmem>>
    tpu.wait_dma2 semaphore(%arg14 : memref<!tpu.dma_semaphore, #tpu.memory_space<semaphore_mem>>) src(%dma_wait3A_187 : memref<96x128xf32, #tpu.memory_space<vmem>>) dst(%dma_wait3A_183 : memref<96x128xf32, #tpu.memory_space<hbm>>)
    %add3A_188 = arith.constant 9088 : i32
    %add3A_189 = arith.addi %mul3A_2, %add3A_188 : i32
    %jit3A_190 = arith.constant 147456 : i32
    %div3A_191 = arith.divsi %add3A_189, %jit3A_190 : i32
    %sign3A_192 = arith.constant 0 : i32
    %sign3A_193 = arith.cmpi sgt, %add3A_189, %sign3A_192 : i32
    %sign3A_194 = arith.extui %sign3A_193 : i1 to i32
    %sign3A_195 = arith.constant 0 : i32
    %sign3A_196 = arith.cmpi slt, %add3A_189, %sign3A_195 : i32
    %sign3A_197 = arith.extui %sign3A_196 : i1 to i32
    %sign3A_198 = arith.subi %sign3A_194, %sign3A_197 : i32
    %sign3A_199 = arith.constant 0 : i32
    %sign3A_200 = arith.cmpi sgt, %jit3A_190, %sign3A_199 : i32
    %sign3A_201 = arith.extui %sign3A_200 : i1 to i32
    %sign3A_202 = arith.constant 0 : i32
    %sign3A_203 = arith.cmpi slt, %jit3A_190, %sign3A_202 : i32
    %sign3A_204 = arith.extui %sign3A_203 : i1 to i32
    %sign3A_205 = arith.subi %sign3A_201, %sign3A_204 : i32
    %ne3A_206 = arith.cmpi ne, %sign3A_198, %sign3A_205 : i32
    %rem3A_207 = arith.remsi %add3A_189, %jit3A_190 : i32
    %ne3A_208 = arith.constant 0 : i32
    %ne3A_209 = arith.cmpi ne, %rem3A_207, %ne3A_208 : i32
    %and3A_210 = arith.andi %ne3A_206, %ne3A_209 : i1
    %sub3A_211 = arith.constant 1 : i32
    %sub3A_212 = arith.subi %div3A_191, %sub3A_211 : i32
    %select_n3A_213 = arith.select %and3A_210, %sub3A_212, %div3A_191 : i32
    %mul3A_214 = arith.constant 147456 : i32
    %mul3A_215 = arith.muli %select_n3A_213, %mul3A_214 : i32
    %sub3A_216 = arith.subi %add3A_189, %mul3A_215 : i32
    %jit3A_217 = arith.constant 384 : i32
    %div3A_218 = arith.divsi %sub3A_216, %jit3A_217 : i32
    %sign3A_219 = arith.constant 0 : i32
    %sign3A_220 = arith.cmpi sgt, %sub3A_216, %sign3A_219 : i32
    %sign3A_221 = arith.extui %sign3A_220 : i1 to i32
    %sign3A_222 = arith.constant 0 : i32
    %sign3A_223 = arith.cmpi slt, %sub3A_216, %sign3A_222 : i32
    %sign3A_224 = arith.extui %sign3A_223 : i1 to i32
    %sign3A_225 = arith.subi %sign3A_221, %sign3A_224 : i32
    %sign3A_226 = arith.constant 0 : i32
    %sign3A_227 = arith.cmpi sgt, %jit3A_217, %sign3A_226 : i32
    %sign3A_228 = arith.extui %sign3A_227 : i1 to i32
    %sign3A_229 = arith.constant 0 : i32
    %sign3A_230 = arith.cmpi slt, %jit3A_217, %sign3A_229 : i32
    %sign3A_231 = arith.extui %sign3A_230 : i1 to i32
    %sign3A_232 = arith.subi %sign3A_228, %sign3A_231 : i32
    %ne3A_233 = arith.cmpi ne, %sign3A_225, %sign3A_232 : i32
    %rem3A_234 = arith.remsi %sub3A_216, %jit3A_217 : i32
    %ne3A_235 = arith.constant 0 : i32
    %ne3A_236 = arith.cmpi ne, %rem3A_234, %ne3A_235 : i32
    %and3A_237 = arith.andi %ne3A_233, %ne3A_236 : i1
    %sub3A_238 = arith.constant 1 : i32
    %sub3A_239 = arith.subi %div3A_218, %sub3A_238 : i32
    %select_n3A_240 = arith.select %and3A_237, %sub3A_239, %div3A_218 : i32
    %mul3A_241 = arith.constant 384 : i32
    %mul3A_242 = arith.muli %select_n3A_240, %mul3A_241 : i32
    %sub3A_243 = arith.subi %sub3A_216, %mul3A_242 : i32
    %dma_wait3A_244 = arith.constant 1 : i32
    %dma_wait3A_245 = arith.constant 0 : i32
    %dma_wait3A_246 = arith.constant 0 : i32
    %dma_wait3A_247 = tpu.memref_slice %arg11[%dma_wait3A_244, %dma_wait3A_245, %dma_wait3A_246] : memref<2x96x129xf32, #tpu.memory_space<vmem>> -> memref<1x96x128xf32, #tpu.memory_space<vmem>>
    %dma_wait3A_248 = tpu.memref_squeeze %dma_wait3A_247 : memref<1x96x128xf32, #tpu.memory_space<vmem>> -> memref<96x128xf32, #tpu.memory_space<vmem>>
    %dma_wait3A_249 = arith.constant 0 : i32
    %dma_wait3A_250 = tpu.memref_slice %arg5[%select_n3A_213, %dma_wait3A_249, %select_n3A_240, %sub3A_243] : memref<2x96x384x384xf32, #tpu.memory_space<hbm>> -> memref<1x96x1x128xf32, #tpu.memory_space<hbm>>
    %dma_wait3A_251 = tpu.memref_squeeze %dma_wait3A_250 : memref<1x96x1x128xf32, #tpu.memory_space<hbm>> -> memref<96x128xf32, #tpu.memory_space<hbm>>
    %dma_wait3A_252 = arith.constant 0 : i32
    %dma_wait3A_253 = tpu.memref_slice %arg5[%select_n3A_213, %dma_wait3A_252, %select_n3A_240, %sub3A_243] : memref<2x96x384x384xf32, #tpu.memory_space<hbm>> -> memref<1x96x1x128xf32, #tpu.memory_space<hbm>>
    %dma_wait3A_254 = tpu.memref_squeeze %dma_wait3A_253 : memref<1x96x1x128xf32, #tpu.memory_space<hbm>> -> memref<96x128xf32, #tpu.memory_space<hbm>>
    %dma_wait3A_255 = arith.constant 0 : i32
    %dma_wait3A_256 = arith.constant 0 : i32
    %dma_wait3A_257 = tpu.memref_slice %arg11[%dma_wait3A_244, %dma_wait3A_255, %dma_wait3A_256] : memref<2x96x129xf32, #tpu.memory_space<vmem>> -> memref<1x96x128xf32, #tpu.memory_space<vmem>>
    %dma_wait3A_258 = tpu.memref_squeeze %dma_wait3A_257 : memref<1x96x128xf32, #tpu.memory_space<vmem>> -> memref<96x128xf32, #tpu.memory_space<vmem>>
    tpu.wait_dma2 semaphore(%arg15 : memref<!tpu.dma_semaphore, #tpu.memory_space<semaphore_mem>>) src(%dma_wait3A_258 : memref<96x128xf32, #tpu.memory_space<vmem>>) dst(%dma_wait3A_254 : memref<96x128xf32, #tpu.memory_space<hbm>>)
    return
  }
}

</mosaic_0001>

<sc_bundles>
// kernel: kernel.3.cloned.1.call-start
scs
__scs_entry_jumppad:
0x0: {  	(pc) =	sbr.rel $0x88, $3  }
0x1: {  	(tag) =	ssettag $0x0;
	lr =	simm.s32 $0x1  }
0x2: {  	[smem:$0x3F9F] =	sst lr;
	_ =	strace $0xD0000000  }
0x3: {  	_ = 	snop  }
0x4: {  	_ = 	snop  }
0x5: {  	_ = 	snop  }
0x6: {  	_ = 	snop  }
0x7: {  	_ = 	snop  }
__scs_overlays_trampoline_lowered:
0x8: {  	[smem:$0x3FAE] =	sst s0  }
0x9: {  	[smem:$0x3FAF] =	sst s1  }
0xa: {  	[smem:$0x3FB0] =	sst s2  }
0xb: {  	[smem:$0x3FB1] =	sst s3  }
0xc: {  	[smem:$0x3FB2] =	sst s4  }
0xd: {  	[smem:$0x3FB3] =	sst s5  }
0xe: {  	[smem:$0x3FB4] =	sst s6  }
0xf: {  	[smem:$0x3FB5] =	sst s7  }
0x10: {  	[smem:$0x3FB6] =	sst s8  }
0x11: {  	[smem:$0x3FB7] =	sst s9;
	s0 =	simm.s32 @!p0 $0x0  }
0x12: {  	s1 =	sld [smem:$0x3F9D];
	s0 =	simm.s32 @p0 $0x1  }
0x13: {  	[smem:$0x3FB8] =	sst s0;
	s0 =	simm.s32 @!p1 $0x0  }
0x14: {  	s2 =	sld [smem:$0x3F9C];
	s0 =	simm.s32 @p1 $0x1  }
0x15: {  	[smem:$0x3FB9] =	sst s0;
	s0 =	simm.s32 @!p2 $0x0  }
0x16: {  	s3 =	sld [smem:$0x3FDB];
	s0 =	simm.s32 @p2 $0x1  }
0x17: {  	s4 =	simm.s32 $0x1BF5;
	[smem:$0x3FBB] =	sst s0  }
0x18: {  	s0 =	sld [smem:$0x3F9E];
	_ =	swait.ge [sflag:s4], $0x0  }
0x19: {  	s7 =	sld [smem:$0x3F9F]  }
0x1a: {  	s8 =	sadd.s32 $0xFFFFE003, lr  }
0x1b: {  	s9 =	sadd.s32 $0xFFFFFEF7, lr;
	s5 =	simm.s32 $0xFFFFFFFF;
	p2 =	slt.u32 s8, $0xFFFFF086  }
0x1c: {  	p1 =	slt.u32 s9, $0xF7A;
	s5 =	simm.s32 @!p2 $0x0  }
0x1d: {  	s5 =	simm.s32 @p1 $0x1;
	p0 =	seq.s32 s7, s2  }
0x1e: {  	s7 =	smul.u32 @!p0 $0xF7A, s2;
	p2 =	seq.s32 @!p0 s5, $0x0  }
0x1f: {  	s9 =	smul.u32 $0xF7A, s1;
	s8 =	simm.s32 @!p0 $0x1BF5;
	p2 =	por !p2, p0  }
0x20: {  	[sflag:s8] =	ssyncset.s32 @!p0 $0xFFFFF086;
	s6 =	sadd.s32 @!p0 s3, s7;
	s7 =	simm.s32 @!p0 $0x108  }
0x21: {  	s3 =	sadd.s32 s3, s9;
	s6 =	sadd.s32 @!p0 $0x88, s6;
	s7 =	simm.s32 @p2 $0x1082  }
0x22: {  	[simem:s7], [sflag:s8] =	dma.local @!p0 [hbm:s6], $0xF7A  }
0x23: {  	s9 =	sor.u32 $0xD0000000, s2;
	s6 =	simm.s32 $0x108;
	_ =	swait.ge @!p0 [sflag:s8], $0x0  }
0x24: {  	s3 =	sadd.s32 $0x88, s3;
	s6 =	simm.s32 @!p1 $0x1082;
	[sflag:s4] =	ssyncset.s32 $0xFFFFF086  }
0x25: {  	[simem:s6], [sflag:s4] =	dma.local [hbm:s3], $0xF7A  }
0x26: {  	[smem:$0x3F9F] =	sst s1;
	(tag) =	ssettag s2;
	_ =	strace s9  }
0x27: {  	s1 =	sld [smem:$0x3FAF]  }
0x28: {  	s2 =	sld [smem:$0x3FB0]  }
0x29: {  	s4 =	sld [smem:$0x3FB2]  }
0x2a: {  	p0 =	seq.s32 s5, $0x0;
	s5 =	sld [smem:$0x3FB3]  }
0x2b: {  	s6 =	sld [smem:$0x3FB4]  }
0x2c: {  	s7 =	sld [smem:$0x3FB5]  }
0x2d: {  	s3 =	simm.s32 $0x108;
	s8 =	sld [smem:$0x3FB6]  }
0x2e: {  	s3 =	simm.s32 @!p0 $0x1082;
	s9 =	sld [smem:$0x3FB7]  }
0x2f: {  	lr =	sadd.s32 s0, s3;
	s0 =	sld [smem:$0x3FAE]  }
0x30: {  	s3 =	sld [smem:$0x3FB1]  }
0x31: {  	[smem:$0x3FBA] =	sst s10  }
0x32: {  	s10 =	sld [smem:$0x3FB8];
	_ =	sdelay $0x3  }
0x33: {  	p0 =	seq.s32 s10, $0x1;
	s10 =	sld [smem:$0x3FBA];
	_ =	sdelay $0x3  }
0x34: {  	[smem:$0x3FBA] =	sst s10  }
0x35: {  	s10 =	sld [smem:$0x3FB9];
	_ =	sdelay $0x3  }
0x36: {  	p1 =	seq.s32 s10, $0x1;
	s10 =	sld [smem:$0x3FBA];
	_ =	sdelay $0x3  }
0x37: {  	[smem:$0x3FBA] =	sst s10  }
0x38: {  	s10 =	sld [smem:$0x3FBB]  }
0x39: {  	_ = 	snop;
	(pc) =	sbr.ind lr, $3  }
0x3a: {  	_ = 	snop  }
0x3b: {  	_ = 	snop  }
0x3c: {  	p2 =	seq.s32 s10, $0x1;
	s10 =	sld [smem:$0x3FBA]  }
0x3d: {  	_ =	shalt  }
0x3e: {  	_ =	shalt  }
0x3f: {  	_ =	shalt  }
0x40: {  	_ =	shalt  }
0x41: {  	_ =	shalt  }
0x42: {  	_ =	shalt  }
0x43: {  	_ =	shalt  }
0x44: {  	_ =	shalt  }
0x45: {  	_ =	shalt  }
0x46: {  	_ =	shalt  }
0x47: {  	_ =	shalt  }
0x48: {  	_ =	shalt  }
0x49: {  	_ =	shalt  }
0x4a: {  	_ =	shalt  }
0x4b: {  	_ =	shalt  }
0x4c: {  	_ =	shalt  }
0x4d: {  	_ =	shalt  }
0x4e: {  	_ =	shalt  }
0x4f: {  	_ =	shalt  }
0x50: {  	_ =	shalt  }
0x51: {  	_ =	shalt  }
0x52: {  	_ =	shalt  }
0x53: {  	_ =	shalt  }
0x54: {  	_ =	shalt  }
0x55: {  	_ =	shalt  }
0x56: {  	_ =	shalt  }
0x57: {  	_ =	shalt  }
0x58: {  	_ =	shalt  }
0x59: {  	_ =	shalt  }
0x5a: {  	_ =	shalt  }
0x5b: {  	_ =	shalt  }
0x5c: {  	_ =	shalt  }
0x5d: {  	_ =	shalt  }
0x5e: {  	_ =	shalt  }
0x5f: {  	_ =	shalt  }
0x60: {  	_ =	shalt  }
0x61: {  	_ =	shalt  }
0x62: {  	_ =	shalt  }
0x63: {  	_ =	shalt  }
0x64: {  	_ =	shalt  }
0x65: {  	_ =	shalt  }
0x66: {  	_ =	shalt  }
0x67: {  	_ =	shalt  }
0x68: {  	_ =	shalt  }
0x69: {  	_ =	shalt  }
0x6a: {  	_ =	shalt  }
0x6b: {  	_ =	shalt  }
0x6c: {  	_ =	shalt  }
0x6d: {  	_ =	shalt  }
0x6e: {  	_ =	shalt  }
0x6f: {  	_ =	shalt  }
0x70: {  	_ =	shalt  }
0x71: {  	_ =	shalt  }
0x72: {  	_ =	shalt  }
0x73: {  	_ =	shalt  }
0x74: {  	_ =	shalt  }
0x75: {  	_ =	shalt  }
0x76: {  	_ =	shalt  }
0x77: {  	_ =	shalt  }
0x78: {  	_ =	shalt  }
0x79: {  	_ =	shalt  }
0x7a: {  	_ =	shalt  }
0x7b: {  	_ =	shalt  }
0x7c: {  	_ =	shalt  }
0x7d: {  	_ =	shalt  }
0x7e: {  	_ =	shalt  }
0x7f: {  	_ =	shalt  }
0x80: {  	_ =	shalt  }
0x81: {  	_ =	shalt  }
0x82: {  	_ =	shalt  }
0x83: {  	_ =	shalt  }
0x84: {  	_ =	shalt  }
0x85: {  	_ =	shalt  }
0x86: {  	_ =	shalt  }
0x87: {  	_ =	shalt  }
.Lfunc_end0:
.L_simem_size_0:
called_computation.2_lowered:
.L_overlay_start_0:
0x88: {  	s2 =	sld [smem:$0x3FD9]  }
0x89: {  	s3 =	sld [smem:$0x3FFE];
	_ =	sdelay $0x1  }
0x8a: {  	s1 =	srdreg.scid  }
0x8b: {  	s0 =	sand.u32 $0x1, s1  }
0x8c: {  	s16 =	sshll.u32 s0, $0xA;
	s2 =	sadd.s32 s3, s2  }
0x8d: {  	s2 =	sadd.s32 s2, s16  }
0x8e: {  	[smem:$0x3FC6] =	sst s2  }
0x8f: {  	_ = 	snop  }
0x90: {  	(tm) =	ssettm $0x1  }
0x91: {  	s17 =	sld [smem:$0x3FFB];
	_ =	sdelay $0x3  }
0x92: {  	_ =	strace s17  }
0x93: {  	s2 =	sld [smem:$0x3FFC];
	_ =	sdelay $0x3  }
0x94: {  	_ =	strace s2  }
0x95: {  	s2 =	sld [smem:$0x3FFD];
	_ =	sdelay $0x3  }
0x96: {  	_ =	strace s2  }
0x97: {  	_ =	strace $0x8FFFFFFF  }
0x98: {  	s18 =	sld [smem:$0x3FDB];
	_ =	sdelay $0x1  }
0x99: {  	s19 =	simm.s32 $_scs_section_size  }
0x9a: {  	s4 =	simm.s32 $_size__tile_overlayer_lowered;
	s5 =	simm.s32 $_tile_overlayer_lowered  }
0x9b: {  	s22 =	simm.s32 $0x1BFF;
	s21 =	sshll.u32 s5, $0x1;
	s2 =	sadd.s32 s19, s18  }
0x9c: {  	s6 =	simm.s32 $0x0;
	s20 =	sshll.u32 s4, $0x1;
	s4 =	sadd.s32 s21, s2  }
0x9d: {  	[timem:s6], [sflag:s22] =	dma.local [hbm:s4], s20  }
0x9e: {  	_ =	swait.ge [sflag:s22], s20  }
0x9f: {  	s3 =	ssub.s32 $0x0, s20;
	[sflag:s22] =	ssyncset.done $0x0  }
0xa0: {  	[sflag:s22] =	ssyncadd.s32 s3;
	_ =	sdelay $0x1  }
0xa1: {  	s23 =	simm.s32 $0x1B8B  }
0xa2: {  	_ =	swait.ge [sflag:s23], $0x1  }
0xa3: {  	[sflag:s23] =	ssyncset.done $0x0  }
0xa4: {  	s25 =	simm.s32 $0x1B8E;
	s24 =	sld [smem:$0x3FFE];
	[sflag:s23] =	ssyncadd.s32 $0xFFFFFFFF  }
0xa5: {  	s26 =	simm.s32 $execute0_lowered;
	[smem:$0x3FD2] =	sst s25  }
0xa6: {  	s4 =	sshll.u32 s26, $0x1;
	_ =	strace $0x8000004C;
	[dreg:$0x1] =	wrdreg $0xFFFFFFFF  }
0xa7: {  	s28 =	simm.s32 $_size_execute0_lowered;
	s2 =	sadd.s32 s2, s4;
	[dreg:$0x0] =	wrdreg $0x0  }
0xa8: {  	s4 =	sshll.u32 s28, $0x1;
	[dreg:$0x2] =	wrdreg s2  }
0xa9: {  	[dreg:$0x3] =	wrdreg s4  }
0xaa: {  	[dreg:$0x4] =	wrdreg $0xC0  }
0xab: {  	_ =	task [dreg:s6], $0x5FFFF  }
0xac: {  	[dreg:$0x1] =	wrdreg $0xFFFFFFFF  }
0xad: {  	[dreg:$0x0] =	wrdreg $0x60  }
0xae: {  	[dreg:$0x2] =	wrdreg s24  }
0xaf: {  	[dreg:$0x3] =	wrdreg $0x9  }
0xb0: {  	_ =	task.clear_ibuf [dreg:s6], $0x4FFFF;
	_ =	strace $0x9000004C  }
0xb1: {  	s29 =	simm.s32 $0x9;
	_ =	strace $0x8000004E  }
0xb2: {  	_ =	swait.ge [sflag:s29], $0x1  }
0xb3: {  	[sflag:s29] =	ssyncadd.s32 $0xFFFFFFFF  }
0xb4: {  	_ =	strace $0x9000004E  }
0xb5: {  	_ =	sfence  }
0xb6: {  	s30 =	sld [smem:$0x0];
	_ =	sdelay $0x2  }
0xb7: {  	s31 =	sshll.u32 s1, $0xD;
	s1 =	sshrl.u32 s1, $0x2  }
0xb8: {  	s3 =	sand.u32 $0x4000, s31;
	s1 =	sadd.s32 s1, s30  }
0xb9: {  	s0 =	sor.u32 s3, s0;
	s1 =	sshll.u32 s1, $0x11  }
0xba: {  	s0 =	sor.u32 s1, s0  }
0xbb: {  	s0 =	sadd.s32 $0x8F2B, s0  }
0xbc: {  	[sflag:s0] =	ssyncadd.remote.s32 $0x1  }
0xbd: {  	_ =	sfence.sel $0xFFFF  }
0xbe: {  	[dreg:$0x0] =	wrdreg $0xFFFFFFFF;
	(pc) =	sbr.abs _section_cstart, $3  }
0xbf: {  	[dreg:$0x1] =	wrdreg $0xFFFFFFFF  }
0xc0: {  	_ =	task.clear_ibuf [dreg:s6], $0x2FFFF;
	_ =	strace $0x9FFFFFFF  }
0xc1: {  	(tm) =	ssettm $0x7FFFFFFF  }
tec
execute0_lowered:
.L_overlay_start_1:
0x0: {  	(tag) =	ssettag $0x1  }
0x1: {  	s0 =	srdreg.scid;
	s7 =	stileid.u32  }
0x2: {  	s5 =	rddreg [dreg:$0x0];
	s3 =	simm.s32 $0x0;
	s9 =	simm.s32 $0x5  }
0x3: {  	s11 =	simm.s32 $0x200;
	s12 =	simm.s32 $0x4800;
	s13 =	simm.s32 $0x5000  }
0x4: {  	s14 =	simm.s32 $0x4A00;
	s15 =	simm.s32 $0xB000;
	s16 =	simm.s32 $0x1  }
0x5: {  	s17 =	simm.s32 $0x4C00;
	s0 =	sand.u32 $0x1, s0;
	s1 =	sshll.u32 s7, $0x1  }
0x6: {  	s18 =	simm.s32 $0x11000;
	s19 =	simm.s32 $0x2;
	s1 =	sor.u32 s0, s1  }
0x7: {  	s20 =	simm.s32 $0x4;
	s21 =	simm.s32 $0x4E00;
	s2 =	smul.u32 $0x2400, s1  }
0x8: {  	s22 =	simm.s32 $0x14300;
	[smem:$0x7FF] =	sst s3;
	s31 =	sshrl.u32 s7, $0x3  }
0x9: {  	s0 =	ssub.s32 $0x2, s0;
	_ =	strace $0x8000004D;
	s1 =	sshrl.u32 s2, $0x3  }
.Ltmp0:
0xa: {  	v0 =	vlaneseq.u32;
	s6 =	sshrl.u32 s0, $0x1;
	s1 =	sadd.s32 s1, s5;
	(pc) =	sbr.rel .LBB2_1-.Ltmp0, $4  }
0xb: {  	v0 =	vmul.u32 $0x110, v0;
	s0 =	ssub.s32 s0, s6;
	s30 =	sadd.s32 $0x1BA000, s1;
	s1 =	sadd.s32 $0x1B1000, s1  }
0xc: {  	v2 =	vimm.s32 $0x0;
	s0 =	smax.u32 s0, $0x1;
	[dreg:$0x3] =	wrdreg s1;
	s1 =	smul.u32 $0x24000, s31  }
0xd: {  	s24 =	simm.s32 $0x0;
	s25 =	simm.s32 $0x0;
	v3 =	vadd.s32 $0x88, v0;
	v4 =	vadd.s32 $0x1100, v0;
	v5 =	vadd.s32 $0x1188, v0;
	[dreg:$0x4] =	wrdreg s0  }
0xe: {  	s4 =	sadd.s32 $0x1000, s5;
	v6 =	vadd.s32 $0x2200, v0;
	v7 =	vadd.s32 $0x2288, v0;
	s5 =	sadd.s32 $0x1C3000, s5;
	[dreg:$0x2] =	wrdreg s30;
	v1 =	vmov s1  }
.LBB2_24:
0xf: {  	s0 =	simm.s32 $0x3  }
0x10: {  	_ =	swait.ge [sflag:s0], $0x3000  }
0x11: {  	[sflag:s0] =	ssyncset.done $0x0  }
0x12: {  	[sflag:s0] =	ssyncadd.s32 $0xFFFFD000  }
0x13: {  	_ =	swait.ge [sflag:s20], $0x3000  }
0x14: {  	s24 =	sadd.s32 $0x1, s24;
	s31 =	rddreg [dreg:$0x4]  }
0x15: {  	p0 =	sne.s32 s24, s31  }
.Ltmp1:
0x16: {  	_ = 	snop;
	(pc) =	sbr.rel @!p0 .LBB2_25-.Ltmp1, $3  }
0x17: {  	_ =	sdelay $0x1  }
0x18: {  	[sflag:s20] =	ssyncset.done $0x0  }
0x19: {  	[sflag:s20] =	ssyncadd.s32 $0xFFFFD000  }
.LBB2_1:
0x1a: {  	s0 =	rddreg [dreg:$0x2]  }
0x1b: {  	[tilespmem:s3], [sflag:$0x5] =	stream.linear.gather [hbm4b:s0+s3], $0x2400, $0x38;
	[tilespmem:$0x17600] =	vst v63  }
0x1c: {  	_ =	swait.ge [sflag:s9], $0x2400  }
0x1d: {  	[sflag:s9] =	ssyncset.done $0x0  }
0x1e: {  	s1 =	simm.s32 $0x2400;
	s31 =	rddreg [dreg:$0x3];
	[sflag:s9] =	ssyncadd.s32 $0xFFFFDC00  }
0x1f: {  	[tilespmem:s1], [sflag:$0x5] =	stream.linear.gather [hbm4b:s31+s3], $0x2400, $0x38;
	[tilespmem:$0x17600] =	vst v63  }
0x20: {  	_ =	swait.ge [sflag:s9], $0x2400  }
0x21: {  	[sflag:s9] =	ssyncset.done $0x0  }
0x22: {  	s0 =	simm.s32 $0x0;
	[sflag:s9] =	ssyncadd.s32 $0xFFFFDC00  }
0x23: {  	v8 =	vld [tilespmem:s0+$0x0];
	_ =	sdelay $0x1  }
0x24: {  	v9 =	vld [tilespmem:s0+$0x2400];
	_ =	sdelay $0x2  }
0x25: {  	v8 =	vadd.f32 $1.000000000e+00, v8;
	_ =	sdelay $0x1  }
0x26: {  	v9 =	vadd.f32 $1.000000000e+00, v9;
	v8 =	vmul.f32 $1.920000000e+02, v8;
	_ =	sdelay $0x1  }
0x27: {  	v10 =	vadd.f32 $-5.000000000e-01, v8;
	v8 =	vmul.f32 $1.920000000e+02, v9;
	_ =	sdelay $0x1  }
0x28: {  	v15 =	vadd.f32 $-5.000000000e-01, v8;
	v8 =	vtrunc.f32 v10  }
0x29: {  	v9 =	vcvt.f32.s32 v8;
	vm0 =	vlt.f32 v10, v8  }
0x2a: {  	v8 =	vsel vm0, $0xFFFFFFFF, v2;
	v11 =	vtrunc.f32 v15  }
0x2b: {  	v12 =	vadd.s32 v9, v8;
	v8 =	vcvt.f32.s32 v11;
	vm14 =	vlt.f32 v15, v11  }
0x2c: {  	v9 =	vsel vm14, $0xFFFFFFFF, v2;
	v11 =	vcvt.s32.f32 v12;
	v13 =	vadd.s32 $0x1, v12  }
0x2d: {  	vm15 =	vgt.s32 v12, $0x0;
	v8 =	vadd.s32 v8, v9;
	vm1 =	vgt.s32 v13, $0x0  }
0x2e: {  	v11 =	vsub.f32 v10, v11;
	v16 =	vcvt.s32.f32 v8;
	vm2 =	vgt.s32 v8, $0x0  }
0x2f: {  	v10 =	vnsel vm15, $0x0, v12;
	v9 =	vnsel vm1, $0x0, v13;
	v17 =	vnsel vm2, $0x0, v8  }
0x30: {  	s6 =	simm.s32 $0x80;
	s1 =	simm.s32 $0x10;
	v14 =	vsub.f32 $1.000000000e+00, v11;
	v15 =	vsub.f32 v15, v16;
	v16 =	vmin.u32 v17, $0x17F  }
.LBB2_2:
0x31: {  	p0 =	sne.s32 s6, $0x1C0;
	v17 =	vld [tilespmem:s1+$0x0];
	v16 =	vmul.u32 $0x180, v16;
	vm0 =	vlt.u32 v13, $0x180;
	v13 =	vadd.s32 $0x1, v8  }
0x32: {  	vm1 =	vlt.u32 v12, $0x180;
	vm2 =	vlt.u32 v13, $0x180;
	v12 =	vmul.f32 v14, v15  }
0x33: {  	v19 =	vsub.f32 $1.000000000e+00, v15;
	vm4 =	vgt.s32 v13, $0x0;
	v18 =	vld [tilespmem:s1+$0x2400];
	vm3 =	vmand vm1, vm2  }
0x34: {  	v15 =	vmul.f32 v15, v11;
	v13 =	vnsel vm4, $0x0, v13;
	v12 =	vnsel vm3, $0x0, v12  }
0x35: {  	v14 =	vmul.f32 v19, v14;
	v11 =	vmul.f32 v19, v11;
	v13 =	vmin.u32 v13, $0x17F;
	[tilespmem:s0+$0x4D00] =	vst v12  }
0x36: {  	vm3 =	vlt.u32 v8, $0x180;
	v8 =	vmul.u32 $0x180, v13;
	v12 =	vadd.f32 $1.000000000e+00, v17  }
0x37: {  	v10 =	vmin.u32 v10, $0x17F;
	v9 =	vmin.u32 v9, $0x17F;
	v13 =	vadd.s32 v1, v16  }
0x38: {  	v8 =	vadd.s32 v1, v8;
	v12 =	vmul.f32 $1.920000000e+02, v12;
	v16 =	vadd.f32 $1.000000000e+00, v18  }
0x39: {  	vm1 =	vmand vm1, vm3;
	vm3 =	vmand vm0, vm3;
	vm0 =	vmand vm0, vm2  }
0x3a: {  	v14 =	vnsel vm1, $0x0, v14;
	v17 =	vadd.f32 $-5.000000000e-01, v12;
	v12 =	vmul.f32 $1.920000000e+02, v16  }
0x3b: {  	v11 =	vnsel vm3, $0x0, v11;
	[tilespmem:s0+$0x4C00] =	vst v14;
	v14 =	vadd.s32 v10, v8;
	v8 =	vadd.s32 v9, v8  }
0x3c: {  	v10 =	vadd.s32 v10, v13;
	v16 =	vadd.f32 $-5.000000000e-01, v12;
	v12 =	vtrunc.f32 v17;
	[tilespmem:s0+$0x4C80] =	vst v11  }
0x3d: {  	v9 =	vadd.s32 v9, v13;
	v11 =	vcvt.f32.s32 v12;
	vm1 =	vlt.f32 v17, v12;
	[tilespmem:s0+$0x4900] =	vst v14  }
0x3e: {  	v14 =	vnsel vm0, $0x0, v15;
	v12 =	vsel vm1, $0xFFFFFFFF, v2;
	v13 =	vtrunc.f32 v16;
	[tilespmem:s0+$0x4980] =	vst v8  }
0x3f: {  	v12 =	vadd.s32 v11, v12;
	v8 =	vcvt.f32.s32 v13;
	vm0 =	vlt.f32 v16, v13;
	[tilespmem:s0+$0x4800] =	vst v10  }
.Ltmp2:
0x40: {  	v10 =	vsel vm0, $0xFFFFFFFF, v2;
	v11 =	vcvt.s32.f32 v12;
	v13 =	vadd.s32 $0x1, v12;
	[tilespmem:s0+$0x4880] =	vst v9;
	(pc) =	sbr.rel @p0 .LBB2_2-.Ltmp2, $4  }
0x41: {  	vm0 =	vgt.s32 v12, $0x0;
	v8 =	vadd.s32 v8, v10;
	vm1 =	vgt.s32 v13, $0x0;
	[tilespmem:s0+$0x4D80] =	vst v14;
	s0 =	smov.u32 s1  }
0x42: {  	v11 =	vsub.f32 v17, v11;
	v15 =	vcvt.s32.f32 v8;
	vm2 =	vgt.s32 v8, $0x0  }
0x43: {  	v10 =	vnsel vm0, $0x0, v12;
	v9 =	vnsel vm1, $0x0, v13;
	v17 =	vnsel vm2, $0x0, v8  }
0x44: {  	s1 =	sshra.s32 s6, $0x2;
	s6 =	sadd.s32 $0x40, s6;
	v14 =	vsub.f32 $1.000000000e+00, v11;
	v15 =	vsub.f32 v16, v15;
	v16 =	vmin.u32 v17, $0x17F  }
0x45: {  	v17 =	vld [tilespmem:s1+$0x0];
	v18 =	vadd.s32 $0x1, v8  }
0x46: {  	v16 =	vmul.u32 $0x180, v16;
	vm0 =	vlt.u32 v12, $0x180;
	vm3 =	vlt.u32 v13, $0x180  }
0x47: {  	v19 =	vld [tilespmem:s1+$0x2400];
	vm7 =	vlt.u32 v8, $0x180;
	v10 =	vmin.u32 v10, $0x17F;
	v9 =	vmin.u32 v9, $0x17F  }
0x48: {  	vm1 =	vlt.u32 v18, $0x180;
	v12 =	vmul.f32 v14, v15;
	vm2 =	vgt.s32 v18, $0x0  }
0x49: {  	v20 =	vsub.f32 $1.000000000e+00, v15;
	v15 =	vmul.f32 v15, v11;
	v13 =	vnsel vm2, $0x0, v18  }
0x4a: {  	vm4 =	vmand vm0, vm1;
	v13 =	vmin.u32 v13, $0x17F;
	v17 =	vadd.f32 $1.000000000e+00, v17  }
0x4b: {  	vm0 =	vmand vm0, vm7;
	vm2 =	vmand vm3, vm7;
	v8 =	vmul.u32 $0x180, v13  }
0x4c: {  	v13 =	vadd.s32 v1, v16;
	v16 =	vmul.f32 $1.920000000e+02, v17;
	v17 =	vadd.f32 $1.000000000e+00, v19  }
0x4d: {  	vm1 =	vmand vm3, vm1;
	v12 =	vnsel vm4, $0x0, v12;
	v14 =	vmul.f32 v20, v14  }
0x4e: {  	v11 =	vmul.f32 v20, v11;
	v15 =	vnsel vm1, $0x0, v15;
	v17 =	vmul.f32 $1.920000000e+02, v17  }
0x4f: {  	v14 =	vnsel vm0, $0x0, v14;
	v8 =	vadd.s32 v1, v8;
	v16 =	vadd.f32 $-5.000000000e-01, v16  }
0x50: {  	v11 =	vnsel vm2, $0x0, v11;
	v18 =	vadd.s32 v10, v8;
	v17 =	vadd.f32 $-5.000000000e-01, v17  }
0x51: {  	v8 =	vadd.s32 v9, v8;
	v10 =	vadd.s32 v10, v13;
	v19 =	vtrunc.f32 v16  }
0x52: {  	v57 =	vcvt.f32.s32 v19;
	vm8 =	vlt.f32 v16, v19;
	v21 =	vtrunc.f32 v17  }
0x53: {  	v9 =	vadd.s32 v9, v13;
	v19 =	vsel vm8, $0xFFFFFFFF, v2;
	vm9 =	vlt.f32 v17, v21  }
0x54: {  	v19 =	vadd.s32 v57, v19;
	v58 =	vcvt.f32.s32 v21;
	v13 =	vsel vm9, $0xFFFFFFFF, v2  }
0x55: {  	v59 =	vcvt.s32.f32 v19;
	v60 =	vadd.s32 $0x1, v19;
	vm10 =	vgt.s32 v19, $0x0  }
0x56: {  	vm14 =	vlt.u32 v19, $0x180;
	v13 =	vadd.s32 v58, v13;
	vm11 =	vgt.s32 v60, $0x0  }
0x57: {  	[tilespmem:s0+$0x4D00] =	vst v12;
	v12 =	vnsel vm10, $0x0, v19;
	vm13 =	vlt.u32 v60, $0x180;
	v61 =	vcvt.s32.f32 v13  }
0x58: {  	[tilespmem:s0+$0x4C80] =	vst v11;
	v16 =	vsub.f32 v16, v59;
	vm12 =	vgt.s32 v13, $0x0;
	v11 =	vnsel vm11, $0x0, v60  }
0x59: {  	[tilespmem:s0+$0x4C00] =	vst v14;
	v63 =	vadd.s32 $0x1, v13;
	vm10 =	vlt.u32 v13, $0x180;
	v17 =	vsub.f32 v17, v61  }
0x5a: {  	[tilespmem:s0+$0x4900] =	vst v18;
	v14 =	vnsel vm12, $0x0, v13;
	vm15 =	vlt.u32 v63, $0x180;
	v62 =	vsub.f32 $1.000000000e+00, v16  }
0x5b: {  	[tilespmem:s0+$0x4980] =	vst v8;
	vm9 =	vgt.s32 v63, $0x0;
	vm2 =	vmand vm14, vm10;
	v8 =	vsub.f32 $1.000000000e+00, v17  }
0x5c: {  	[tilespmem:s0+$0x4800] =	vst v10;
	v10 =	vmin.u32 v14, $0x17F;
	v14 =	vnsel vm9, $0x0, v63;
	v18 =	vmul.f32 v62, v17  }
0x5d: {  	[tilespmem:s0+$0x4880] =	vst v9;
	vm8 =	vmand vm14, vm15;
	v14 =	vmin.u32 v14, $0x17F;
	v9 =	vmul.f32 v8, v62  }
0x5e: {  	[tilespmem:s0+$0x4D80] =	vst v15;
	v13 =	vmul.u32 $0x180, v14;
	v18 =	vnsel vm8, $0x0, v18;
	v8 =	vmul.f32 v8, v16  }
0x5f: {  	v12 =	vmin.u32 v12, $0x17F;
	vm3 =	vmand vm13, vm10;
	[tilespmem:s1+$0x4D00] =	vst v18;
	v9 =	vnsel vm2, $0x0, v9  }
0x60: {  	v10 =	vmul.u32 $0x180, v10;
	v13 =	vadd.s32 v1, v13;
	v8 =	vnsel vm3, $0x0, v8;
	[tilespmem:s1+$0x4C00] =	vst v9  }
0x61: {  	v9 =	vmin.u32 v11, $0x17F;
	v11 =	vadd.s32 v12, v13;
	[tilespmem:s1+$0x4C80] =	vst v8  }
0x62: {  	v8 =	vadd.s32 v1, v10;
	v10 =	vadd.s32 v9, v13;
	[tilespmem:s1+$0x4900] =	vst v11  }
0x63: {  	v11 =	vmul.f32 v17, v16;
	v12 =	vadd.s32 v12, v8;
	[tilespmem:s1+$0x4980] =	vst v10  }
0x64: {  	vm0 =	vmand vm13, vm15;
	v8 =	vadd.s32 v9, v8;
	[tilespmem:s1+$0x4800] =	vst v12  }
0x65: {  	[tilespmem:s1+$0x4880] =	vst v8;
	v9 =	vnsel vm0, $0x0, v11  }
0x66: {  	s0 =	simm.s32 $0x0;
	[tilespmem:s1+$0x4D80] =	vst v9  }
0x67: {  	[tilespmem:s13], [sflag:$0x1] =	stream.indirect.gather [hbm4b:s4+s11], $0x30, s12, s11, $0xb8;
	[tilespmem:$0x17600] =	vst v63  }
0x68: {  	v8 =	vld [tilespmem:s0+$0x80];
	_ =	sdelay $0x1  }
0x69: {  	v9 =	vld [tilespmem:s0+$0x2480];
	_ =	sdelay $0x2  }
0x6a: {  	v8 =	vadd.f32 $1.000000000e+00, v8;
	_ =	sdelay $0x1  }
0x6b: {  	v9 =	vadd.f32 $1.000000000e+00, v9;
	v8 =	vmul.f32 $1.920000000e+02, v8;
	_ =	sdelay $0x1  }
0x6c: {  	v10 =	vadd.f32 $-5.000000000e-01, v8;
	v8 =	vmul.f32 $1.920000000e+02, v9;
	_ =	sdelay $0x1  }
0x6d: {  	v15 =	vadd.f32 $-5.000000000e-01, v8;
	v8 =	vtrunc.f32 v10  }
0x6e: {  	v9 =	vcvt.f32.s32 v8;
	vm11 =	vlt.f32 v10, v8  }
0x6f: {  	v8 =	vsel vm11, $0xFFFFFFFF, v2;
	v11 =	vtrunc.f32 v15  }
0x70: {  	v12 =	vadd.s32 v9, v8;
	v8 =	vcvt.f32.s32 v11;
	vm12 =	vlt.f32 v15, v11  }
0x71: {  	v9 =	vsel vm12, $0xFFFFFFFF, v2;
	v11 =	vcvt.s32.f32 v12;
	v13 =	vadd.s32 $0x1, v12  }
0x72: {  	vm13 =	vgt.s32 v12, $0x0;
	v8 =	vadd.s32 v8, v9;
	vm14 =	vgt.s32 v13, $0x0  }
0x73: {  	v11 =	vsub.f32 v10, v11;
	v16 =	vcvt.s32.f32 v8;
	vm15 =	vgt.s32 v8, $0x0  }
0x74: {  	v10 =	vnsel vm13, $0x0, v12;
	v9 =	vnsel vm14, $0x0, v13;
	v17 =	vnsel vm15, $0x0, v8  }
0x75: {  	s6 =	simm.s32 $0x80;
	s1 =	simm.s32 $0x10;
	v14 =	vsub.f32 $1.000000000e+00, v11;
	v15 =	vsub.f32 v15, v16;
	v16 =	vmin.u32 v17, $0x17F  }
.LBB2_4:
0x76: {  	p0 =	sne.s32 s6, $0x1C0;
	v17 =	vld [tilespmem:s1+$0x80];
	v16 =	vmul.u32 $0x180, v16;
	vm0 =	vlt.u32 v13, $0x180;
	v13 =	vadd.s32 $0x1, v8  }
0x77: {  	vm1 =	vlt.u32 v12, $0x180;
	vm2 =	vlt.u32 v13, $0x180;
	v12 =	vmul.f32 v14, v15  }
0x78: {  	v19 =	vsub.f32 $1.000000000e+00, v15;
	vm4 =	vgt.s32 v13, $0x0;
	v18 =	vld [tilespmem:s1+$0x2480];
	vm3 =	vmand vm1, vm2  }
0x79: {  	v15 =	vmul.f32 v15, v11;
	v13 =	vnsel vm4, $0x0, v13;
	v12 =	vnsel vm3, $0x0, v12  }
0x7a: {  	v14 =	vmul.f32 v19, v14;
	v11 =	vmul.f32 v19, v11;
	v13 =	vmin.u32 v13, $0x17F;
	[tilespmem:s0+$0x4F00] =	vst v12  }
0x7b: {  	vm3 =	vlt.u32 v8, $0x180;
	v8 =	vmul.u32 $0x180, v13;
	v12 =	vadd.f32 $1.000000000e+00, v17  }
0x7c: {  	v10 =	vmin.u32 v10, $0x17F;
	v9 =	vmin.u32 v9, $0x17F;
	v13 =	vadd.s32 v1, v16  }
0x7d: {  	v8 =	vadd.s32 v1, v8;
	v12 =	vmul.f32 $1.920000000e+02, v12;
	v16 =	vadd.f32 $1.000000000e+00, v18  }
0x7e: {  	vm1 =	vmand vm1, vm3;
	vm3 =	vmand vm0, vm3;
	vm0 =	vmand vm0, vm2  }
0x7f: {  	v14 =	vnsel vm1, $0x0, v14;
	v17 =	vadd.f32 $-5.000000000e-01, v12;
	v12 =	vmul.f32 $1.920000000e+02, v16  }
0x80: {  	v11 =	vnsel vm3, $0x0, v11;
	[tilespmem:s0+$0x4E00] =	vst v14;
	v14 =	vadd.s32 v10, v8;
	v8 =	vadd.s32 v9, v8  }
0x81: {  	v10 =	vadd.s32 v10, v13;
	v16 =	vadd.f32 $-5.000000000e-01, v12;
	v12 =	vtrunc.f32 v17;
	[tilespmem:s0+$0x4E80] =	vst v11  }
0x82: {  	v9 =	vadd.s32 v9, v13;
	v11 =	vcvt.f32.s32 v12;
	vm1 =	vlt.f32 v17, v12;
	[tilespmem:s0+$0x4B00] =	vst v14  }
0x83: {  	v14 =	vnsel vm0, $0x0, v15;
	v12 =	vsel vm1, $0xFFFFFFFF, v2;
	v13 =	vtrunc.f32 v16;
	[tilespmem:s0+$0x4B80] =	vst v8  }
0x84: {  	v12 =	vadd.s32 v11, v12;
	v8 =	vcvt.f32.s32 v13;
	vm0 =	vlt.f32 v16, v13;
	[tilespmem:s0+$0x4A00] =	vst v10  }
.Ltmp3:
0x85: {  	v10 =	vsel vm0, $0xFFFFFFFF, v2;
	v11 =	vcvt.s32.f32 v12;
	v13 =	vadd.s32 $0x1, v12;
	[tilespmem:s0+$0x4A80] =	vst v9;
	(pc) =	sbr.rel @p0 .LBB2_4-.Ltmp3, $4  }
0x86: {  	vm0 =	vgt.s32 v12, $0x0;
	v8 =	vadd.s32 v8, v10;
	vm1 =	vgt.s32 v13, $0x0;
	[tilespmem:s0+$0x4F80] =	vst v14;
	s0 =	smov.u32 s1  }
0x87: {  	v11 =	vsub.f32 v17, v11;
	v15 =	vcvt.s32.f32 v8;
	vm2 =	vgt.s32 v8, $0x0  }
0x88: {  	v10 =	vnsel vm0, $0x0, v12;
	v9 =	vnsel vm1, $0x0, v13;
	v17 =	vnsel vm2, $0x0, v8  }
0x89: {  	s1 =	sshra.s32 s6, $0x2;
	s6 =	sadd.s32 $0x40, s6;
	v14 =	vsub.f32 $1.000000000e+00, v11;
	v15 =	vsub.f32 v16, v15;
	v16 =	vmin.u32 v17, $0x17F  }
0x8a: {  	v18 =	vadd.s32 $0x1, v8  }
0x8b: {  	v17 =	vld [tilespmem:s1+$0x80];
	v16 =	vmul.u32 $0x180, v16;
	vm0 =	vlt.u32 v12, $0x180;
	vm3 =	vlt.u32 v13, $0x180  }
0x8c: {  	v19 =	vld [tilespmem:s1+$0x2480];
	v10 =	vmin.u32 v10, $0x17F;
	v9 =	vmin.u32 v9, $0x17F;
	vm1 =	vlt.u32 v18, $0x180  }
0x8d: {  	v33 =	vmul.f32 v14, v15;
	v20 =	vsub.f32 $1.000000000e+00, v15;
	vm2 =	vgt.s32 v18, $0x0  }
0x8e: {  	v35 =	vmul.f32 v15, v11;
	vm4 =	vmand vm0, vm1;
	v34 =	vnsel vm2, $0x0, v18  }
0x8f: {  	v38 =	vadd.s32 v1, v16;
	vm1 =	vmand vm3, vm1;
	v12 =	vnsel vm4, $0x0, v33  }
0x90: {  	v36 =	vmul.f32 v20, v14;
	v37 =	vmul.f32 v20, v11;
	v17 =	vadd.f32 $1.000000000e+00, v17  }
0x91: {  	v13 =	vmin.u32 v34, $0x17F;
	vm4 =	vlt.u32 v8, $0x180;
	v40 =	vadd.f32 $1.000000000e+00, v19  }
0x92: {  	v15 =	vnsel vm1, $0x0, v35;
	v8 =	vmul.u32 $0x180, v13;
	v39 =	vmul.f32 $1.920000000e+02, v17  }
0x93: {  	vm0 =	vmand vm0, vm4;
	vm2 =	vmand vm3, vm4;
	v17 =	vmul.f32 $1.920000000e+02, v40  }
0x94: {  	v14 =	vnsel vm0, $0x0, v36;
	v8 =	vadd.s32 v1, v8;
	v16 =	vadd.f32 $-5.000000000e-01, v39  }
0x95: {  	v11 =	vnsel vm2, $0x0, v37;
	v41 =	vadd.s32 v10, v8;
	v17 =	vadd.f32 $-5.000000000e-01, v17  }
0x96: {  	v8 =	vadd.s32 v9, v8;
	v10 =	vadd.s32 v10, v38;
	v42 =	vtrunc.f32 v16  }
0x97: {  	v21 =	vtrunc.f32 v17;
	v43 =	vcvt.f32.s32 v42;
	vm5 =	vlt.f32 v16, v42  }
0x98: {  	v44 =	vcvt.f32.s32 v21;
	vm6 =	vlt.f32 v17, v21;
	v19 =	vsel vm5, $0xFFFFFFFF, v2  }
0x99: {  	v9 =	vadd.s32 v9, v38;
	v45 =	vsel vm6, $0xFFFFFFFF, v2;
	v19 =	vadd.s32 v43, v19  }
0x9a: {  	v13 =	vadd.s32 v44, v45;
	v46 =	vcvt.s32.f32 v19;
	v47 =	vadd.s32 $0x1, v19  }
0x9b: {  	vm7 =	vgt.s32 v19, $0x0;
	v48 =	vcvt.s32.f32 v13;
	vm9 =	vgt.s32 v13, $0x0  }
0x9c: {  	[tilespmem:s0+$0x4F00] =	vst v12;
	v53 =	vadd.s32 $0x1, v13;
	vm11 =	vlt.u32 v19, $0x180;
	vm15 =	vlt.u32 v13, $0x180  }
0x9d: {  	[tilespmem:s0+$0x4F80] =	vst v15;
	vm8 =	vgt.s32 v47, $0x0;
	v49 =	vnsel vm7, $0x0, v19;
	v50 =	vnsel vm9, $0x0, v13  }
0x9e: {  	[tilespmem:s0+$0x4E00] =	vst v14;
	vm10 =	vlt.u32 v47, $0x180;
	vm12 =	vlt.u32 v53, $0x180;
	vm14 =	vgt.s32 v53, $0x0  }
0x9f: {  	[tilespmem:s0+$0x4E80] =	vst v11;
	v16 =	vsub.f32 v16, v46;
	v17 =	vsub.f32 v17, v48;
	v56 =	vnsel vm14, $0x0, v53  }
0xa0: {  	[tilespmem:s0+$0x4B00] =	vst v41;
	v52 =	vnsel vm8, $0x0, v47;
	vm13 =	vmand vm11, vm12;
	v14 =	vmin.u32 v56, $0x17F  }
0xa1: {  	[tilespmem:s0+$0x4B80] =	vst v8;
	v55 =	vmin.u32 v50, $0x17F;
	v58 =	vmul.u32 $0x180, v14;
	v62 =	vmul.f32 v17, v16  }
0xa2: {  	[tilespmem:s0+$0x4A00] =	vst v10;
	v12 =	vmin.u32 v49, $0x17F;
	vm0 =	vmand vm10, vm12;
	v51 =	vsub.f32 $1.000000000e+00, v16  }
0xa3: {  	[tilespmem:s0+$0x4A80] =	vst v9;
	v8 =	vsub.f32 $1.000000000e+00, v17;
	v13 =	vadd.s32 v1, v58;
	v63 =	vnsel vm0, $0x0, v62  }
0xa4: {  	v59 =	vmin.u32 v52, $0x17F;
	v54 =	vmul.f32 v51, v17;
	v60 =	vadd.s32 v12, v13;
	[tilespmem:s1+$0x4F80] =	vst v63  }
0xa5: {  	v57 =	vmul.f32 v8, v51;
	v8 =	vmul.f32 v8, v16;
	v61 =	vadd.s32 v59, v13;
	[tilespmem:s1+$0x4B00] =	vst v60  }
0xa6: {  	vm3 =	vmand vm10, vm15;
	v10 =	vmul.u32 $0x180, v55;
	v18 =	vnsel vm13, $0x0, v54;
	[tilespmem:s1+$0x4B80] =	vst v61  }
0xa7: {  	vm2 =	vmand vm11, vm15;
	v8 =	vnsel vm3, $0x0, v8;
	[tilespmem:s1+$0x4F00] =	vst v18  }
0xa8: {  	v9 =	vnsel vm2, $0x0, v57;
	[tilespmem:s1+$0x4E80] =	vst v8;
	v8 =	vadd.s32 v1, v10  }
0xa9: {  	[tilespmem:s1+$0x4E00] =	vst v9;
	v12 =	vadd.s32 v12, v8  }
0xaa: {  	s26 =	simm.s32 $0x100;
	s28 =	simm.s32 $0x2500;
	v8 =	vadd.s32 v59, v8;
	[tilespmem:s1+$0x4A00] =	vst v12  }
0xab: {  	s29 =	simm.s32 $0x180;
	s30 =	simm.s32 $0x2580;
	s31 =	simm.s32 $0x0;
	[tilespmem:s1+$0x4A80] =	vst v8  }
0xac: {  	[tilespmem:s15], [sflag:$0x2] =	stream.indirect.gather [hbm4b:s4+s11], $0x30, s14, s11, $0xb8;
	[tilespmem:$0x17600] =	vst v63  }
.LBB2_6:
0xad: {  	_ =	swait.ge [sflag:s16], $0x6000  }
0xae: {  	p0 =	seq.s32 s31, $0x0;
	[sflag:s16] =	ssyncset.done $0x0  }
0xaf: {  	v12 =	vmov s25;
	s0 =	simm.s32 @!p0 $0x3;
	[sflag:s16] =	ssyncadd.s32 $0xFFFFA000  }
0xb0: {  	v8 =	vor.u32 $0x80, v12;
	_ =	swait.ge @!p0 [sflag:s0], $0x3000  }
0xb1: {  	[sflag:s0] =	ssyncset.done @!p0 $0x0  }
0xb2: {  	[sflag:s0] =	ssyncadd.s32 @!p0 $0xFFFFD000;
	s0 =	simm.s32 $0x5000  }
0xb3: {  	v13 =	vld [tilespmem:s0+$0x0]  }
0xb4: {  	v9 =	vor.u32 $0x100, v12;
	v14 =	vld [tilespmem:s0+$0x1800]  }
0xb5: {  	v10 =	vld.idx.msk [tilespmem:v8+s17+$0x0], $0xffff  }
0xb6: {  	v8 =	vor.u32 $0x180, v12;
	v11 =	vld.idx.msk [tilespmem:v12+s17+$0x0], $0xffff  }
0xb7: {  	v15 =	vld [tilespmem:s0+$0x3000];
	_ =	sdelay $0x1  }
0xb8: {  	v9 =	vld.idx.msk [tilespmem:v9+s17+$0x0], $0xffff;
	v12 =	vand.u32 $0x7F, v12  }
0xb9: {  	v16 =	vld [tilespmem:s0+$0x4800];
	v20 =	vadd.s32 v3, v12;
	v17 =	vunpack.i.l.bf16.f32 v13  }
0xba: {  	v18 =	vunpack.i.u.bf16.f32 v14;
	v14 =	vunpack.i.l.bf16.f32 v14;
	v8 =	vld.idx.msk [tilespmem:v8+s17+$0x0], $0xffff;
	v13 =	vunpack.i.u.bf16.f32 v13  }
0xbb: {  	v19 =	vunpack.i.l.bf16.f32 v15;
	v14 =	vmul.f32 v14, v10;
	v17 =	vmul.f32 v17, v11  }
0xbc: {  	v15 =	vunpack.i.u.bf16.f32 v15;
	v18 =	vmul.f32 v18, v10;
	v13 =	vmul.f32 v13, v11  }
0xbd: {  	v15 =	vmul.f32 v15, v9;
	v14 =	vadd.f32 v14, v17;
	v17 =	vmul.f32 v19, v9  }
0xbe: {  	v13 =	vadd.f32 v18, v13;
	v18 =	vunpack.i.l.bf16.f32 v16;
	v19 =	vadd.s32 v0, v12  }
0xbf: {  	v16 =	vunpack.i.u.bf16.f32 v16;
	v14 =	vadd.f32 v17, v14;
	v17 =	vmul.f32 v18, v8  }
0xc0: {  	v13 =	vadd.f32 v15, v13;
	v15 =	vmul.f32 v16, v8  }
0xc1: {  	v14 =	vadd.f32 v17, v14  }
0xc2: {  	v13 =	vadd.f32 v15, v13  }
0xc3: {  	[tilespmem:v19+s18+$0x0] =	vst.idx.msk $0xffff, v14  }
0xc4: {  	[tilespmem:v20+s18+$0x0] =	vst.idx.msk $0xffff, v13  }
0xc5: {  	v13 =	vld [tilespmem:s0+$0x10]  }
0xc6: {  	v14 =	vld [tilespmem:s0+$0x1810];
	_ =	sdelay $0x1  }
0xc7: {  	v15 =	vld [tilespmem:s0+$0x3010];
	_ =	sdelay $0x1  }
0xc8: {  	v21 =	vadd.s32 v4, v12;
	v17 =	vld [tilespmem:s0+$0x4810];
	v16 =	vunpack.i.u.bf16.f32 v13  }
0xc9: {  	v13 =	vunpack.i.l.bf16.f32 v13;
	v18 =	vunpack.i.u.bf16.f32 v14;
	v14 =	vunpack.i.l.bf16.f32 v14  }
0xca: {  	v19 =	vadd.s32 v5, v12;
	v13 =	vmul.f32 v13, v11;
	v14 =	vmul.f32 v14, v10  }
0xcb: {  	v63 =	vunpack.i.l.bf16.f32 v15;
	v18 =	vmul.f32 v18, v10;
	v16 =	vmul.f32 v16, v11  }
0xcc: {  	v13 =	vadd.f32 v14, v13;
	v14 =	vunpack.i.u.bf16.f32 v15;
	v15 =	vmul.f32 v63, v9  }
0xcd: {  	v16 =	vadd.f32 v18, v16;
	v18 =	vunpack.i.l.bf16.f32 v17;
	v14 =	vmul.f32 v14, v9  }
0xce: {  	v13 =	vadd.f32 v15, v13;
	v15 =	vunpack.i.u.bf16.f32 v17;
	v17 =	vmul.f32 v18, v8  }
0xcf: {  	v14 =	vadd.f32 v14, v16;
	v15 =	vmul.f32 v15, v8  }
0xd0: {  	v13 =	vadd.f32 v17, v13  }
0xd1: {  	v14 =	vadd.f32 v15, v14  }
0xd2: {  	[tilespmem:v21+s18+$0x0] =	vst.idx.msk $0xffff, v13  }
0xd3: {  	[tilespmem:v19+s18+$0x0] =	vst.idx.msk $0xffff, v14  }
0xd4: {  	v15 =	vld [tilespmem:s0+$0x20]  }
0xd5: {  	v16 =	vld [tilespmem:s0+$0x1820]  }
0xd6: {  	v14 =	vld [tilespmem:s0+$0x3020]  }
0xd7: {  	s1 =	sshll.u32 s31, $0x8;
	s6 =	simm.s32 $0x1;
	s7 =	simm.s32 $0x2;
	v13 =	vld [tilespmem:s0+$0x4820]  }
.LBB2_7:
0xd8: {  	p1 =	sne.s32 s7, $0x7F  }
0xd9: {  	v17 =	vmov s6;
	v18 =	vadd.s32 v6, v12;
	v19 =	vadd.s32 v7, v12;
	s0 =	sadd.s32 $0x30, s0;
	s6 =	smov.u32 s7;
	s7 =	sadd.s32 $0x1, s7  }
0xda: {  	v20 =	vor.u32 $0x80, v17;
	v21 =	vor.u32 $0x100, v17;
	v12 =	vunpack.i.l.bf16.f32 v15  }
0xdb: {  	v12 =	vmul.f32 v12, v11;
	v22 =	vunpack.i.u.bf16.f32 v16;
	v16 =	vunpack.i.l.bf16.f32 v16  }
0xdc: {  	v15 =	vunpack.i.u.bf16.f32 v15;
	v16 =	vmul.f32 v16, v10;
	v10 =	vmul.f32 v22, v10  }
0xdd: {  	v11 =	vmul.f32 v15, v11;
	v15 =	vunpack.i.u.bf16.f32 v14;
	v14 =	vunpack.i.l.bf16.f32 v14  }
0xde: {  	v14 =	vmul.f32 v14, v9;
	v9 =	vmul.f32 v15, v9;
	v12 =	vadd.f32 v16, v12  }
0xdf: {  	v10 =	vadd.f32 v10, v11;
	v11 =	vunpack.i.u.bf16.f32 v13;
	v13 =	vunpack.i.l.bf16.f32 v13  }
0xe0: {  	v13 =	vmul.f32 v13, v8;
	v8 =	vmul.f32 v11, v8;
	v14 =	vadd.f32 v14, v12  }
0xe1: {  	v12 =	vand.u32 $0x7F, v17;
	v9 =	vadd.f32 v9, v10  }
0xe2: {  	v10 =	vadd.f32 v13, v14  }
0xe3: {  	v8 =	vadd.f32 v8, v9  }
0xe4: {  	[tilespmem:v18+s18+$0x0] =	vst.idx.msk $0xffff, v10  }
0xe5: {  	[tilespmem:v19+s18+$0x0] =	vst.idx.msk $0xffff, v8  }
0xe6: {  	v13 =	vld [tilespmem:s0+$0x0]  }
0xe7: {  	v14 =	vld [tilespmem:s0+$0x1800]  }
0xe8: {  	v8 =	vor.u32 $0x180, v17;
	v10 =	vld.idx.msk [tilespmem:v20+s17+$0x0], $0xffff  }
0xe9: {  	v11 =	vld.idx.msk [tilespmem:v17+s17+$0x0], $0xffff  }
0xea: {  	v15 =	vld [tilespmem:s0+$0x3000]  }
0xeb: {  	v9 =	vld.idx.msk [tilespmem:v21+s17+$0x0], $0xffff  }
0xec: {  	v16 =	vld [tilespmem:s0+$0x4800]  }
0xed: {  	v17 =	vunpack.i.l.bf16.f32 v13;
	v18 =	vunpack.i.u.bf16.f32 v14;
	v14 =	vunpack.i.l.bf16.f32 v14;
	v8 =	vld.idx.msk [tilespmem:v8+s17+$0x0], $0xffff  }
0xee: {  	v13 =	vunpack.i.u.bf16.f32 v13;
	v14 =	vmul.f32 v14, v10;
	v18 =	vmul.f32 v18, v10  }
0xef: {  	v17 =	vmul.f32 v17, v11;
	v13 =	vmul.f32 v13, v11;
	v19 =	vunpack.i.l.bf16.f32 v15  }
0xf0: {  	v20 =	vadd.s32 v3, v12;
	v15 =	vunpack.i.u.bf16.f32 v15  }
0xf1: {  	v14 =	vadd.f32 v14, v17;
	v13 =	vadd.f32 v18, v13;
	v17 =	vmul.f32 v19, v9  }
0xf2: {  	v15 =	vmul.f32 v15, v9;
	v19 =	vadd.s32 v0, v12;
	v18 =	vunpack.i.l.bf16.f32 v16  }
0xf3: {  	v16 =	vunpack.i.u.bf16.f32 v16;
	v14 =	vadd.f32 v17, v14;
	v17 =	vmul.f32 v18, v8  }
0xf4: {  	v13 =	vadd.f32 v15, v13;
	v15 =	vmul.f32 v16, v8  }
0xf5: {  	v14 =	vadd.f32 v17, v14  }
0xf6: {  	v13 =	vadd.f32 v15, v13  }
0xf7: {  	[tilespmem:v19+s18+$0x0] =	vst.idx.msk $0xffff, v14  }
0xf8: {  	[tilespmem:v20+s18+$0x0] =	vst.idx.msk $0xffff, v13  }
0xf9: {  	v13 =	vld [tilespmem:s0+$0x10]  }
0xfa: {  	v14 =	vld [tilespmem:s0+$0x1810];
	_ =	sdelay $0x1  }
0xfb: {  	v15 =	vld [tilespmem:s0+$0x3010];
	_ =	sdelay $0x1  }
0xfc: {  	v16 =	vunpack.i.u.bf16.f32 v13;
	v13 =	vunpack.i.l.bf16.f32 v13;
	v17 =	vld [tilespmem:s0+$0x4810]  }
0xfd: {  	v13 =	vmul.f32 v13, v11;
	v18 =	vunpack.i.u.bf16.f32 v14;
	v14 =	vunpack.i.l.bf16.f32 v14  }
0xfe: {  	v19 =	vadd.s32 v5, v12;
	v14 =	vmul.f32 v14, v10;
	v18 =	vmul.f32 v18, v10  }
0xff: {  	v21 =	vadd.s32 v4, v12;
	v16 =	vmul.f32 v16, v11;
	v20 =	vunpack.i.l.bf16.f32 v15  }
0x100: {  	v13 =	vadd.f32 v14, v13;
	v14 =	vunpack.i.u.bf16.f32 v15;
	v15 =	vmul.f32 v20, v9  }
0x101: {  	v16 =	vadd.f32 v18, v16;
	v14 =	vmul.f32 v14, v9;
	v18 =	vunpack.i.l.bf16.f32 v17  }
0x102: {  	v13 =	vadd.f32 v15, v13;
	v15 =	vunpack.i.u.bf16.f32 v17;
	v17 =	vmul.f32 v18, v8  }
0x103: {  	v14 =	vadd.f32 v14, v16;
	v15 =	vmul.f32 v15, v8  }
0x104: {  	v13 =	vadd.f32 v17, v13  }
0x105: {  	v14 =	vadd.f32 v15, v14  }
0x106: {  	[tilespmem:v21+s18+$0x0] =	vst.idx.msk $0xffff, v13  }
.Ltmp4:
0x107: {  	[tilespmem:v19+s18+$0x0] =	vst.idx.msk $0xffff, v14;
	(pc) =	sbr.rel @p1 .LBB2_7-.Ltmp4, $4  }
0x108: {  	v15 =	vld [tilespmem:s0+$0x20]  }
0x109: {  	v16 =	vld [tilespmem:s0+$0x1820]  }
0x10a: {  	v14 =	vld [tilespmem:s0+$0x3020]  }
0x10b: {  	v13 =	vld [tilespmem:s0+$0x4820]  }
0x10c: {  	_ = 	snop  }
0x10d: {  	v17 =	vadd.s32 v6, v12;
	v59 =	vadd.s32 v7, v12  }
0x10e: {  	v18 =	vunpack.i.l.bf16.f32 v15;
	v61 =	vunpack.i.u.bf16.f32 v15;
	v19 =	vunpack.i.l.bf16.f32 v16  }
0x10f: {  	v18 =	vmul.f32 v18, v11;
	v60 =	vunpack.i.u.bf16.f32 v16;
	v19 =	vmul.f32 v19, v10  }
0x110: {  	v63 =	vmul.f32 v61, v11;
	v62 =	vmul.f32 v60, v10;
	v20 =	vunpack.i.l.bf16.f32 v14  }
0x111: {  	v21 =	vunpack.i.u.bf16.f32 v14;
	v15 =	vmul.f32 v20, v9;
	v22 =	vadd.f32 v19, v18  }
0x112: {  	v23 =	vmul.f32 v21, v9;
	v24 =	vunpack.i.l.bf16.f32 v13;
	v10 =	vadd.f32 v62, v63  }
0x113: {  	v25 =	vunpack.i.u.bf16.f32 v13;
	v11 =	vmul.f32 v24, v8;
	v26 =	vadd.f32 v15, v22  }
0x114: {  	v8 =	vmul.f32 v25, v8;
	v9 =	vadd.f32 v23, v10  }
0x115: {  	v27 =	vmov s6;
	v11 =	vadd.f32 v11, v26  }
0x116: {  	v28 =	vor.u32 $0x80, v27;
	v8 =	vadd.f32 v8, v9  }
0x117: {  	[tilespmem:v17+s18+$0x0] =	vst.idx.msk $0xffff, v11  }
0x118: {  	s0 =	sadd.s32 $0x30, s0;
	[tilespmem:v59+s18+$0x0] =	vst.idx.msk $0xffff, v8  }
0x119: {  	v8 =	vor.u32 $0x100, v27;
	v29 =	vld [tilespmem:s0+$0x0]  }
0x11a: {  	v11 =	vld [tilespmem:s0+$0x1800]  }
0x11b: {  	v30 =	vor.u32 $0x180, v27;
	v12 =	vld.idx.msk [tilespmem:v28+s17+$0x0], $0xffff  }
0x11c: {  	v31 =	vld.idx.msk [tilespmem:v27+s17+$0x0], $0xffff  }
0x11d: {  	v32 =	vld [tilespmem:s0+$0x3000]  }
0x11e: {  	v10 =	vand.u32 $0x7F, v27;
	v8 =	vld.idx.msk [tilespmem:v8+s17+$0x0], $0xffff  }
0x11f: {  	v20 =	vadd.s32 v3, v10;
	v39 =	vadd.s32 v0, v10;
	v33 =	vld [tilespmem:s0+$0x4800]  }
0x120: {  	v13 =	vld.idx.msk [tilespmem:v30+s17+$0x0], $0xffff;
	v34 =	vunpack.i.l.bf16.f32 v29;
	v35 =	vunpack.i.u.bf16.f32 v11;
	v11 =	vunpack.i.l.bf16.f32 v11  }
0x121: {  	v9 =	vunpack.i.u.bf16.f32 v29;
	v11 =	vmul.f32 v11, v12;
	v17 =	vmul.f32 v34, v31  }
0x122: {  	v36 =	vunpack.i.l.bf16.f32 v32;
	v18 =	vmul.f32 v35, v12;
	v9 =	vmul.f32 v9, v31  }
0x123: {  	v15 =	vunpack.i.u.bf16.f32 v32;
	v11 =	vadd.f32 v11, v17;
	v37 =	vmul.f32 v36, v8  }
0x124: {  	v38 =	vunpack.i.l.bf16.f32 v33;
	v9 =	vadd.f32 v18, v9;
	v15 =	vmul.f32 v15, v8  }
0x125: {  	v16 =	vunpack.i.u.bf16.f32 v33;
	v40 =	vmul.f32 v38, v13;
	v11 =	vadd.f32 v37, v11  }
0x126: {  	v41 =	vmul.f32 v16, v13;
	v9 =	vadd.f32 v15, v9  }
0x127: {  	v11 =	vadd.f32 v40, v11  }
0x128: {  	v9 =	vadd.f32 v41, v9  }
0x129: {  	[tilespmem:v39+s18+$0x0] =	vst.idx.msk $0xffff, v11  }
0x12a: {  	[tilespmem:v20+s18+$0x0] =	vst.idx.msk $0xffff, v9  }
0x12b: {  	v9 =	vld [tilespmem:s0+$0x10]  }
0x12c: {  	v11 =	vld [tilespmem:s0+$0x1810];
	_ =	sdelay $0x1  }
0x12d: {  	v42 =	vld [tilespmem:s0+$0x3010];
	_ =	sdelay $0x1  }
0x12e: {  	v46 =	vadd.s32 v5, v10;
	v44 =	vld [tilespmem:s0+$0x4810];
	v43 =	vunpack.i.u.bf16.f32 v9  }
0x12f: {  	v9 =	vunpack.i.l.bf16.f32 v9;
	v45 =	vunpack.i.u.bf16.f32 v11;
	v11 =	vunpack.i.l.bf16.f32 v11  }
0x130: {  	v21 =	vadd.s32 v4, v10;
	v9 =	vmul.f32 v9, v31;
	v11 =	vmul.f32 v11, v12  }
0x131: {  	v47 =	vunpack.i.l.bf16.f32 v42;
	v18 =	vmul.f32 v45, v12;
	v16 =	vmul.f32 v43, v31  }
0x132: {  	v48 =	vunpack.i.u.bf16.f32 v42;
	v49 =	vmul.f32 v47, v8;
	v9 =	vadd.f32 v11, v9  }
0x133: {  	v50 =	vunpack.i.l.bf16.f32 v44;
	v16 =	vadd.f32 v18, v16;
	v11 =	vmul.f32 v48, v8  }
0x134: {  	v51 =	vunpack.i.u.bf16.f32 v44;
	v52 =	vmul.f32 v50, v13;
	v9 =	vadd.f32 v49, v9  }
0x135: {  	v15 =	vmul.f32 v51, v13;
	v11 =	vadd.f32 v11, v16  }
0x136: {  	v9 =	vadd.f32 v52, v9  }
0x137: {  	v11 =	vadd.f32 v15, v11  }
0x138: {  	[tilespmem:v21+s18+$0x0] =	vst.idx.msk $0xffff, v9  }
0x139: {  	[tilespmem:v46+s18+$0x0] =	vst.idx.msk $0xffff, v11  }
0x13a: {  	v9 =	vld [tilespmem:s0+$0x20]  }
0x13b: {  	v11 =	vld [tilespmem:s0+$0x1820];
	_ =	sdelay $0x1  }
0x13c: {  	v53 =	vld [tilespmem:s0+$0x3020];
	_ =	sdelay $0x1  }
0x13d: {  	v55 =	vadd.s32 v6, v10;
	v10 =	vadd.s32 v7, v10;
	v54 =	vld [tilespmem:s0+$0x4820]  }
0x13e: {  	v56 =	vunpack.i.l.bf16.f32 v9;
	v57 =	vunpack.i.l.bf16.f32 v11;
	v11 =	vunpack.i.u.bf16.f32 v11  }
0x13f: {  	v9 =	vunpack.i.u.bf16.f32 v9;
	v18 =	vmul.f32 v56, v31;
	v19 =	vmul.f32 v57, v12  }
0x140: {  	s0 =	sadd.s32 s2, s1;
	v58 =	vunpack.i.l.bf16.f32 v53;
	v11 =	vmul.f32 v11, v12;
	v9 =	vmul.f32 v9, v31  }
0x141: {  	s23 =	smulhi.u32 $0x38E38E39, s0;
	v59 =	vunpack.i.u.bf16.f32 v53;
	v12 =	vmul.f32 v58, v8;
	v60 =	vadd.f32 v19, v18  }
0x142: {  	v61 =	vunpack.i.l.bf16.f32 v54;
	v8 =	vmul.f32 v59, v8;
	v9 =	vadd.f32 v11, v9  }
0x143: {  	s6 =	sshrl.u32 s23, $0xF;
	v62 =	vunpack.i.u.bf16.f32 v54;
	v11 =	vmul.f32 v61, v13;
	v12 =	vadd.f32 v12, v60  }
0x144: {  	s6 =	smul.u32 $0xD5C000, s6;
	v13 =	vmul.f32 v62, v13;
	v8 =	vadd.f32 v8, v9  }
0x145: {  	v63 =	vadd.f32 v11, v12  }
0x146: {  	s6 =	sadd.s32 s0, s6;
	v8 =	vadd.f32 v13, v8  }
0x147: {  	s6 =	sshrl.u32 s6, $0x3;
	[tilespmem:v55+s18+$0x0] =	vst.idx.msk $0xffff, v63  }
0x148: {  	s7 =	simm.s32 $0x11000;
	s6 =	sadd.s32 s5, s6;
	[tilespmem:v10+s18+$0x0] =	vst.idx.msk $0xffff, v8  }
0x149: {  	[hbm4b:s6+s3] =	stream.linear.scatter [tilespmem:s7], [sflag:$0x3], $0x80, $0x38;
	[tilespmem:$0x17600] =	vst v63  }
0x14a: {  	s7 =	simm.s32 $0x220  }
.LBB2_9:
0x14b: {  	p1 =	sne.s32 s7, $0xC9E0  }
.Ltmp5:
0x14c: {  	_ = 	snop;
	(pc) =	sbr.rel @p1 .LBB2_9-.Ltmp5, $4  }
0x14d: {  	_ = 	snop  }
0x14e: {  	s8 =	sshra.s32 s7, $0x2;
	s7 =	sadd.s32 $0x220, s7  }
0x14f: {  	s6 =	sadd.s32 $0x4800, s6;
	s8 =	sadd.s32 $0x11000, s8  }
0x150: {  	[hbm4b:s6+s3] =	stream.linear.scatter [tilespmem:s8], [sflag:$0x3], $0x80, $0x38;
	[tilespmem:$0x17600] =	vst v63  }
0x151: {  	p1 =	sne.s32 s31, $0x23  }
.Ltmp6:
0x152: {  	_ = 	snop;
	(pc) =	sbr.rel @p1 .LBB2_12-.Ltmp6, $1  }
0x153: {  	_ =	sdelay $0x3  }
.Ltmp7:
0x154: {  	(pc) =	sbr.rel .LBB2_15-.Ltmp7, $4  }
0x155: {  	_ = 	snop  }
0x156: {  	_ =	swait.ge [sflag:s19], $0x6000  }
0x157: {  	[sflag:s19] =	ssyncset.done $0x0  }
0x158: {  	[sflag:s19] =	ssyncadd.s32 $0xFFFFA000  }
.LBB2_12:
0x159: {  	v9 =	vmov s28  }
0x15a: {  	v10 =	vmov s26;
	_ =	sdelay $0x2  }
0x15b: {  	s7 =	sadd.s32 $0x100, s0;
	s6 =	simm.s32 $0x0  }
0x15c: {  	s7 =	smulhi.u32 $0x38E38E39, s7;
	v12 =	vld.idx.msk [tilespmem:v9+s6+$0x0 ss:$0x1], $0xffff  }
0x15d: {  	v11 =	vld.idx.msk [tilespmem:v10+s6+$0x0 ss:$0x1], $0xffff  }
0x15e: {  	s7 =	sshrl.u32 s7, $0xF  }
0x15f: {  	s7 =	smul.u32 $0x24000, s7;
	_ =	sdelay $0x1  }
0x160: {  	s10 =	simm.s32 $0x10;
	v8 =	vmov s7;
	s7 =	simm.s32 $0x80;
	v12 =	vadd.f32 $1.000000000e+00, v12  }
.LBB2_13:
0x161: {  	p1 =	sne.s32 s7, $0x1C0;
	v11 =	vadd.f32 $1.000000000e+00, v11;
	s8 =	smov.u32 s7;
	s7 =	sadd.s32 $0x40, s7  }
0x162: {  	v12 =	vmul.f32 $1.920000000e+02, v12  }
0x163: {  	v11 =	vmul.f32 $1.920000000e+02, v11  }
0x164: {  	v12 =	vadd.f32 $-5.000000000e-01, v12  }
0x165: {  	v11 =	vadd.f32 $-5.000000000e-01, v11  }
0x166: {  	v13 =	vtrunc.f32 v12  }
0x167: {  	v14 =	vtrunc.f32 v11;
	v15 =	vcvt.f32.s32 v13;
	vm0 =	vlt.f32 v12, v13  }
0x168: {  	v13 =	vcvt.f32.s32 v14;
	vm1 =	vlt.f32 v11, v14;
	v14 =	vsel vm0, $0xFFFFFFFF, v2  }
0x169: {  	s8 =	sshra.s32 s8, $0x2;
	v16 =	vsel vm1, $0xFFFFFFFF, v2;
	v14 =	vadd.s32 v15, v14  }
0x16a: {  	v13 =	vadd.s32 v13, v16;
	v15 =	vcvt.s32.f32 v14;
	v16 =	vadd.s32 $0x1, v14  }
0x16b: {  	vm2 =	vgt.s32 v14, $0x0;
	vm1 =	vgt.s32 v13, $0x0;
	vm0 =	vgt.s32 v16, $0x0  }
0x16c: {  	v17 =	vcvt.s32.f32 v13;
	v12 =	vsub.f32 v12, v15;
	v15 =	vnsel vm0, $0x0, v16  }
0x16d: {  	v18 =	vadd.s32 $0x1, v13;
	vm0 =	vlt.u32 v16, $0x180;
	v15 =	vmin.u32 v15, $0x17F  }
0x16e: {  	v11 =	vsub.f32 v11, v17;
	v16 =	vsub.f32 $1.000000000e+00, v12;
	v15 =	vmul.u32 $0x180, v15  }
0x16f: {  	v19 =	vnsel vm2, $0x0, v14;
	v17 =	vnsel vm1, $0x0, v13;
	vm1 =	vlt.u32 v18, $0x180  }
0x170: {  	vm3 =	vlt.u32 v14, $0x180;
	vm2 =	vlt.u32 v13, $0x180;
	vm4 =	vgt.s32 v18, $0x0  }
0x171: {  	v14 =	vnsel vm4, $0x0, v18;
	v13 =	vsub.f32 $1.000000000e+00, v11;
	v15 =	vadd.s32 v8, v15  }
0x172: {  	vm4 =	vmand vm2, vm3;
	v17 =	vmin.u32 v17, $0x17F;
	v18 =	vmul.f32 v16, v11  }
0x173: {  	v14 =	vmin.u32 v14, $0x17F;
	v16 =	vmul.f32 v16, v13;
	v20 =	vadd.s32 v17, v15  }
0x174: {  	v19 =	vmin.u32 v19, $0x17F;
	v13 =	vmul.f32 v13, v12;
	v15 =	vadd.s32 v14, v15;
	[tilespmem:s6+$0x4900] =	vst v20  }
0x175: {  	vm2 =	vmand vm2, vm0;
	vm3 =	vmand vm1, vm3;
	v16 =	vnsel vm4, $0x0, v16;
	[tilespmem:s6+$0x4980] =	vst v15  }
0x176: {  	v11 =	vmul.f32 v12, v11;
	v13 =	vnsel vm2, $0x0, v13;
	v15 =	vmul.u32 $0x180, v19;
	[tilespmem:s6+$0x4C00] =	vst v16  }
0x177: {  	vm0 =	vmand vm1, vm0;
	v12 =	vnsel vm3, $0x0, v18;
	[tilespmem:s6+$0x4D00] =	vst v13  }
0x178: {  	v11 =	vnsel vm0, $0x0, v11;
	v13 =	vadd.s32 v8, v15;
	[tilespmem:s6+$0x4C80] =	vst v12  }
0x179: {  	v12 =	vadd.s32 v17, v13;
	v13 =	vadd.s32 v14, v13;
	[tilespmem:s6+$0x4D80] =	vst v11  }
0x17a: {  	[tilespmem:s6+$0x4800] =	vst v12  }
0x17b: {  	[tilespmem:s6+$0x4880] =	vst v13;
	s6 =	smov.u32 s10;
	s10 =	smov.u32 s8  }
0x17c: {  	v12 =	vld.idx.msk [tilespmem:v9+s6+$0x0 ss:$0x1], $0xffff  }
0x17d: {  	v11 =	vld.idx.msk [tilespmem:v10+s6+$0x0 ss:$0x1], $0xffff  }
.Ltmp8:
0x17e: {  	(pc) =	sbr.rel @p1 .LBB2_13-.Ltmp8, $2  }
0x17f: {  	_ =	sdelay $0x2  }
0x180: {  	v12 =	vadd.f32 $1.000000000e+00, v12  }
0x181: {  	v11 =	vadd.f32 $1.000000000e+00, v11  }
0x182: {  	v12 =	vmul.f32 $1.920000000e+02, v12  }
0x183: {  	v11 =	vmul.f32 $1.920000000e+02, v11  }
0x184: {  	v12 =	vadd.f32 $-5.000000000e-01, v12  }
0x185: {  	v11 =	vadd.f32 $-5.000000000e-01, v11  }
0x186: {  	v13 =	vtrunc.f32 v12  }
0x187: {  	v14 =	vtrunc.f32 v11;
	v15 =	vcvt.f32.s32 v13  }
0x188: {  	vm0 =	vlt.f32 v12, v13;
	v30 =	vcvt.f32.s32 v14;
	vm1 =	vlt.f32 v11, v14  }
0x189: {  	v31 =	vsel vm0, $0xFFFFFFFF, v2;
	v16 =	vsel vm1, $0xFFFFFFFF, v2  }
0x18a: {  	v14 =	vadd.s32 v15, v31;
	v13 =	vadd.s32 v30, v16  }
0x18b: {  	v15 =	vcvt.s32.f32 v14;
	v32 =	vadd.s32 $0x1, v14;
	vm2 =	vgt.s32 v14, $0x0  }
0x18c: {  	vm3 =	vlt.u32 v14, $0x180;
	vm10 =	vgt.s32 v13, $0x0;
	vm11 =	vgt.s32 v32, $0x0  }
0x18d: {  	v17 =	vcvt.s32.f32 v13;
	v18 =	vadd.s32 $0x1, v13;
	vm12 =	vlt.u32 v32, $0x180  }
0x18e: {  	v19 =	vnsel vm2, $0x0, v14;
	vm14 =	vlt.u32 v13, $0x180;
	v12 =	vsub.f32 v12, v15  }
0x18f: {  	v33 =	vnsel vm11, $0x0, v32;
	v35 =	vnsel vm10, $0x0, v13;
	v19 =	vmin.u32 v19, $0x17F  }
0x190: {  	vm13 =	vlt.u32 v18, $0x180;
	vm4 =	vgt.s32 v18, $0x0;
	v39 =	vmul.u32 $0x180, v19  }
0x191: {  	v15 =	vmin.u32 v33, $0x17F;
	v11 =	vsub.f32 v11, v17;
	v37 =	vnsel vm4, $0x0, v18  }
0x192: {  	v17 =	vmin.u32 v35, $0x17F;
	v15 =	vmul.u32 $0x180, v15;
	v41 =	vadd.s32 v8, v39  }
0x193: {  	v34 =	vsub.f32 $1.000000000e+00, v12;
	v14 =	vmin.u32 v37, $0x17F;
	v42 =	vadd.s32 v17, v41  }
0x194: {  	vm15 =	vmand vm14, vm3;
	v15 =	vadd.s32 v8, v15;
	v43 =	vadd.s32 v14, v41;
	[tilespmem:s6+$0x4800] =	vst v42  }
0x195: {  	v36 =	vsub.f32 $1.000000000e+00, v11;
	v38 =	vmul.f32 v34, v11;
	v20 =	vadd.s32 v17, v15;
	[tilespmem:s6+$0x4880] =	vst v43  }
0x196: {  	vm3 =	vmand vm13, vm3;
	v11 =	vmul.f32 v12, v11;
	v15 =	vadd.s32 v14, v15;
	[tilespmem:s6+$0x4900] =	vst v20  }
0x197: {  	vm0 =	vmand vm13, vm12;
	v16 =	vmul.f32 v34, v36;
	[tilespmem:s6+$0x4980] =	vst v15;
	v40 =	vnsel vm3, $0x0, v38  }
0x198: {  	v13 =	vmul.f32 v36, v12;
	v11 =	vnsel vm0, $0x0, v11;
	[tilespmem:s6+$0x4C80] =	vst v40  }
0x199: {  	vm2 =	vmand vm14, vm12;
	v16 =	vnsel vm15, $0x0, v16;
	[tilespmem:s6+$0x4D80] =	vst v11  }
0x19a: {  	v13 =	vnsel vm2, $0x0, v13;
	[tilespmem:s6+$0x4C00] =	vst v16  }
0x19b: {  	[tilespmem:s6+$0x4D00] =	vst v13  }
0x19c: {  	v9 =	vld.idx.msk [tilespmem:v9+s10+$0x0 ss:$0x1], $0xffff  }
0x19d: {  	v10 =	vld.idx.msk [tilespmem:v10+s10+$0x0 ss:$0x1], $0xffff;
	_ =	sdelay $0x3  }
0x19e: {  	v9 =	vadd.f32 $1.000000000e+00, v9  }
0x19f: {  	v10 =	vadd.f32 $1.000000000e+00, v10  }
0x1a0: {  	v9 =	vmul.f32 $1.920000000e+02, v9  }
0x1a1: {  	v10 =	vmul.f32 $1.920000000e+02, v10  }
0x1a2: {  	v9 =	vadd.f32 $-5.000000000e-01, v9  }
0x1a3: {  	v10 =	vadd.f32 $-5.000000000e-01, v10  }
0x1a4: {  	v44 =	vtrunc.f32 v9  }
0x1a5: {  	v45 =	vtrunc.f32 v10;
	v46 =	vcvt.f32.s32 v44;
	vm5 =	vlt.f32 v9, v44  }
0x1a6: {  	v47 =	vcvt.f32.s32 v45;
	vm6 =	vlt.f32 v10, v45;
	v48 =	vsel vm5, $0xFFFFFFFF, v2  }
0x1a7: {  	v49 =	vsel vm6, $0xFFFFFFFF, v2;
	v12 =	vadd.s32 v46, v48  }
0x1a8: {  	v11 =	vadd.s32 v47, v49;
	v13 =	vcvt.s32.f32 v12;
	v50 =	vadd.s32 $0x1, v12  }
0x1a9: {  	vm7 =	vgt.s32 v11, $0x0;
	vm8 =	vgt.s32 v12, $0x0;
	v51 =	vcvt.s32.f32 v11  }
0x1aa: {  	v53 =	vadd.s32 $0x1, v11;
	vm12 =	vlt.u32 v11, $0x180;
	vm9 =	vgt.s32 v50, $0x0  }
0x1ab: {  	vm13 =	vlt.u32 v12, $0x180;
	v55 =	vnsel vm7, $0x0, v11;
	v52 =	vnsel vm9, $0x0, v50  }
0x1ac: {  	v56 =	vnsel vm8, $0x0, v12;
	v9 =	vsub.f32 v9, v13;
	v13 =	vmin.u32 v52, $0x17F  }
0x1ad: {  	vm14 =	vgt.s32 v53, $0x0;
	v10 =	vsub.f32 v10, v51;
	v13 =	vmul.u32 $0x180, v13  }
0x1ae: {  	v58 =	vnsel vm14, $0x0, v53;
	v15 =	vmin.u32 v55, $0x17F;
	v17 =	vmin.u32 v56, $0x17F  }
0x1af: {  	v12 =	vmin.u32 v58, $0x17F;
	v61 =	vmul.u32 $0x180, v17;
	v13 =	vadd.s32 v8, v13  }
0x1b0: {  	v54 =	vsub.f32 $1.000000000e+00, v9;
	v57 =	vsub.f32 $1.000000000e+00, v10;
	v60 =	vadd.s32 v15, v13  }
0x1b1: {  	vm10 =	vlt.u32 v50, $0x180;
	v8 =	vadd.s32 v8, v61;
	v13 =	vadd.s32 v12, v13;
	[tilespmem:s10+$0x4900] =	vst v60  }
0x1b2: {  	vm11 =	vlt.u32 v53, $0x180;
	v14 =	vmul.f32 v54, v57;
	v63 =	vadd.s32 v15, v8;
	[tilespmem:s10+$0x4980] =	vst v13  }
0x1b3: {  	vm15 =	vmand vm12, vm13;
	v11 =	vmul.f32 v57, v9;
	v8 =	vadd.s32 v12, v8;
	[tilespmem:s10+$0x4800] =	vst v63  }
0x1b4: {  	vm2 =	vmand vm12, vm10;
	v59 =	vmul.f32 v54, v10;
	v14 =	vnsel vm15, $0x0, v14;
	[tilespmem:s10+$0x4880] =	vst v8  }
0x1b5: {  	vm3 =	vmand vm11, vm13;
	v9 =	vmul.f32 v9, v10;
	v11 =	vnsel vm2, $0x0, v11;
	[tilespmem:s10+$0x4C00] =	vst v14  }
0x1b6: {  	vm0 =	vmand vm11, vm10;
	v62 =	vnsel vm3, $0x0, v59;
	[tilespmem:s10+$0x4D00] =	vst v11  }
0x1b7: {  	v9 =	vnsel vm0, $0x0, v9;
	[tilespmem:s10+$0x4C80] =	vst v62  }
.Ltmp9:
0x1b8: {  	[tilespmem:s10+$0x4D80] =	vst v9;
	(pc) =	sbr.rel @p0 .LBB2_16-.Ltmp9, $4  }
0x1b9: {  	[tilespmem:s13], [sflag:$0x1] =	stream.indirect.gather [hbm4b:s4+s11], $0x30, s12, s11, $0xb8;
	[tilespmem:$0x17600] =	vst v63  }
0x1ba: {  	_ =	swait.ge [sflag:s19], $0x6000  }
0x1bb: {  	[sflag:s19] =	ssyncset.done $0x0  }
0x1bc: {  	[sflag:s19] =	ssyncadd.s32 $0xFFFFA000  }
.LBB2_15:
0x1bd: {  	_ =	swait.ge [sflag:s20], $0x3000  }
0x1be: {  	[sflag:s20] =	ssyncset.done $0x0  }
0x1bf: {  	[sflag:s20] =	ssyncadd.s32 $0xFFFFD000  }
.LBB2_16:
0x1c0: {  	s6 =	simm.s32 $0x0  }
0x1c1: {  	v8 =	vmov s6  }
0x1c2: {  	s23 =	simm.s32 $0x0;
	v10 =	vor.u32 $0x80, v8  }
0x1c3: {  	v13 =	vld [tilespmem:s23+$0xB000]  }
0x1c4: {  	v15 =	vld [tilespmem:s23+$0xC800];
	v12 =	vor.u32 $0x100, v8  }
0x1c5: {  	v16 =	vld [tilespmem:s23+$0xE000]  }
0x1c6: {  	v14 =	vor.u32 $0x180, v8;
	v9 =	vld.idx.msk [tilespmem:v8+s21+$0x0], $0xffff  }
0x1c7: {  	v11 =	vld.idx.msk [tilespmem:v10+s21+$0x0], $0xffff;
	_ =	sdelay $0x1  }
0x1c8: {  	v10 =	vld.idx.msk [tilespmem:v12+s21+$0x0], $0xffff  }
0x1c9: {  	v17 =	vld [tilespmem:s23+$0xF800];
	v18 =	vunpack.i.u.bf16.f32 v13;
	v13 =	vunpack.i.l.bf16.f32 v13;
	v19 =	vunpack.i.l.bf16.f32 v15  }
0x1ca: {  	v15 =	vunpack.i.u.bf16.f32 v15;
	v21 =	vunpack.i.l.bf16.f32 v16;
	v12 =	vand.u32 $0x7F, v8;
	v8 =	vld.idx.msk [tilespmem:v14+s21+$0x0], $0xffff  }
0x1cb: {  	v16 =	vunpack.i.u.bf16.f32 v16;
	v13 =	vmul.f32 v13, v9;
	v19 =	vmul.f32 v19, v11  }
0x1cc: {  	v14 =	vadd.s32 v3, v12;
	v18 =	vmul.f32 v18, v9;
	v15 =	vmul.f32 v15, v11  }
0x1cd: {  	v20 =	vadd.s32 v0, v12;
	v13 =	vadd.f32 v19, v13;
	v19 =	vmul.f32 v21, v10  }
0x1ce: {  	v16 =	vmul.f32 v16, v10;
	v15 =	vadd.f32 v15, v18;
	v18 =	vunpack.i.l.bf16.f32 v17  }
0x1cf: {  	v17 =	vunpack.i.u.bf16.f32 v17;
	v18 =	vmul.f32 v18, v8;
	v13 =	vadd.f32 v19, v13  }
0x1d0: {  	v17 =	vmul.f32 v17, v8;
	v15 =	vadd.f32 v16, v15  }
0x1d1: {  	v13 =	vadd.f32 v18, v13  }
0x1d2: {  	v15 =	vadd.f32 v17, v15  }
0x1d3: {  	[tilespmem:v20+s22+$0x0] =	vst.idx.msk $0xffff, v13  }
0x1d4: {  	[tilespmem:v14+s22+$0x0] =	vst.idx.msk $0xffff, v15  }
0x1d5: {  	v13 =	vld [tilespmem:s23+$0xB010]  }
0x1d6: {  	v14 =	vld [tilespmem:s23+$0xC810]  }
0x1d7: {  	v15 =	vld [tilespmem:s23+$0xE010];
	_ =	sdelay $0x2  }
0x1d8: {  	v63 =	vadd.s32 v4, v12;
	v17 =	vld [tilespmem:s23+$0xF810];
	v16 =	vunpack.i.u.bf16.f32 v13  }
0x1d9: {  	v13 =	vunpack.i.l.bf16.f32 v13;
	v18 =	vunpack.i.l.bf16.f32 v14;
	v14 =	vunpack.i.u.bf16.f32 v14  }
0x1da: {  	v62 =	vunpack.i.u.bf16.f32 v15;
	v13 =	vmul.f32 v13, v9;
	v18 =	vmul.f32 v18, v11  }
0x1db: {  	v15 =	vunpack.i.l.bf16.f32 v15;
	v16 =	vmul.f32 v16, v9;
	v14 =	vmul.f32 v14, v11  }
0x1dc: {  	v19 =	vadd.s32 v5, v12;
	v15 =	vmul.f32 v15, v10;
	v13 =	vadd.f32 v18, v13  }
0x1dd: {  	v18 =	vmul.f32 v62, v10;
	v14 =	vadd.f32 v14, v16;
	v16 =	vunpack.i.l.bf16.f32 v17  }
0x1de: {  	v16 =	vmul.f32 v16, v8;
	v13 =	vadd.f32 v15, v13;
	v15 =	vunpack.i.u.bf16.f32 v17  }
0x1df: {  	v14 =	vadd.f32 v18, v14;
	v15 =	vmul.f32 v15, v8  }
0x1e0: {  	v13 =	vadd.f32 v16, v13  }
0x1e1: {  	v14 =	vadd.f32 v15, v14  }
0x1e2: {  	[tilespmem:v63+s22+$0x0] =	vst.idx.msk $0xffff, v13  }
0x1e3: {  	[tilespmem:v19+s22+$0x0] =	vst.idx.msk $0xffff, v14  }
0x1e4: {  	v17 =	vld [tilespmem:s23+$0xB020]  }
0x1e5: {  	v16 =	vld [tilespmem:s23+$0xC820];
	_ =	sdelay $0x1  }
0x1e6: {  	v15 =	vld [tilespmem:s23+$0xE020]  }
0x1e7: {  	s10 =	simm.s32 $0xC0;
	s7 =	simm.s32 $0x180;
	s6 =	simm.s32 $0x1;
	v13 =	vadd.s32 v6, v12;
	v12 =	vadd.s32 v7, v12;
	v14 =	vld [tilespmem:s23+$0xF820]  }
.LBB2_17:
0x1e8: {  	p0 =	sne.s32 s7, $0x5F40;
	v18 =	vmov s6;
	v19 =	vunpack.i.u.bf16.f32 v17;
	v17 =	vunpack.i.l.bf16.f32 v17;
	s23 =	smov.u32 s7;
	s7 =	sadd.s32 $0xC0, s7  }
0x1e9: {  	v20 =	vor.u32 $0x80, v18;
	v21 =	vor.u32 $0x100, v18;
	v22 =	vunpack.i.l.bf16.f32 v16  }
0x1ea: {  	v17 =	vmul.f32 v17, v9;
	v16 =	vunpack.i.u.bf16.f32 v16;
	v22 =	vmul.f32 v22, v11  }
0x1eb: {  	v9 =	vmul.f32 v19, v9;
	v11 =	vmul.f32 v16, v11;
	v16 =	vunpack.i.l.bf16.f32 v15  }
0x1ec: {  	v15 =	vunpack.i.u.bf16.f32 v15;
	v16 =	vmul.f32 v16, v10;
	v17 =	vadd.f32 v22, v17  }
0x1ed: {  	v10 =	vmul.f32 v15, v10;
	v9 =	vadd.f32 v11, v9;
	v11 =	vunpack.i.l.bf16.f32 v14  }
0x1ee: {  	v14 =	vunpack.i.u.bf16.f32 v14;
	v11 =	vmul.f32 v11, v8;
	v15 =	vadd.f32 v16, v17  }
0x1ef: {  	v19 =	vand.u32 $0x7F, v18;
	v8 =	vmul.f32 v14, v8;
	v9 =	vadd.f32 v10, v9  }
0x1f0: {  	v10 =	vadd.f32 v11, v15  }
0x1f1: {  	v8 =	vadd.f32 v8, v9  }
0x1f2: {  	[tilespmem:v13+s22+$0x0] =	vst.idx.msk $0xffff, v10  }
0x1f3: {  	[tilespmem:v12+s22+$0x0] =	vst.idx.msk $0xffff, v8  }
0x1f4: {  	v9 =	vld.idx.msk [tilespmem:v18+s21+$0x0], $0xffff  }
0x1f5: {  	s8 =	sshra.s32 s10, $0x2;
	s10 =	smov.u32 s23;
	v11 =	vld.idx.msk [tilespmem:v20+s21+$0x0], $0xffff  }
0x1f6: {  	v8 =	vor.u32 $0x180, v18;
	v12 =	vld [tilespmem:s8+$0xB000]  }
0x1f7: {  	v13 =	vld [tilespmem:s8+$0xC800]  }
0x1f8: {  	v14 =	vld [tilespmem:s8+$0xE000]  }
0x1f9: {  	v10 =	vld.idx.msk [tilespmem:v21+s21+$0x0], $0xffff  }
0x1fa: {  	v15 =	vld [tilespmem:s8+$0xF800]  }
0x1fb: {  	v17 =	vadd.s32 v3, v19;
	v8 =	vld.idx.msk [tilespmem:v8+s21+$0x0], $0xffff;
	v16 =	vunpack.i.u.bf16.f32 v12;
	v12 =	vunpack.i.l.bf16.f32 v12  }
0x1fc: {  	v16 =	vmul.f32 v16, v9;
	v18 =	vunpack.i.u.bf16.f32 v13;
	v13 =	vunpack.i.l.bf16.f32 v13  }
0x1fd: {  	v20 =	vadd.s32 v0, v19;
	v12 =	vmul.f32 v12, v9;
	v13 =	vmul.f32 v13, v11  }
0x1fe: {  	v18 =	vmul.f32 v18, v11;
	v21 =	vunpack.i.u.bf16.f32 v14;
	v14 =	vunpack.i.l.bf16.f32 v14  }
0x1ff: {  	v12 =	vadd.f32 v13, v12;
	v13 =	vmul.f32 v14, v10;
	v14 =	vmul.f32 v21, v10  }
0x200: {  	v16 =	vadd.f32 v18, v16;
	v18 =	vunpack.i.u.bf16.f32 v15;
	v15 =	vunpack.i.l.bf16.f32 v15  }
0x201: {  	v12 =	vadd.f32 v13, v12;
	v13 =	vmul.f32 v15, v8;
	v15 =	vmul.f32 v18, v8  }
0x202: {  	v14 =	vadd.f32 v14, v16  }
0x203: {  	v12 =	vadd.f32 v13, v12  }
0x204: {  	v13 =	vadd.f32 v15, v14  }
0x205: {  	[tilespmem:v20+s22+$0x0] =	vst.idx.msk $0xffff, v12  }
0x206: {  	[tilespmem:v17+s22+$0x0] =	vst.idx.msk $0xffff, v13  }
0x207: {  	v12 =	vld [tilespmem:s8+$0xB010]  }
0x208: {  	v13 =	vld [tilespmem:s8+$0xC810];
	_ =	sdelay $0x1  }
0x209: {  	v14 =	vld [tilespmem:s8+$0xE010];
	_ =	sdelay $0x1  }
0x20a: {  	v15 =	vunpack.i.u.bf16.f32 v12;
	v12 =	vunpack.i.l.bf16.f32 v12;
	v16 =	vld [tilespmem:s8+$0xF810]  }
0x20b: {  	v18 =	vadd.s32 v5, v19;
	v15 =	vmul.f32 v15, v9;
	v17 =	vunpack.i.l.bf16.f32 v13  }
0x20c: {  	v12 =	vmul.f32 v12, v9;
	v13 =	vunpack.i.u.bf16.f32 v13;
	v17 =	vmul.f32 v17, v11  }
0x20d: {  	v13 =	vmul.f32 v13, v11;
	v20 =	vunpack.i.u.bf16.f32 v14;
	v14 =	vunpack.i.l.bf16.f32 v14  }
0x20e: {  	v12 =	vadd.f32 v17, v12;
	v14 =	vmul.f32 v14, v10;
	v17 =	vmul.f32 v20, v10  }
0x20f: {  	v13 =	vadd.f32 v13, v15;
	v20 =	vadd.s32 v4, v19;
	v15 =	vunpack.i.l.bf16.f32 v16  }
0x210: {  	v12 =	vadd.f32 v14, v12;
	v14 =	vunpack.i.u.bf16.f32 v16;
	v15 =	vmul.f32 v15, v8  }
0x211: {  	v13 =	vadd.f32 v17, v13;
	v14 =	vmul.f32 v14, v8  }
0x212: {  	v12 =	vadd.f32 v15, v12  }
0x213: {  	v13 =	vadd.f32 v14, v13  }
0x214: {  	[tilespmem:v20+s22+$0x0] =	vst.idx.msk $0xffff, v12  }
0x215: {  	[tilespmem:v18+s22+$0x0] =	vst.idx.msk $0xffff, v13  }
.Ltmp10:
0x216: {  	v17 =	vld [tilespmem:s8+$0xB020];
	(pc) =	sbr.rel @p0 .LBB2_17-.Ltmp10, $4  }
0x217: {  	v16 =	vld [tilespmem:s8+$0xC820]  }
0x218: {  	v15 =	vld [tilespmem:s8+$0xE020]  }
0x219: {  	v14 =	vld [tilespmem:s8+$0xF820]  }
0x21a: {  	s6 =	sadd.s32 $0x1, s6;
	v12 =	vadd.s32 v7, v19;
	v13 =	vadd.s32 v6, v19  }
0x21b: {  	_ = 	snop  }
0x21c: {  	v18 =	vunpack.i.u.bf16.f32 v17;
	v22 =	vunpack.i.l.bf16.f32 v17;
	v19 =	vunpack.i.l.bf16.f32 v16  }
0x21d: {  	v17 =	vmul.f32 v22, v9;
	v23 =	vunpack.i.u.bf16.f32 v16;
	v19 =	vmul.f32 v19, v11  }
0x21e: {  	v24 =	vmul.f32 v18, v9;
	v25 =	vmul.f32 v23, v11;
	v26 =	vunpack.i.l.bf16.f32 v15  }
0x21f: {  	v27 =	vunpack.i.u.bf16.f32 v15;
	v16 =	vmul.f32 v26, v10;
	v17 =	vadd.f32 v19, v17  }
0x220: {  	v28 =	vmul.f32 v27, v10;
	v29 =	vunpack.i.l.bf16.f32 v14;
	v9 =	vadd.f32 v25, v24  }
0x221: {  	v31 =	vunpack.i.u.bf16.f32 v14;
	v11 =	vmul.f32 v29, v8;
	v30 =	vadd.f32 v16, v17  }
0x222: {  	v32 =	vmov s6;
	v8 =	vmul.f32 v31, v8;
	v9 =	vadd.f32 v28, v9  }
0x223: {  	v33 =	vadd.f32 v11, v30  }
0x224: {  	v8 =	vadd.f32 v8, v9  }
0x225: {  	v34 =	vor.u32 $0x80, v32;
	[tilespmem:v13+s22+$0x0] =	vst.idx.msk $0xffff, v33  }
0x226: {  	[tilespmem:v12+s22+$0x0] =	vst.idx.msk $0xffff, v8  }
0x227: {  	s8 =	sshra.s32 s10, $0x2;
	v8 =	vor.u32 $0x100, v32;
	v10 =	vld.idx.msk [tilespmem:v32+s21+$0x0], $0xffff  }
0x228: {  	v35 =	vld [tilespmem:s8+$0xB000]  }
0x229: {  	v36 =	vor.u32 $0x180, v32;
	v13 =	vld [tilespmem:s8+$0xC800]  }
0x22a: {  	v9 =	vld.idx.msk [tilespmem:v34+s21+$0x0], $0xffff  }
0x22b: {  	v37 =	vld [tilespmem:s8+$0xE000]  }
0x22c: {  	v38 =	vand.u32 $0x7F, v32;
	v8 =	vld.idx.msk [tilespmem:v8+s21+$0x0], $0xffff  }
0x22d: {  	v41 =	vadd.s32 v3, v38;
	v20 =	vadd.s32 v0, v38;
	v39 =	vld [tilespmem:s8+$0xF800]  }
0x22e: {  	v12 =	vld.idx.msk [tilespmem:v36+s21+$0x0], $0xffff;
	v40 =	vunpack.i.u.bf16.f32 v35;
	v11 =	vunpack.i.l.bf16.f32 v35;
	v42 =	vunpack.i.l.bf16.f32 v13  }
0x22f: {  	v13 =	vunpack.i.u.bf16.f32 v13;
	v11 =	vmul.f32 v11, v10;
	v19 =	vmul.f32 v42, v9  }
0x230: {  	v21 =	vunpack.i.l.bf16.f32 v37;
	v17 =	vmul.f32 v40, v10;
	v13 =	vmul.f32 v13, v9  }
0x231: {  	v14 =	vunpack.i.u.bf16.f32 v37;
	v11 =	vadd.f32 v19, v11;
	v43 =	vmul.f32 v21, v8  }
0x232: {  	v44 =	vunpack.i.l.bf16.f32 v39;
	v13 =	vadd.f32 v13, v17;
	v14 =	vmul.f32 v14, v8  }
0x233: {  	v16 =	vunpack.i.u.bf16.f32 v39;
	v17 =	vmul.f32 v44, v12;
	v11 =	vadd.f32 v43, v11  }
0x234: {  	v16 =	vmul.f32 v16, v12;
	v13 =	vadd.f32 v14, v13  }
0x235: {  	v11 =	vadd.f32 v17, v11  }
0x236: {  	v13 =	vadd.f32 v16, v13  }
0x237: {  	[tilespmem:v20+s22+$0x0] =	vst.idx.msk $0xffff, v11  }
0x238: {  	[tilespmem:v41+s22+$0x0] =	vst.idx.msk $0xffff, v13  }
0x239: {  	v11 =	vld [tilespmem:s8+$0xB010]  }
0x23a: {  	v13 =	vld [tilespmem:s8+$0xC810];
	_ =	sdelay $0x1  }
0x23b: {  	v45 =	vld [tilespmem:s8+$0xE010];
	_ =	sdelay $0x1  }
0x23c: {  	v49 =	vadd.s32 v5, v38;
	v53 =	vadd.s32 v4, v38;
	v47 =	vld [tilespmem:s8+$0xF810]  }
0x23d: {  	v46 =	vunpack.i.u.bf16.f32 v11;
	v11 =	vunpack.i.l.bf16.f32 v11;
	v48 =	vunpack.i.l.bf16.f32 v13  }
0x23e: {  	v13 =	vunpack.i.u.bf16.f32 v13;
	v11 =	vmul.f32 v11, v10;
	v18 =	vmul.f32 v48, v9  }
0x23f: {  	v14 =	vunpack.i.l.bf16.f32 v45;
	v16 =	vmul.f32 v46, v10;
	v13 =	vmul.f32 v13, v9  }
0x240: {  	v50 =	vunpack.i.u.bf16.f32 v45;
	v14 =	vmul.f32 v14, v8;
	v11 =	vadd.f32 v18, v11  }
0x241: {  	v52 =	vunpack.i.l.bf16.f32 v47;
	v51 =	vmul.f32 v50, v8;
	v13 =	vadd.f32 v13, v16  }
0x242: {  	v54 =	vunpack.i.u.bf16.f32 v47;
	v16 =	vmul.f32 v52, v12;
	v11 =	vadd.f32 v14, v11  }
0x243: {  	v13 =	vadd.f32 v51, v13;
	v14 =	vmul.f32 v54, v12  }
0x244: {  	v11 =	vadd.f32 v16, v11  }
0x245: {  	v13 =	vadd.f32 v14, v13  }
0x246: {  	[tilespmem:v53+s22+$0x0] =	vst.idx.msk $0xffff, v11  }
0x247: {  	[tilespmem:v49+s22+$0x0] =	vst.idx.msk $0xffff, v13  }
0x248: {  	v11 =	vld [tilespmem:s8+$0xB020]  }
0x249: {  	v13 =	vld [tilespmem:s8+$0xC820];
	_ =	sdelay $0x1  }
0x24a: {  	v55 =	vld [tilespmem:s8+$0xE020];
	_ =	sdelay $0x1  }
0x24b: {  	v57 =	vadd.s32 v6, v38;
	v15 =	vadd.s32 v7, v38;
	v56 =	vld [tilespmem:s8+$0xF820]  }
0x24c: {  	v58 =	vunpack.i.u.bf16.f32 v11;
	v11 =	vunpack.i.l.bf16.f32 v11;
	v59 =	vunpack.i.l.bf16.f32 v13  }
0x24d: {  	s1 =	sadd.s32 s1, s2;
	v13 =	vunpack.i.u.bf16.f32 v13;
	v11 =	vmul.f32 v11, v10;
	v19 =	vmul.f32 v59, v9  }
0x24e: {  	s1 =	sadd.s32 $0x80, s1;
	v60 =	vunpack.i.l.bf16.f32 v55;
	v10 =	vmul.f32 v58, v10;
	v9 =	vmul.f32 v13, v9  }
0x24f: {  	s10 =	smulhi.u32 $0x38E38E39, s1;
	v14 =	vunpack.i.u.bf16.f32 v55;
	v13 =	vmul.f32 v60, v8;
	v11 =	vadd.f32 v19, v11  }
0x250: {  	v61 =	vunpack.i.l.bf16.f32 v56;
	v8 =	vmul.f32 v14, v8;
	v9 =	vadd.f32 v9, v10  }
0x251: {  	s6 =	sshrl.u32 s10, $0xF;
	v62 =	vunpack.i.u.bf16.f32 v56;
	v10 =	vmul.f32 v61, v12;
	v11 =	vadd.f32 v13, v11  }
0x252: {  	s6 =	smul.u32 $0xD5C000, s6;
	v63 =	vmul.f32 v62, v12;
	v8 =	vadd.f32 v8, v9  }
0x253: {  	v10 =	vadd.f32 v10, v11  }
0x254: {  	s1 =	sadd.s32 s1, s6;
	v8 =	vadd.f32 v63, v8  }
0x255: {  	s1 =	sshrl.u32 s1, $0x3;
	[tilespmem:v57+s22+$0x0] =	vst.idx.msk $0xffff, v10  }
0x256: {  	s23 =	simm.s32 $0x14300;
	s6 =	simm.s32 $0x220;
	s1 =	sadd.s32 s5, s1;
	[tilespmem:v15+s22+$0x0] =	vst.idx.msk $0xffff, v8  }
0x257: {  	[hbm4b:s1+s3] =	stream.linear.scatter [tilespmem:s23], [sflag:$0x4], $0x80, $0x38;
	[tilespmem:$0x17600] =	vst v63  }
.LBB2_19:
0x258: {  	p0 =	sne.s32 s6, $0xC9E0  }
.Ltmp11:
0x259: {  	_ = 	snop;
	(pc) =	sbr.rel @p0 .LBB2_19-.Ltmp11, $4  }
0x25a: {  	_ = 	snop  }
0x25b: {  	s7 =	sshra.s32 s6, $0x2;
	s6 =	sadd.s32 $0x220, s6  }
0x25c: {  	s1 =	sadd.s32 $0x4800, s1;
	s7 =	sadd.s32 $0x14300, s7  }
0x25d: {  	[hbm4b:s1+s3] =	stream.linear.scatter [tilespmem:s7], [sflag:$0x4], $0x80, $0x38;
	[tilespmem:$0x17600] =	vst v63  }
0x25e: {  	p0 =	seq.s32 s31, $0x23  }
.Ltmp12:
0x25f: {  	_ = 	snop;
	(pc) =	sbr.rel @p0 .LBB2_24-.Ltmp12, $1  }
0x260: {  	_ =	sdelay $0x3  }
0x261: {  	v9 =	vmov s30  }
0x262: {  	v10 =	vmov s29;
	_ =	sdelay $0x2  }
0x263: {  	s0 =	sadd.s32 $0x180, s0;
	s1 =	simm.s32 $0x0  }
0x264: {  	s0 =	smulhi.u32 $0x38E38E39, s0;
	v12 =	vld.idx.msk [tilespmem:v9+s1+$0x0 ss:$0x1], $0xffff  }
0x265: {  	v11 =	vld.idx.msk [tilespmem:v10+s1+$0x0 ss:$0x1], $0xffff  }
0x266: {  	s0 =	sshrl.u32 s0, $0xF  }
0x267: {  	s0 =	smul.u32 $0x24000, s0;
	_ =	sdelay $0x1  }
0x268: {  	s6 =	simm.s32 $0x80;
	v8 =	vmov s0;
	s0 =	simm.s32 $0x10;
	v12 =	vadd.f32 $1.000000000e+00, v12  }
.LBB2_22:
0x269: {  	p0 =	sne.s32 s6, $0x1C0;
	v11 =	vadd.f32 $1.000000000e+00, v11;
	s7 =	smov.u32 s6;
	s6 =	sadd.s32 $0x40, s6  }
0x26a: {  	v12 =	vmul.f32 $1.920000000e+02, v12  }
0x26b: {  	v11 =	vmul.f32 $1.920000000e+02, v11  }
0x26c: {  	v12 =	vadd.f32 $-5.000000000e-01, v12  }
0x26d: {  	v11 =	vadd.f32 $-5.000000000e-01, v11  }
0x26e: {  	v13 =	vtrunc.f32 v12  }
0x26f: {  	v14 =	vtrunc.f32 v11;
	v15 =	vcvt.f32.s32 v13;
	vm0 =	vlt.f32 v12, v13  }
0x270: {  	v13 =	vcvt.f32.s32 v14;
	vm1 =	vlt.f32 v11, v14;
	v14 =	vsel vm0, $0xFFFFFFFF, v2  }
0x271: {  	s7 =	sshra.s32 s7, $0x2;
	v16 =	vsel vm1, $0xFFFFFFFF, v2;
	v14 =	vadd.s32 v15, v14  }
0x272: {  	v13 =	vadd.s32 v13, v16;
	v15 =	vcvt.s32.f32 v14;
	v16 =	vadd.s32 $0x1, v14  }
0x273: {  	vm2 =	vgt.s32 v14, $0x0;
	vm1 =	vgt.s32 v13, $0x0;
	vm0 =	vgt.s32 v16, $0x0  }
0x274: {  	v17 =	vcvt.s32.f32 v13;
	v12 =	vsub.f32 v12, v15;
	v15 =	vnsel vm0, $0x0, v16  }
0x275: {  	v18 =	vadd.s32 $0x1, v13;
	vm0 =	vlt.u32 v16, $0x180;
	v15 =	vmin.u32 v15, $0x17F  }
0x276: {  	v11 =	vsub.f32 v11, v17;
	v16 =	vsub.f32 $1.000000000e+00, v12;
	v15 =	vmul.u32 $0x180, v15  }
0x277: {  	v19 =	vnsel vm2, $0x0, v14;
	v17 =	vnsel vm1, $0x0, v13;
	vm1 =	vlt.u32 v18, $0x180  }
0x278: {  	vm3 =	vlt.u32 v14, $0x180;
	vm2 =	vlt.u32 v13, $0x180;
	vm4 =	vgt.s32 v18, $0x0  }
0x279: {  	v14 =	vnsel vm4, $0x0, v18;
	v13 =	vsub.f32 $1.000000000e+00, v11;
	v15 =	vadd.s32 v8, v15  }
0x27a: {  	vm4 =	vmand vm2, vm3;
	v17 =	vmin.u32 v17, $0x17F;
	v18 =	vmul.f32 v16, v11  }
0x27b: {  	v14 =	vmin.u32 v14, $0x17F;
	v16 =	vmul.f32 v16, v13;
	v20 =	vadd.s32 v17, v15  }
0x27c: {  	v19 =	vmin.u32 v19, $0x17F;
	v13 =	vmul.f32 v13, v12;
	v15 =	vadd.s32 v14, v15;
	[tilespmem:s1+$0x4B00] =	vst v20  }
0x27d: {  	vm2 =	vmand vm2, vm0;
	vm3 =	vmand vm1, vm3;
	v16 =	vnsel vm4, $0x0, v16;
	[tilespmem:s1+$0x4B80] =	vst v15  }
0x27e: {  	v11 =	vmul.f32 v12, v11;
	v13 =	vnsel vm2, $0x0, v13;
	v15 =	vmul.u32 $0x180, v19;
	[tilespmem:s1+$0x4E00] =	vst v16  }
0x27f: {  	vm0 =	vmand vm1, vm0;
	v12 =	vnsel vm3, $0x0, v18;
	[tilespmem:s1+$0x4F00] =	vst v13  }
0x280: {  	v11 =	vnsel vm0, $0x0, v11;
	v13 =	vadd.s32 v8, v15;
	[tilespmem:s1+$0x4E80] =	vst v12  }
0x281: {  	v12 =	vadd.s32 v17, v13;
	v13 =	vadd.s32 v14, v13;
	[tilespmem:s1+$0x4F80] =	vst v11  }
0x282: {  	[tilespmem:s1+$0x4A00] =	vst v12  }
0x283: {  	[tilespmem:s1+$0x4A80] =	vst v13;
	s1 =	smov.u32 s0;
	s0 =	smov.u32 s7  }
0x284: {  	v12 =	vld.idx.msk [tilespmem:v9+s1+$0x0 ss:$0x1], $0xffff  }
0x285: {  	v11 =	vld.idx.msk [tilespmem:v10+s1+$0x0 ss:$0x1], $0xffff  }
.Ltmp13:
0x286: {  	(pc) =	sbr.rel @p0 .LBB2_22-.Ltmp13, $2  }
0x287: {  	_ =	sdelay $0x2  }
0x288: {  	v12 =	vadd.f32 $1.000000000e+00, v12  }
0x289: {  	v11 =	vadd.f32 $1.000000000e+00, v11  }
0x28a: {  	v12 =	vmul.f32 $1.920000000e+02, v12  }
0x28b: {  	v11 =	vmul.f32 $1.920000000e+02, v11  }
0x28c: {  	v12 =	vadd.f32 $-5.000000000e-01, v12  }
0x28d: {  	v11 =	vadd.f32 $-5.000000000e-01, v11  }
0x28e: {  	v13 =	vtrunc.f32 v12  }
0x28f: {  	v14 =	vtrunc.f32 v11;
	v15 =	vcvt.f32.s32 v13  }
0x290: {  	vm0 =	vlt.f32 v12, v13;
	v30 =	vcvt.f32.s32 v14;
	vm1 =	vlt.f32 v11, v14  }
0x291: {  	v31 =	vsel vm0, $0xFFFFFFFF, v2;
	v16 =	vsel vm1, $0xFFFFFFFF, v2  }
0x292: {  	v14 =	vadd.s32 v15, v31;
	v13 =	vadd.s32 v30, v16  }
0x293: {  	v15 =	vcvt.s32.f32 v14;
	v32 =	vadd.s32 $0x1, v14;
	vm2 =	vgt.s32 v14, $0x0  }
0x294: {  	vm3 =	vlt.u32 v14, $0x180;
	vm10 =	vgt.s32 v13, $0x0;
	vm11 =	vgt.s32 v32, $0x0  }
0x295: {  	v17 =	vcvt.s32.f32 v13;
	v18 =	vadd.s32 $0x1, v13;
	vm12 =	vlt.u32 v32, $0x180  }
0x296: {  	v19 =	vnsel vm2, $0x0, v14;
	vm14 =	vlt.u32 v13, $0x180;
	v12 =	vsub.f32 v12, v15  }
0x297: {  	v33 =	vnsel vm11, $0x0, v32;
	v35 =	vnsel vm10, $0x0, v13;
	v19 =	vmin.u32 v19, $0x17F  }
0x298: {  	vm13 =	vlt.u32 v18, $0x180;
	vm4 =	vgt.s32 v18, $0x0;
	v39 =	vmul.u32 $0x180, v19  }
0x299: {  	v15 =	vmin.u32 v33, $0x17F;
	v11 =	vsub.f32 v11, v17;
	v37 =	vnsel vm4, $0x0, v18  }
0x29a: {  	v17 =	vmin.u32 v35, $0x17F;
	v15 =	vmul.u32 $0x180, v15;
	v41 =	vadd.s32 v8, v39  }
0x29b: {  	v34 =	vsub.f32 $1.000000000e+00, v12;
	v14 =	vmin.u32 v37, $0x17F;
	v42 =	vadd.s32 v17, v41  }
0x29c: {  	vm15 =	vmand vm14, vm3;
	v15 =	vadd.s32 v8, v15;
	v43 =	vadd.s32 v14, v41;
	[tilespmem:s1+$0x4A00] =	vst v42  }
0x29d: {  	v36 =	vsub.f32 $1.000000000e+00, v11;
	v38 =	vmul.f32 v34, v11;
	v20 =	vadd.s32 v17, v15;
	[tilespmem:s1+$0x4A80] =	vst v43  }
0x29e: {  	vm3 =	vmand vm13, vm3;
	v11 =	vmul.f32 v12, v11;
	v15 =	vadd.s32 v14, v15;
	[tilespmem:s1+$0x4B00] =	vst v20  }
0x29f: {  	vm0 =	vmand vm13, vm12;
	v16 =	vmul.f32 v34, v36;
	[tilespmem:s1+$0x4B80] =	vst v15;
	v40 =	vnsel vm3, $0x0, v38  }
0x2a0: {  	v13 =	vmul.f32 v36, v12;
	v11 =	vnsel vm0, $0x0, v11;
	[tilespmem:s1+$0x4E80] =	vst v40  }
0x2a1: {  	vm2 =	vmand vm14, vm12;
	v16 =	vnsel vm15, $0x0, v16;
	[tilespmem:s1+$0x4F80] =	vst v11  }
0x2a2: {  	v13 =	vnsel vm2, $0x0, v13;
	[tilespmem:s1+$0x4E00] =	vst v16  }
0x2a3: {  	[tilespmem:s1+$0x4F00] =	vst v13  }
0x2a4: {  	v9 =	vld.idx.msk [tilespmem:v9+s0+$0x0 ss:$0x1], $0xffff  }
0x2a5: {  	v10 =	vld.idx.msk [tilespmem:v10+s0+$0x0 ss:$0x1], $0xffff;
	_ =	sdelay $0x3  }
0x2a6: {  	v9 =	vadd.f32 $1.000000000e+00, v9  }
0x2a7: {  	v10 =	vadd.f32 $1.000000000e+00, v10  }
0x2a8: {  	v9 =	vmul.f32 $1.920000000e+02, v9  }
0x2a9: {  	v10 =	vmul.f32 $1.920000000e+02, v10  }
0x2aa: {  	v9 =	vadd.f32 $-5.000000000e-01, v9  }
0x2ab: {  	v10 =	vadd.f32 $-5.000000000e-01, v10  }
0x2ac: {  	v44 =	vtrunc.f32 v9  }
0x2ad: {  	v45 =	vtrunc.f32 v10;
	v46 =	vcvt.f32.s32 v44;
	vm5 =	vlt.f32 v9, v44  }
0x2ae: {  	v47 =	vcvt.f32.s32 v45;
	vm6 =	vlt.f32 v10, v45;
	v48 =	vsel vm5, $0xFFFFFFFF, v2  }
0x2af: {  	v49 =	vsel vm6, $0xFFFFFFFF, v2;
	v12 =	vadd.s32 v46, v48  }
0x2b0: {  	v11 =	vadd.s32 v47, v49;
	v13 =	vcvt.s32.f32 v12;
	v50 =	vadd.s32 $0x1, v12  }
0x2b1: {  	vm7 =	vgt.s32 v11, $0x0;
	vm8 =	vgt.s32 v12, $0x0;
	v51 =	vcvt.s32.f32 v11  }
0x2b2: {  	v53 =	vadd.s32 $0x1, v11;
	vm12 =	vlt.u32 v11, $0x180;
	vm9 =	vgt.s32 v50, $0x0  }
0x2b3: {  	vm13 =	vlt.u32 v12, $0x180;
	v55 =	vnsel vm7, $0x0, v11;
	v52 =	vnsel vm9, $0x0, v50  }
0x2b4: {  	v56 =	vnsel vm8, $0x0, v12;
	v9 =	vsub.f32 v9, v13;
	v13 =	vmin.u32 v52, $0x17F  }
0x2b5: {  	vm14 =	vgt.s32 v53, $0x0;
	v10 =	vsub.f32 v10, v51;
	v13 =	vmul.u32 $0x180, v13  }
0x2b6: {  	v58 =	vnsel vm14, $0x0, v53;
	v15 =	vmin.u32 v55, $0x17F;
	v17 =	vmin.u32 v56, $0x17F  }
0x2b7: {  	v12 =	vmin.u32 v58, $0x17F;
	v61 =	vmul.u32 $0x180, v17;
	v13 =	vadd.s32 v8, v13  }
0x2b8: {  	v54 =	vsub.f32 $1.000000000e+00, v9;
	v57 =	vsub.f32 $1.000000000e+00, v10;
	v60 =	vadd.s32 v15, v13  }
0x2b9: {  	vm10 =	vlt.u32 v50, $0x180;
	v8 =	vadd.s32 v8, v61;
	v13 =	vadd.s32 v12, v13;
	[tilespmem:s0+$0x4B00] =	vst v60  }
0x2ba: {  	vm11 =	vlt.u32 v53, $0x180;
	v14 =	vmul.f32 v54, v57;
	v63 =	vadd.s32 v15, v8;
	[tilespmem:s0+$0x4B80] =	vst v13  }
0x2bb: {  	vm15 =	vmand vm12, vm13;
	v11 =	vmul.f32 v57, v9;
	v8 =	vadd.s32 v12, v8;
	[tilespmem:s0+$0x4A00] =	vst v63  }
0x2bc: {  	vm2 =	vmand vm12, vm10;
	v59 =	vmul.f32 v54, v10;
	v14 =	vnsel vm15, $0x0, v14;
	[tilespmem:s0+$0x4A80] =	vst v8  }
.Ltmp14:
0x2bd: {  	vm3 =	vmand vm11, vm13;
	v9 =	vmul.f32 v9, v10;
	v11 =	vnsel vm2, $0x0, v11;
	[tilespmem:s0+$0x4E00] =	vst v14;
	(pc) =	sbr.rel .LBB2_6-.Ltmp14, $4  }
0x2be: {  	vm0 =	vmand vm11, vm10;
	v62 =	vnsel vm3, $0x0, v59;
	[tilespmem:s0+$0x4F00] =	vst v11  }
0x2bf: {  	s31 =	sadd.s32 $0x1, s31;
	s26 =	sadd.s32 $0x100, s26;
	v9 =	vnsel vm0, $0x0, v9;
	[tilespmem:s0+$0x4E80] =	vst v62  }
0x2c0: {  	s28 =	sadd.s32 $0x100, s28;
	s29 =	sadd.s32 $0x100, s29;
	s30 =	sadd.s32 $0x100, s30;
	[tilespmem:s0+$0x4F80] =	vst v9  }
0x2c1: {  	[tilespmem:s15], [sflag:$0x2] =	stream.indirect.gather [hbm4b:s4+s11], $0x30, s14, s11, $0xb8;
	[tilespmem:$0x17600] =	vst v63  }
.LBB2_25:
0x2c2: {  	_ =	sfence.sel $0x180000  }
0x2c3: {  	[bflag:$0x0] =	sbarrier.arrive $0xFFFF  }
0x2c4: {  	_ =	strace $0x9000004D  }
0x2c5: {  	s0 =	stileid.u32;
	[bflag:$0x2] =	sbarrier.arrive $0xFFFF  }
0x2c6: {  	p0 =	sne.s32 s0, $0x0;
	s0 =	rddreg [dreg:$0x1]  }
0x2c7: {  	s0 =	sadd.s32 @!p0 $0x100000, s0  }
0x2c8: {  	[sflag:s0] =	ssyncadd.tile.s32 @!p0 $0x1;
	_ =	shalt  }
.Lfunc_end2:
_tile_overlayer_lowered:
.L_overlay_start_2:
0x2c9: {  	(tag) =	ssettag $0x2  }
0x2ca: {  	s0 =	rddreg [dreg:$0x0];
	s2 =	stileid.u32  }
0x2cb: {  	s1 =	rddreg [dreg:$0x1];
	p0 =	sne.s32 s2, $0x0  }
0x2cc: {  	s3 =	rddreg [dreg:$0x2];
	[bflag:$0x3] =	sbarrier.arrive $0xFFFF;
	s2 =	simm.s32 @!p0 $0x1C05  }
0x2cd: {  	[timem:s3], [sflag:s2] =	dma.local @!p0 [hbm:s0], s1  }
0x2ce: {  	s0 =	simm.s32 @!p0 $0x5  }
0x2cf: {  	_ =	swait.ge @!p0 [sflag:s0], s1  }
0x2d0: {  	s1 =	ssub.s32 @!p0 $0x0, s1;
	[sflag:s0] =	ssyncset.done @!p0 $0x0  }
0x2d1: {  	[sflag:s0] =	ssyncadd.s32 @!p0 s1  }
0x2d2: {  	[bflag:$0x3] =	sbarrier.arrive $0xFFFF  }
0x2d3: {  	_ =	shalt  }

// kernel: sparse-core-data-format-call.1.cloned.1.call-start
scs
called_computation.1_lowered:
.L_overlay_start_0:
0x0: {  	s2 =	sld [smem:$0x3FD9]  }
0x1: {  	s3 =	sld [smem:$0x3FFE];
	_ =	sdelay $0x1  }
0x2: {  	s1 =	srdreg.scid  }
0x3: {  	s0 =	sand.u32 $0x1, s1  }
0x4: {  	s18 =	sshll.u32 s0, $0xA;
	s2 =	sadd.s32 s3, s2  }
0x5: {  	s2 =	sadd.s32 s2, s18  }
0x6: {  	[smem:$0x3FC6] =	sst s2  }
0x7: {  	_ = 	snop  }
0x8: {  	s2 =	sld [smem:$0x3FD0];
	(tm) =	ssettm $0x1  }
0x9: {  	s19 =	sld [smem:$0x3FFB];
	_ =	sdelay $0x3  }
0xa: {  	_ =	strace s19  }
0xb: {  	s3 =	sld [smem:$0x3FFC];
	_ =	sdelay $0x3  }
0xc: {  	_ =	strace s3  }
0xd: {  	s3 =	sld [smem:$0x3FFD];
	_ =	sdelay $0x3  }
0xe: {  	_ =	strace s3  }
0xf: {  	_ =	strace $0x8FFFFFFF  }
0x10: {  	s20 =	sld [smem:$0x3FDB];
	_ =	sdelay $0x1  }
0x11: {  	s4 =	simm.s32 $_scs_section_size  }
0x12: {  	s5 =	simm.s32 $_size__tile_overlayer_lowered;
	s6 =	simm.s32 $_tile_overlayer_lowered  }
0x13: {  	s23 =	simm.s32 $0x1BFF;
	s22 =	sshll.u32 s6, $0x1;
	s3 =	sadd.s32 s4, s20  }
0x14: {  	s7 =	simm.s32 $0x0;
	s21 =	sshll.u32 s5, $0x1;
	s5 =	sadd.s32 s22, s3  }
0x15: {  	[timem:s7], [sflag:s23] =	dma.local [hbm:s5], s21  }
0x16: {  	_ =	swait.ge [sflag:s23], s21  }
0x17: {  	s4 =	ssub.s32 $0x0, s21;
	[sflag:s23] =	ssyncset.done $0x0  }
0x18: {  	[sflag:s23] =	ssyncadd.s32 s4;
	_ =	sdelay $0x1  }
0x19: {  	s24 =	simm.s32 $0x1B8B  }
0x1a: {  	_ =	swait.ge [sflag:s24], $0x1  }
0x1b: {  	[sflag:s24] =	ssyncset.done $0x0  }
0x1c: {  	s26 =	simm.s32 $0x1B8E;
	s25 =	sld [smem:$0x3FFE];
	[sflag:s24] =	ssyncadd.s32 $0xFFFFFFFF  }
0x1d: {  	s27 =	simm.s32 $execute0_lowered;
	[smem:$0x3FD2] =	sst s26  }
0x1e: {  	s5 =	sshll.u32 s27, $0x1;
	_ =	strace $0x80000046;
	[dreg:$0x1] =	wrdreg $0xFFFFFFFF  }
0x1f: {  	s28 =	simm.s32 $_size_execute0_lowered;
	s3 =	sadd.s32 s3, s5;
	[dreg:$0x0] =	wrdreg $0x0  }
0x20: {  	s5 =	sshll.u32 s28, $0x1;
	[dreg:$0x2] =	wrdreg s3  }
0x21: {  	[dreg:$0x3] =	wrdreg s5  }
0x22: {  	[dreg:$0x4] =	wrdreg $0xC0  }
0x23: {  	_ =	task [dreg:s7], $0x5FFFF  }
0x24: {  	[dreg:$0x1] =	wrdreg $0xFFFFFFFF  }
0x25: {  	[dreg:$0x0] =	wrdreg $0x60  }
0x26: {  	[dreg:$0x2] =	wrdreg s25  }
0x27: {  	[dreg:$0x3] =	wrdreg s2  }
0x28: {  	[dreg:$0x4] =	wrdreg $0x9  }
0x29: {  	_ =	task.clear_ibuf [dreg:s7], $0x5FFFF;
	_ =	strace $0x90000046  }
0x2a: {  	s29 =	simm.s32 $0x9;
	_ =	strace $0x80000048  }
0x2b: {  	_ =	swait.ge [sflag:s29], $0x1  }
0x2c: {  	[sflag:s29] =	ssyncadd.s32 $0xFFFFFFFF  }
0x2d: {  	_ =	strace $0x90000048  }
0x2e: {  	_ =	sfence  }
0x2f: {  	s30 =	sld [smem:$0x0];
	_ =	sdelay $0x2  }
0x30: {  	s31 =	sshll.u32 s1, $0xD;
	s1 =	sshrl.u32 s1, $0x2  }
0x31: {  	s3 =	sand.u32 $0x4000, s31;
	s1 =	sadd.s32 s1, s30  }
0x32: {  	s0 =	sor.u32 s3, s0;
	s1 =	sshll.u32 s1, $0x11  }
0x33: {  	s0 =	sor.u32 s1, s0  }
0x34: {  	s0 =	sadd.s32 $0x8F2B, s0  }
0x35: {  	[sflag:s0] =	ssyncadd.remote.s32 $0x1  }
0x36: {  	_ =	sfence.sel $0xFFFF  }
0x37: {  	[dreg:$0x0] =	wrdreg $0xFFFFFFFF;
	(pc) =	sbr.abs _section_cstart, $3  }
0x38: {  	[dreg:$0x1] =	wrdreg $0xFFFFFFFF  }
0x39: {  	_ =	task.clear_ibuf [dreg:s7], $0x2FFFF;
	_ =	strace $0x9FFFFFFF  }
0x3a: {  	(tm) =	ssettm $0x7FFFFFFF  }
0x3b: {  	_ =	shalt  }
tec
execute0_lowered:
.L_overlay_start_1:
0x0: {  	(tag) =	ssettag $0x1  }
0x1: {  	s1 =	srdreg.scid  }
0x2: {  	s0 =	stileid.u32;
	s1 =	sshll.u32 s1, $0x4  }
0x3: {  	s7 =	rddreg [dreg:$0x0];
	s8 =	simm.s32 $0x2;
	s1 =	sor.u32 s0, s1  }
0x4: {  	s19 =	simm.s32 $0x0;
	s9 =	simm.s32 $0x12000;
	s1 =	sand.u32 $0x1E, s1  }
0x5: {  	s10 =	simm.s32 $0x6000;
	s2 =	sand.u32 $0x1, s0;
	s3 =	ssub.s32 $0x180, s1  }
0x6: {  	s17 =	simm.s32 $0x0;
	s4 =	ssub.s32 $0x2, s2;
	s5 =	sand.u32 $0x1E, s3  }
0x7: {  	s6 =	sshrl.u32 s4, $0x1;
	p0 =	sne.s32 s5, $0x0;
	s5 =	simm.s32 $0x1  }
0x8: {  	s4 =	sand.u32 $0x1, s4;
	s3 =	sshrl.u32 s3, $0x5;
	s5 =	simm.s32 @!p0 $0x0  }
0x9: {  	s16 =	simm.s32 $0x0;
	s6 =	sadd.s32 s4, s6;
	s3 =	sadd.s32 s5, s3  }
0xa: {  	s18 =	simm.s32 $0x0;
	s11 =	simm.s32 $0x0;
	s6 =	smul.u32 s3, s6  }
.Ltmp0:
0xb: {  	s13 =	simm.s32 $0x0;
	s15 =	simm.s32 $0x0;
	(pc) =	sbr.rel .LBB1_1-.Ltmp0, $4  }
0xc: {  	s7 =	sadd.s32 $0x1000, s7;
	s4 =	rddreg [dreg:$0x1];
	s5 =	simm.s32 $0x1  }
0xd: {  	s3 =	rddreg [dreg:$0x2];
	_ =	strace $0x80000047;
	s6 =	smul.u32 $0x3, s6  }
0xe: {  	s14 =	smov.u32 s2;
	s12 =	smov.u32 s1;
	[sflag:s5] =	ssyncpa.u1 $0x0  }
0xf: {  	p0 =	por $0x0, $0x0;
	[sflag:s8] =	ssyncpa.u1 $0x0;
	s8 =	sadd.s32 $0x1, s6  }
.LBB1_6:
0x10: {  	v11 =	vld [tilespmem:s23+$0xFFFFFFE0];
	v12 =	vcombine.low v6, v8  }
0x11: {  	v3 =	vperm.xlane.i2c.b16 v3;
	[tilespmem:s24+$0x3870 ss:$0x81] =	vst.msk $0xffff, v9;
	v46 =	vld [tilespmem:s23+$0xFFFFFFF0];
	v4 =	vperm.xlane.i2c.b16 v4  }
0x12: {  	v47 =	vcombine.high v6, v8;
	[tilespmem:s22+$0x2040 ss:$0x81] =	vst.msk $0xffff, v10;
	v48 =	vld [tilespmem:s23+$0x0];
	v5 =	vperm.xlane.i2c.b16 v5  }
0x13: {  	v50 =	vld [tilespmem:s23+$0x10];
	v2 =	vperm.xlane.i2c.b16 v2;
	[tilespmem:s24+$0x810 ss:$0x81] =	vst.msk $0xffff, v12;
	v49 =	vcombine.low v7, v3  }
0x14: {  	s19 =	sshll.u32 s19, $0x7;
	s30 =	sshll.u32 s16, $0x4;
	s31 =	sshll.u32 s16, $0x1;
	v52 =	vld [tilespmem:s23+$0xFFFFFFC0];
	v1 =	vperm.xlane.i2c.b16 v1;
	v51 =	vcombine.low v4, v0;
	[tilespmem:s24+$0x2850 ss:$0x81] =	vst.msk $0xffff, v47  }
0x15: {  	s27 =	sshra.s32 s25, $0x2;
	s26 =	sand.u32 $0xFFFFF800, s19;
	s22 =	sand.u32 $0xFFFFF800, s30;
	v3 =	vcombine.high v7, v3;
	v53 =	vcombine.low v2, v5;
	[tilespmem:s24+$0x1020 ss:$0x81] =	vst.msk $0xffff, v49  }
0x16: {  	s19 =	sand.u32 $0x700, s19;
	s20 =	sadd.s32 s27, s20;
	s22 =	sadd.s32 s22, s26;
	v2 =	vcombine.high v2, v5;
	v56 =	vcombine.high v4, v0;
	[tilespmem:s24+$0x0 ss:$0x81] =	vst.msk $0xffff, v51  }
0x17: {  	s26 =	sand.u32 $0x80, s31;
	s19 =	sor.u32 s19, s22;
	[tilespmem:s20+$0x1830 ss:$0x81] =	vst.msk $0xffff, v53;
	v11 =	vperm.xlane.i2c.b16 v11;
	v54 =	vperm.xlane.i2c.b16 v46  }
0x18: {  	s19 =	sor.u32 s26, s19;
	[tilespmem:s24+$0x3060 ss:$0x81] =	vst.msk $0xffff, v3;
	v55 =	vperm.xlane.i2c.b16 v48;
	v58 =	vperm.xlane.i2c.b16 v50  }
0x19: {  	s18 =	smul.u32 $0x120000, s18;
	s19 =	sshrl.u32 s19, $0x7;
	[tilespmem:s20+$0x3870 ss:$0x81] =	vst.msk $0xffff, v2;
	v60 =	vperm.xlane.i2c.b16 v52;
	v57 =	vcombine.low v11, v54  }
0x1a: {  	[tilespmem:s24+$0x2040 ss:$0x81] =	vst.msk $0xffff, v56;
	s28 =	smulhi.u32 $0xAAAAAB, s19;
	v61 =	vcombine.low v55, v58  }
0x1b: {  	s17 =	smul.u32 $0xC00, s17;
	v63 =	vcombine.low v60, v1;
	[tilespmem:s20+$0x810 ss:$0x81] =	vst.msk $0xffff, v57  }
0x1c: {  	v59 =	vcombine.high v11, v54;
	s22 =	smul.u32 $0x180, s28;
	[tilespmem:s20+$0x1020 ss:$0x81] =	vst.msk $0xffff, v61  }
0x1d: {  	s29 =	sshrl.u32 s16, $0x3;
	s30 =	sand.u32 $0x7, s16;
	s18 =	sadd.s32 s4, s18;
	v62 =	vcombine.high v55, v58;
	[tilespmem:s20+$0x0 ss:$0x81] =	vst.msk $0xffff, v63  }
0x1e: {  	s17 =	sadd.s32 s17, s18;
	v0 =	vcombine.high v60, v1;
	[tilespmem:s20+$0x2850 ss:$0x81] =	vst.msk $0xffff, v59;
	s19 =	ssub.s32 s19, s22;
	s22 =	sand.u32 $0x7, s29  }
0x1f: {  	s16 =	sshll.u32 s30, $0x12;
	[tilespmem:s20+$0x3060 ss:$0x81] =	vst.msk $0xffff, v62;
	s31 =	sshll.u32 s19, $0x3;
	s17 =	sadd.s32 s22, s17  }
0x20: {  	s16 =	sor.u32 $0x2000, s16;
	[tilespmem:s20+$0x2040 ss:$0x81] =	vst.msk $0xffff, v0;
	s17 =	sadd.s32 s31, s17  }
0x21: {  	[hbm4b:s17+s16] =	stream.strided.scatter [tilespmem:s21], [sflag:$0x2], $0x4000, s10, s16, $0x20;
	[tilespmem:$0x10100] =	vst v63  }
.LBB1_7:
0x22: {  	s20 =	sadd.s32 $0x80, s11  }
0x23: {  	s16 =	sadd.s32 $0x20, s12;
	s21 =	smov.u32 s12;
	p2 =	sgt.s32 s20, $0x17F  }
0x24: {  	s21 =	smov.u32 @p2 s16  }
0x25: {  	s22 =	smov.u32 s13;
	s16 =	sadd.s32 $0x80, s13;
	p3 =	sgt.s32 s21, $0x17F  }
0x26: {  	s22 =	smov.u32 @p3 s16  }
0x27: {  	s23 =	smov.u32 s14;
	s16 =	sadd.s32 $0x2, s14;
	p4 =	sgt.s32 s22, $0x5F  }
0x28: {  	p1 =	slt.u32 s15, $0x2;
	s23 =	smov.u32 @p4 s16  }
0x29: {  	s19 =	smov.u32 s11;
	s20 =	simm.s32 @p2 $0x0;
	p2 =	sgt.s32 s23, $0x1  }
0x2a: {  	s24 =	simm.s32 @!p1 $0x2;
	s23 =	smov.u32 @p2 s2;
	p2 =	sne.s32 s15, s8  }
.Ltmp1:
0x2b: {  	s17 =	smov.u32 s12;
	_ =	swait.ge @!p1 [sflag:s24], $0x4000;
	(pc) =	sbr.rel @!p2 .LBB1_8-.Ltmp1, $4  }
0x2c: {  	s18 =	smov.u32 s14;
	p0 =	por !p0, !p0;
	[sflag:s24] =	ssyncset.done @!p1 $0x0  }
0x2d: {  	s11 =	smov.u32 s20;
	s21 =	smov.u32 @p3 s1;
	[sflag:s24] =	ssyncadd.s32 @!p1 $0xFFFFC000  }
0x2e: {  	s12 =	smov.u32 s21;
	s22 =	simm.s32 @p4 $0x0;
	s16 =	smov.u32 s13  }
0x2f: {  	s13 =	smov.u32 s22;
	s15 =	sadd.s32 $0x1, s15;
	s14 =	smov.u32 s23  }
.LBB1_1:
0x30: {  	p1 =	sge.u32 s15, s6  }
.Ltmp2:
0x31: {  	_ = 	snop;
	(pc) =	sbr.rel @p1 .LBB1_3-.Ltmp2, $1  }
0x32: {  	_ =	sdelay $0x3  }
0x33: {  	s20 =	sshrl.u32 s12, $0x4;
	s21 =	sshll.u32 s11, $0x4;
	s22 =	sshll.u32 s12, $0x7  }
0x34: {  	s24 =	sshll.u32 s11, $0x1;
	s23 =	sand.u32 $0x1, s12;
	p1 =	sgt.s32 s14, $0x1  }
0x35: {  	s26 =	sshra.s32 s14, $0x1F;
	s28 =	sshra.s32 s12, $0x1F;
	s20 =	smul.u32 $0x1800, s20  }
0x36: {  	s30 =	sshra.s32 s11, $0x1F;
	s21 =	sand.u32 $0xFFFFF800, s21;
	s22 =	sand.u32 $0x700, s22  }
0x37: {  	s25 =	sand.u32 $0xFE, s24;
	s20 =	sadd.s32 s20, s21;
	s21 =	smov.u32 s14  }
0x38: {  	s24 =	smov.u32 s13;
	s20 =	sor.u32 s22, s20;
	s21 =	simm.s32 @!p1 $0x1  }
0x39: {  	s22 =	sand.u32 s26, s14;
	p1 =	sgt.s32 s13, $0xFFFFFFE0;
	s20 =	sor.u32 s25, s20  }
0x3a: {  	s22 =	sxor.u32 $0xFFFFFFFF, s22;
	s25 =	sshra.s32 s13, $0x1F;
	s24 =	simm.s32 @!p1 $0xFFFFFFE0  }
0x3b: {  	s23 =	sor.u32 s23, s20;
	s21 =	sadd.s32 s22, s21;
	s27 =	sand.u32 s25, s13  }
0x3c: {  	s25 =	smov.u32 s12;
	s20 =	smulhi.u32 $0xAAAAAAAB, s20;
	p1 =	sgt.s32 s21, $0x0  }
0x3d: {  	s21 =	ssub.s32 $0x1, s21;
	s22 =	ssub.s32 s24, s27;
	s26 =	smulhi.u32 $0xAAAAAAAB, s23  }
0x3e: {  	s21 =	simm.s32 @p1 $0x0;
	s24 =	sadd.s32 $0x20, s22;
	p1 =	sgt.s32 s12, $0x17E  }
0x3f: {  	s22 =	ssub.s32 $0x60, s22;
	s20 =	sshrl.u32 s20, $0x8;
	s25 =	simm.s32 @!p1 $0x17E  }
0x40: {  	p1 =	sgt.s32 s24, $0x7F;
	s31 =	smulhi.u32 $0xAAAAAB, s20;
	s26 =	sshrl.u32 s26, $0x8  }
0x41: {  	s24 =	sand.u32 s28, s12;
	s22 =	simm.s32 @p1 $0x0;
	s26 =	smul.u32 $0x180, s26  }
0x42: {  	s24 =	ssub.s32 s25, s24;
	p1 =	sgt.s32 s11, $0x100;
	s21 =	smul.u32 s21, s22  }
0x43: {  	s25 =	smov.u32 s11;
	s29 =	sadd.s32 $0xFFFFFE82, s24;
	s28 =	smul.u32 $0x180, s31  }
0x44: {  	s25 =	simm.s32 @!p1 $0x100;
	s22 =	sand.u32 s30, s11;
	s30 =	smul.u32 $0xD8000, s14  }
0x45: {  	s24 =	ssub.s32 $0x180, s24;
	s31 =	smul.u32 $0x2400, s13;
	p1 =	sgt.s32 s29, $0x1  }
0x46: {  	s22 =	ssub.s32 s25, s22;
	s23 =	ssub.s32 s23, s26;
	s24 =	simm.s32 @p1 $0x0  }
0x47: {  	s27 =	sadd.s32 $0xFFFFFF00, s22;
	s22 =	ssub.s32 $0x180, s22;
	s20 =	ssub.s32 s20, s28  }
0x48: {  	s26 =	sshrl.u32 s23, $0x4;
	s21 =	smul.u32 s24, s21;
	p1 =	sgt.s32 s27, $0x7F  }
0x49: {  	s23 =	sshll.u32 s23, $0x11;
	s20 =	smul.u32 $0x18, s20;
	s22 =	simm.s32 @p1 $0x0  }
0x4a: {  	s25 =	sadd.s32 s7, s30;
	s23 =	sand.u32 $0x1C0000, s23;
	s21 =	smul.u32 s22, s21  }
0x4b: {  	s29 =	sxor.u32 $0xFFFFFFFF, s15;
	s24 =	sadd.s32 s31, s25;
	s23 =	sor.u32 $0x80, s23  }
0x4c: {  	s20 =	sadd.s32 s20, s24;
	s22 =	sshll.u32 s29, $0xE;
	s21 =	sshrl.u32 s21, $0x1  }
0x4d: {  	s20 =	sadd.s32 s26, s20;
	s22 =	sand.u32 $0x4000, s22;
	s21 =	sand.u32 $0x3FFFFFFF, s21  }
0x4e: {  	[tilespmem:s22], [sflag:$0x1] =	stream.strided.gather [hbm4b:s20+s23], s21, s9, s23, $0x38;
	[tilespmem:$0x10100] =	vst v63  }
.LBB1_3:
0x4f: {  	s20 =	sadd.s32 $0xFFFFFFFF, s15  }
0x50: {  	p1 =	sge.u32 s20, s6  }
.Ltmp3:
0x51: {  	_ = 	snop;
	(pc) =	sbr.rel @p1 .LBB1_7-.Ltmp3, $1  }
0x52: {  	_ =	sdelay $0x3  }
0x53: {  	p1 =	sgt.s32 s18, $0x1;
	s20 =	smov.u32 s18;
	s21 =	sshra.s32 s18, $0x1F  }
0x54: {  	s22 =	smov.u32 s16;
	s23 =	sshra.s32 s16, $0x1F;
	s31 =	sshra.s32 s17, $0x1F  }
0x55: {  	s20 =	simm.s32 @!p1 $0x1;
	s21 =	sand.u32 s21, s18;
	p1 =	sgt.s32 s16, $0xFFFFFFE0  }
0x56: {  	s23 =	sand.u32 s23, s16;
	s21 =	sxor.u32 $0xFFFFFFFF, s21;
	s22 =	simm.s32 @!p1 $0xFFFFFFE0  }
0x57: {  	s25 =	sshra.s32 s19, $0x1F;
	s20 =	sadd.s32 s21, s20;
	s30 =	ssub.s32 s22, s23  }
0x58: {  	p1 =	sgt.s32 s20, $0x0;
	s20 =	ssub.s32 $0x1, s20;
	s22 =	sadd.s32 $0x20, s30  }
0x59: {  	s21 =	ssub.s32 $0x60, s30;
	s20 =	simm.s32 @p1 $0x0;
	p1 =	sgt.s32 s22, $0x7F  }
0x5a: {  	s22 =	smov.u32 s17;
	s21 =	simm.s32 @p1 $0x0;
	p1 =	sgt.s32 s17, $0x17E  }
0x5b: {  	s24 =	sand.u32 s31, s17;
	s20 =	smul.u32 s20, s21;
	s22 =	simm.s32 @!p1 $0x17E  }
0x5c: {  	p1 =	sgt.s32 s19, $0x100;
	s21 =	ssub.s32 s22, s24;
	s22 =	smov.u32 s19  }
0x5d: {  	s23 =	sand.u32 s25, s19;
	s24 =	sadd.s32 $0xFFFFFE82, s21;
	s22 =	simm.s32 @!p1 $0x100  }
0x5e: {  	s21 =	ssub.s32 $0x180, s21;
	p1 =	sgt.s32 s24, $0x1;
	s22 =	ssub.s32 s22, s23  }
0x5f: {  	s21 =	simm.s32 @p1 $0x0;
	s23 =	sadd.s32 $0xFFFFFF00, s22  }
0x60: {  	s20 =	smul.u32 s21, s20;
	p1 =	sgt.s32 s23, $0x7F;
	s21 =	ssub.s32 $0x180, s22  }
0x61: {  	s21 =	simm.s32 @p1 $0x0  }
0x62: {  	s20 =	smul.u32 s21, s20;
	_ =	sdelay $0x1  }
0x63: {  	s20 =	sshrl.u32 s20, $0x1  }
0x64: {  	s21 =	simm.s32 $0x1;
	s20 =	sand.u32 $0x3FFFFFFF, s20  }
0x65: {  	s21 =	simm.s32 @!p0 $0x0;
	_ =	swait.ge [sflag:s5], s20  }
0x66: {  	s26 =	sshll.u32 s21, $0xE;
	s20 =	ssub.s32 $0x0, s20;
	[sflag:s5] =	ssyncset.done $0x0  }
0x67: {  	s22 =	sor.u32 $0x40, s26;
	[sflag:s5] =	ssyncadd.s32 s20  }
0x68: {  	v0 =	vld [tilespmem:s22+$0x20]  }
0x69: {  	v1 =	vld [tilespmem:s22+$0x30]  }
0x6a: {  	v2 =	vld [tilespmem:s22+$0xFFFFFFD0]  }
0x6b: {  	v3 =	vld [tilespmem:s22+$0xFFFFFFE0]  }
0x6c: {  	v4 =	vld [tilespmem:s22+$0xFFFFFFF0]  }
0x6d: {  	v5 =	vld [tilespmem:s22+$0x0]  }
0x6e: {  	v6 =	vld [tilespmem:s22+$0x10];
	_ =	sdelay $0x1  }
0x6f: {  	s27 =	smul.u32 $0x10200, s21;
	v1 =	vperm.xlane.i2c.b16 v1;
	v0 =	vperm.xlane.i2c.b16 v0  }
0x70: {  	s28 =	sadd.s32 $0x80, s22;
	v7 =	vld [tilespmem:s22+$0xFFFFFFC0];
	v10 =	vperm.xlane.i2c.b16 v2;
	v3 =	vperm.xlane.i2c.b16 v3  }
0x71: {  	s20 =	sshrl.u32 s27, $0x2;
	v9 =	vld [tilespmem:s28+$0x30];
	v4 =	vperm.xlane.i2c.b16 v4;
	v5 =	vperm.xlane.i2c.b16 v5  }
0x72: {  	s20 =	sor.u32 $0x8000, s20;
	v2 =	vld [tilespmem:s28+$0x20];
	v6 =	vperm.xlane.i2c.b16 v6;
	v8 =	vcombine.low v0, v1  }
0x73: {  	s22 =	sadd.s32 $0x0, s20;
	v0 =	vcombine.high v0, v1;
	v1 =	vld [tilespmem:s28+$0xFFFFFFD0];
	v11 =	vcombine.low v3, v4  }
0x74: {  	v12 =	vld [tilespmem:s28+$0xFFFFFFF0];
	[tilespmem:s22+$0x1830 ss:$0x81] =	vst.msk $0xffff, v8  }
0x75: {  	v13 =	vperm.xlane.i2c.b16 v7;
	v8 =	vld [tilespmem:s28+$0xFFFFFFE0];
	[tilespmem:s22+$0x810 ss:$0x81] =	vst.msk $0xffff, v11;
	v11 =	vcombine.low v5, v6  }
0x76: {  	v7 =	vld [tilespmem:s28+$0x0];
	v9 =	vperm.xlane.i2c.b16 v9;
	[tilespmem:s22+$0x3870 ss:$0x81] =	vst.msk $0xffff, v0;
	v0 =	vcombine.high v3, v4  }
0x77: {  	s29 =	sand.u32 $0x1, s15;
	v5 =	vcombine.high v5, v6;
	v3 =	vld [tilespmem:s28+$0x10];
	v14 =	vperm.xlane.i2c.b16 v2;
	[tilespmem:s22+$0x1020 ss:$0x81] =	vst.msk $0xffff, v11  }
0x78: {  	s30 =	smul.u32 $0x10200, s29;
	s23 =	sadd.s32 $0x80, s28;
	v4 =	vld [tilespmem:s28+$0xFFFFFFC0];
	[tilespmem:s22+$0x2850 ss:$0x81] =	vst.msk $0xffff, v0;
	v0 =	vperm.xlane.i2c.b16 v1;
	v1 =	vcombine.low v13, v10  }
0x79: {  	v2 =	vld [tilespmem:s23+$0x20];
	v11 =	vcombine.low v14, v9;
	[tilespmem:s22+$0x3060 ss:$0x81] =	vst.msk $0xffff, v5;
	v9 =	vcombine.high v14, v9  }
0x7a: {  	s31 =	sshrl.u32 s30, $0x2;
	s24 =	sadd.s32 $0x1, s20;
	v5 =	vld [tilespmem:s23+$0x30];
	v6 =	vperm.xlane.i2c.b16 v8;
	v8 =	vperm.xlane.i2c.b16 v12;
	[tilespmem:s22+$0x0 ss:$0x81] =	vst.msk $0xffff, v1  }
0x7b: {  	s25 =	simm.s32 $0x8;
	s21 =	sor.u32 $0x8000, s31;
	s26 =	simm.s32 $0xC;
	v7 =	vperm.xlane.i2c.b16 v7;
	v10 =	vcombine.high v13, v10;
	v1 =	vld [tilespmem:s23+$0xFFFFFFD0];
	[tilespmem:s24+$0x1830 ss:$0x81] =	vst.msk $0xffff, v11  }
.LBB1_5:
0x7c: {  	p1 =	sne.s32 s26, $0x1FC;
	v11 =	vld [tilespmem:s23+$0xFFFFFFE0];
	v12 =	vcombine.low v6, v8;
	v3 =	vperm.xlane.i2c.b16 v3;
	[tilespmem:s24+$0x3870 ss:$0x81] =	vst.msk $0xffff, v9  }
0x7d: {  	v13 =	vperm.xlane.i2c.b16 v4;
	v4 =	vcombine.high v6, v8;
	v9 =	vld [tilespmem:s23+$0xFFFFFFF0];
	[tilespmem:s22+$0x2040 ss:$0x81] =	vst.msk $0xffff, v10;
	s22 =	smov.u32 s24  }
0x7e: {  	v10 =	vld [tilespmem:s23+$0x0];
	[tilespmem:s22+$0x810 ss:$0x81] =	vst.msk $0xffff, v12;
	v6 =	vcombine.low v7, v3;
	v7 =	vcombine.high v7, v3  }
.Ltmp4:
0x7f: {  	v14 =	vperm.xlane.i2c.b16 v2;
	v12 =	vperm.xlane.i2c.b16 v5;
	v3 =	vld [tilespmem:s23+$0x10];
	[tilespmem:s22+$0x2850 ss:$0x81] =	vst.msk $0xffff, v4;
	(pc) =	sbr.rel @p1 .LBB1_5-.Ltmp4, $4  }
0x80: {  	v15 =	vperm.xlane.i2c.b16 v1;
	v1 =	vcombine.low v13, v0;
	v4 =	vld [tilespmem:s23+$0xFFFFFFC0];
	s23 =	sadd.s32 $0x80, s23;
	[tilespmem:s22+$0x1020 ss:$0x81] =	vst.msk $0xffff, v6  }
0x81: {  	s24 =	sshra.s32 s25, $0x2;
	s25 =	smov.u32 s26;
	v2 =	vld [tilespmem:s23+$0x20];
	v6 =	vperm.xlane.i2c.b16 v11;
	v11 =	vcombine.low v14, v12;
	[tilespmem:s22+$0x3060 ss:$0x81] =	vst.msk $0xffff, v7  }
0x82: {  	s24 =	sadd.s32 s24, s20;
	v5 =	vld [tilespmem:s23+$0x30];
	v8 =	vperm.xlane.i2c.b16 v9;
	v9 =	vcombine.high v14, v12;
	[tilespmem:s22+$0x0 ss:$0x81] =	vst.msk $0xffff, v1  }
0x83: {  	s26 =	sadd.s32 $0x4, s26;
	v1 =	vld [tilespmem:s23+$0xFFFFFFD0];
	v7 =	vperm.xlane.i2c.b16 v10;
	[tilespmem:s24+$0x1830 ss:$0x81] =	vst.msk $0xffff, v11;
	v10 =	vcombine.high v13, v0;
	v0 =	vmov v15  }
.Ltmp5:
0x84: {  	_ = 	snop;
	(pc) =	sbr.rel .LBB1_6-.Ltmp5, $1  }
0x85: {  	_ =	sdelay $0x3  }
.LBB1_8:
0x86: {  	_ =	sfence.sel $0x180000  }
0x87: {  	s1 =	simm.s32 $0x1;
	[bflag:$0x0] =	sbarrier.arrive $0xFFFF  }
0x88: {  	s31 =	simm.s32 $0x2;
	[sflag:s1] =	ssyncpa.u1 $0x1  }
0x89: {  	[sflag:s31] =	ssyncpa.u1 $0x1  }
0x8a: {  	p0 =	sne.s32 s0, $0x0;
	_ =	strace $0x90000047  }
0x8b: {  	s0 =	sadd.s32 @!p0 $0x100000, s3;
	[bflag:$0x2] =	sbarrier.arrive $0xFFFF  }
0x8c: {  	[sflag:s0] =	ssyncadd.tile.s32 @!p0 $0x1;
	_ =	shalt  }
.Lfunc_end1:
_tile_overlayer_lowered:
.L_overlay_start_2:
0x8d: {  	(tag) =	ssettag $0x2  }
0x8e: {  	s0 =	rddreg [dreg:$0x0];
	s2 =	stileid.u32  }
0x8f: {  	s1 =	rddreg [dreg:$0x1];
	p0 =	sne.s32 s2, $0x0  }
0x90: {  	s3 =	rddreg [dreg:$0x2];
	[bflag:$0x3] =	sbarrier.arrive $0xFFFF;
	s2 =	simm.s32 @!p0 $0x1C01  }
0x91: {  	[timem:s3], [sflag:s2] =	dma.local @!p0 [hbm:s0], s1  }
0x92: {  	s0 =	simm.s32 @!p0 $0x1  }
0x93: {  	_ =	swait.ge @!p0 [sflag:s0], s1  }
0x94: {  	s1 =	ssub.s32 @!p0 $0x0, s1;
	[sflag:s0] =	ssyncset.done @!p0 $0x0  }
0x95: {  	[sflag:s0] =	ssyncadd.s32 @!p0 s1  }
0x96: {  	[bflag:$0x3] =	sbarrier.arrive $0xFFFF  }
0x97: {  	_ =	shalt  }

// kernel: sparse-core-data-format-call.cloned.1.call-start
scs
called_computation_lowered:
.L_overlay_start_0:
0x0: {  	s2 =	sld [smem:$0x3FD9]  }
0x1: {  	s3 =	sld [smem:$0x3FFE];
	_ =	sdelay $0x1  }
0x2: {  	s1 =	srdreg.scid  }
0x3: {  	s0 =	sand.u32 $0x1, s1  }
0x4: {  	s18 =	sshll.u32 s0, $0xA;
	s2 =	sadd.s32 s3, s2  }
0x5: {  	s2 =	sadd.s32 s2, s18  }
0x6: {  	[smem:$0x3FC6] =	sst s2  }
0x7: {  	_ = 	snop  }
0x8: {  	s2 =	sld [smem:$0x3FD0];
	(tm) =	ssettm $0x1  }
0x9: {  	s19 =	sld [smem:$0x3FFB];
	_ =	sdelay $0x3  }
0xa: {  	_ =	strace s19  }
0xb: {  	s3 =	sld [smem:$0x3FFC];
	_ =	sdelay $0x3  }
0xc: {  	_ =	strace s3  }
0xd: {  	s3 =	sld [smem:$0x3FFD];
	_ =	sdelay $0x3  }
0xe: {  	_ =	strace s3  }
0xf: {  	_ =	strace $0x8FFFFFFF  }
0x10: {  	s20 =	sld [smem:$0x3FDB];
	_ =	sdelay $0x1  }
0x11: {  	s4 =	simm.s32 $_scs_section_size  }
0x12: {  	s5 =	simm.s32 $_size__tile_overlayer_lowered;
	s6 =	simm.s32 $_tile_overlayer_lowered  }
0x13: {  	s23 =	simm.s32 $0x1BFF;
	s22 =	sshll.u32 s6, $0x1;
	s3 =	sadd.s32 s4, s20  }
0x14: {  	s7 =	simm.s32 $0x0;
	s21 =	sshll.u32 s5, $0x1;
	s5 =	sadd.s32 s22, s3  }
0x15: {  	[timem:s7], [sflag:s23] =	dma.local [hbm:s5], s21  }
0x16: {  	_ =	swait.ge [sflag:s23], s21  }
0x17: {  	s4 =	ssub.s32 $0x0, s21;
	[sflag:s23] =	ssyncset.done $0x0  }
0x18: {  	[sflag:s23] =	ssyncadd.s32 s4;
	_ =	sdelay $0x1  }
0x19: {  	s24 =	simm.s32 $0x1B8B  }
0x1a: {  	_ =	swait.ge [sflag:s24], $0x1  }
0x1b: {  	[sflag:s24] =	ssyncset.done $0x0  }
0x1c: {  	s26 =	simm.s32 $0x1B8E;
	s25 =	sld [smem:$0x3FFE];
	[sflag:s24] =	ssyncadd.s32 $0xFFFFFFFF  }
0x1d: {  	s27 =	simm.s32 $execute0_lowered;
	[smem:$0x3FD2] =	sst s26  }
0x1e: {  	s5 =	sshll.u32 s27, $0x1;
	_ =	strace $0x80000049;
	[dreg:$0x1] =	wrdreg $0xFFFFFFFF  }
0x1f: {  	s28 =	simm.s32 $_size_execute0_lowered;
	s3 =	sadd.s32 s3, s5;
	[dreg:$0x0] =	wrdreg $0x0  }
0x20: {  	s5 =	sshll.u32 s28, $0x1;
	[dreg:$0x2] =	wrdreg s3  }
0x21: {  	[dreg:$0x3] =	wrdreg s5  }
0x22: {  	[dreg:$0x4] =	wrdreg $0xC0  }
0x23: {  	_ =	task [dreg:s7], $0x5FFFF  }
0x24: {  	[dreg:$0x1] =	wrdreg $0xFFFFFFFF  }
0x25: {  	[dreg:$0x0] =	wrdreg $0x60  }
0x26: {  	[dreg:$0x2] =	wrdreg s2  }
0x27: {  	[dreg:$0x3] =	wrdreg s25  }
0x28: {  	[dreg:$0x4] =	wrdreg $0x9  }
0x29: {  	_ =	task.clear_ibuf [dreg:s7], $0x5FFFF;
	_ =	strace $0x90000049  }
0x2a: {  	s29 =	simm.s32 $0x9;
	_ =	strace $0x8000004B  }
0x2b: {  	_ =	swait.ge [sflag:s29], $0x1  }
0x2c: {  	[sflag:s29] =	ssyncadd.s32 $0xFFFFFFFF  }
0x2d: {  	_ =	strace $0x9000004B  }
0x2e: {  	_ =	sfence  }
0x2f: {  	s30 =	sld [smem:$0x0];
	_ =	sdelay $0x2  }
0x30: {  	s31 =	sshll.u32 s1, $0xD;
	s1 =	sshrl.u32 s1, $0x2  }
0x31: {  	s3 =	sand.u32 $0x4000, s31;
	s1 =	sadd.s32 s1, s30  }
0x32: {  	s0 =	sor.u32 s3, s0;
	s1 =	sshll.u32 s1, $0x11  }
0x33: {  	s0 =	sor.u32 s1, s0  }
0x34: {  	s0 =	sadd.s32 $0x8F2B, s0  }
0x35: {  	[sflag:s0] =	ssyncadd.remote.s32 $0x1  }
0x36: {  	_ =	sfence.sel $0xFFFF  }
0x37: {  	[dreg:$0x0] =	wrdreg $0xFFFFFFFF;
	(pc) =	sbr.abs _section_cstart, $3  }
0x38: {  	[dreg:$0x1] =	wrdreg $0xFFFFFFFF  }
0x39: {  	_ =	task.clear_ibuf [dreg:s7], $0x2FFFF;
	_ =	strace $0x9FFFFFFF  }
0x3a: {  	(tm) =	ssettm $0x7FFFFFFF  }
0x3b: {  	_ =	shalt  }
tec
execute0_lowered:
.L_overlay_start_1:
0x0: {  	(tag) =	ssettag $0x1  }
0x1: {  	s0 =	srdreg.scid  }
0x2: {  	s1 =	sshll.u32 s0, $0x4  }
0x3: {  	s2 =	rddreg [dreg:$0x0];
	s0 =	stileid.u32;
	s1 =	sand.u32 $0x10, s1  }
0x4: {  	s4 =	rddreg [dreg:$0x1];
	s7 =	simm.s32 $0x1;
	s1 =	sor.u32 s0, s1  }
0x5: {  	s8 =	simm.s32 $0x2;
	s9 =	simm.s32 $0x0;
	s3 =	sshll.u32 s1, $0x4  }
0x6: {  	s12 =	simm.s32 $0x0;
	s11 =	simm.s32 $0x0;
	s6 =	ssub.s32 $0x3600, s3  }
.Ltmp0:
0x7: {  	s4 =	sadd.s32 $0x1000, s4;
	s5 =	sand.u32 $0x1F0, s6;
	(pc) =	sbr.rel .LBB1_1-.Ltmp0, $4  }
0x8: {  	s1 =	rddreg [dreg:$0x2];
	_ =	strace $0x8000004A;
	p0 =	sne.s32 s5, $0x0  }
0x9: {  	s6 =	sshrl.u32 s6, $0x9;
	s5 =	simm.s32 $0x1;
	s7 =	simm.s32 @!p0 $0x0  }
0xa: {  	s10 =	smov.u32 s3;
	[sflag:s5] =	ssyncpa.u1 $0x0;
	s6 =	sadd.s32 s7, s6  }
0xb: {  	[sflag:s8] =	ssyncpa.u1 $0x0;
	s8 =	simm.s32 $0x0;
	s7 =	sadd.s32 $0x1, s6  }
.LBB1_7:
0xc: {  	s14 =	sadd.s32 $0x200, s10  }
0xd: {  	p1 =	sgt.s32 s14, $0x35FF  }
0xe: {  	s14 =	smov.u32 @p1 s3;
	p1 =	sne.s32 s11, s7  }
.Ltmp1:
0xf: {  	p0 =	slt.u32 s11, $0x2;
	(pc) =	sbr.rel @!p1 .LBB1_8-.Ltmp1, $4  }
0x10: {  	s13 =	simm.s32 @!p0 $0x2  }
0x11: {  	s15 =	sadd.s32 $0x1, s11;
	_ =	swait.ge @!p0 [sflag:s13], $0x4000  }
0x12: {  	s12 =	smov.u32 s10;
	s9 =	sadd.s32 $0x8000, s9;
	[sflag:s13] =	ssyncset.done @!p0 $0x0  }
0x13: {  	s11 =	smov.u32 s15;
	s10 =	smov.u32 s14;
	[sflag:s13] =	ssyncadd.s32 @!p0 $0xFFFFC000  }
.LBB1_1:
0x14: {  	p0 =	sge.u32 s11, s6  }
0x15: {  	s13 =	sxor.u32 @!p0 $0xFFFFFFFF, s11  }
0x16: {  	s31 =	sadd.s32 $0xFFFFFFFF, s11;
	s14 =	sshll.u32 @!p0 s10, $0x7;
	s13 =	sshll.u32 @!p0 s13, $0xE  }
0x17: {  	s15 =	simm.s32 @!p0 $0x0;
	s14 =	sadd.s32 @!p0 s2, s14;
	s13 =	sand.u32 @!p0 $0x4000, s13  }
0x18: {  	[tilespmem:s13], [sflag:$0x1] =	stream.linear.gather @!p0 [hbm4b:s14+s15], $0x4000, $0x38;
	[tilespmem:$0x10000] =	vst v63  }
0x19: {  	p0 =	sge.u32 s31, s6  }
.Ltmp2:
0x1a: {  	_ = 	snop;
	(pc) =	sbr.rel @p0 .LBB1_7-.Ltmp2, $1  }
0x1b: {  	_ =	sdelay $0x3  }
0x1c: {  	s13 =	sshrl.u32 s9, $0x1;
	_ =	swait.ge [sflag:s5], $0x4000  }
0x1d: {  	s15 =	sshll.u32 s11, $0xE;
	s16 =	simm.s32 $0x0;
	s14 =	sand.u32 $0x4000, s13  }
0x1e: {  	[sflag:s5] =	ssyncset.done $0x0;
	s15 =	sand.u32 $0x4000, s15;
	s13 =	sor.u32 $0x200, s14  }
0x1f: {  	s14 =	sor.u32 $0x8080, s14;
	[sflag:s5] =	ssyncadd.s32 $0xFFFFC000;
	s15 =	sor.u32 $0x8000, s15  }
.LBB1_3:
0x20: {  	v0 =	vld [tilespmem:s13+$0xFFFFFE70]  }
0x21: {  	v1 =	vld [tilespmem:s13+$0x70]  }
0x22: {  	v2 =	vld [tilespmem:s13+$0x0]  }
0x23: {  	v3 =	vld [tilespmem:s13+$0xFFFFFE10]  }
0x24: {  	v4 =	vld [tilespmem:s13+$0x10]  }
0x25: {  	v5 =	vld [tilespmem:s13+$0xFFFFFE20]  }
0x26: {  	v7 =	vld [tilespmem:s13+$0x20]  }
0x27: {  	v11 =	vld [tilespmem:s13+$0x30];
	v6 =	vunpack.i.l.s16.s32 v0;
	v8 =	vunpack.i.u.s16.s32 v0;
	v9 =	vunpack.i.u.s16.s32 v1  }
0x28: {  	v10 =	vunpack.i.l.s16.s32 v1;
	v0 =	vunpack.i.u.s16.s32 v2;
	v1 =	vunpack.i.l.s16.s32 v2;
	v2 =	vld [tilespmem:s13+$0xFFFFFE30]  }
0x29: {  	v8 =	vpack.i.b32.b16 v9, v8;
	v9 =	vunpack.i.u.s16.s32 v3;
	v3 =	vunpack.i.l.s16.s32 v3  }
0x2a: {  	v12 =	vld [tilespmem:s13+$0xFFFFFE40];
	v6 =	vpack.i.b32.b16 v10, v6;
	[tilespmem:s14+$0x70] =	vst v8;
	v8 =	vunpack.i.u.s16.s32 v4;
	v4 =	vunpack.i.l.s16.s32 v4  }
0x2b: {  	v13 =	vld [tilespmem:s13+$0x40];
	v10 =	vunpack.i.u.s16.s32 v5;
	v5 =	vunpack.i.l.s16.s32 v5;
	[tilespmem:s14+$0xFFFFFFF0] =	vst v6;
	v3 =	vpack.i.b32.b16 v4, v3  }
0x2c: {  	v6 =	vunpack.i.l.s16.s32 v7;
	v4 =	vld [tilespmem:s13+$0xFFFFFE50];
	[tilespmem:s14+$0xFFFFFF90] =	vst v3;
	v3 =	vpack.i.b32.b16 v8, v9;
	v8 =	vunpack.i.u.s16.s32 v7  }
0x2d: {  	v7 =	vunpack.i.l.s16.s32 v11;
	[tilespmem:s14+$0x10] =	vst v3;
	v3 =	vpack.i.b32.b16 v6, v5;
	v9 =	vunpack.i.u.s16.s32 v2;
	v6 =	vld [tilespmem:s13+$0x50]  }
0x2e: {  	v5 =	vunpack.i.l.s16.s32 v2;
	v2 =	vld [tilespmem:s13+$0xFFFFFE60];
	[tilespmem:s14+$0xFFFFFFA0] =	vst v3;
	v3 =	vpack.i.b32.b16 v8, v10;
	v10 =	vunpack.i.u.s16.s32 v11  }
0x2f: {  	s19 =	simm.s32 $0x0;
	v11 =	vpack.i.b32.b16 v7, v5;
	v7 =	vunpack.i.u.s16.s32 v12;
	v8 =	vunpack.i.l.s16.s32 v12;
	[tilespmem:s14+$0x20] =	vst v3;
	v3 =	vld [tilespmem:s13+$0x60]  }
0x30: {  	s20 =	sadd.s32 $0x80, s13;
	s18 =	smov.u32 s14;
	s17 =	smov.u32 s14;
	v5 =	vld [tilespmem:s13+$0xFFFFFE00];
	[tilespmem:s14+$0xFFFFFFB0] =	vst v11;
	v10 =	vpack.i.b32.b16 v10, v9;
	v9 =	vunpack.i.u.s16.s32 v13;
	v11 =	vunpack.i.l.s16.s32 v13  }
.LBB1_4:
0x31: {  	v12 =	vld [tilespmem:s20+$0xFFFFFE70];
	[tilespmem:s18+$0x30] =	vst v10;
	v8 =	vpack.i.b32.b16 v11, v8;
	v10 =	vunpack.i.u.s16.s32 v4;
	v4 =	vunpack.i.l.s16.s32 v4  }
0x32: {  	s19 =	sadd.s32 $0x2, s19;
	v7 =	vpack.i.b32.b16 v9, v7;
	v11 =	vld [tilespmem:s20+$0x70];
	[tilespmem:s18+$0xFFFFFFC0] =	vst v8;
	v8 =	vunpack.i.u.s16.s32 v6;
	v6 =	vunpack.i.l.s16.s32 v6  }
0x33: {  	p0 =	slt.u32 s19, $0x6;
	v9 =	vld [tilespmem:s20+$0x0];
	[tilespmem:s18+$0x40] =	vst v7;
	v4 =	vpack.i.b32.b16 v6, v4;
	v6 =	vunpack.i.u.s16.s32 v2;
	v2 =	vunpack.i.l.s16.s32 v2  }
0x34: {  	v7 =	vld [tilespmem:s20+$0xFFFFFE10];
	[tilespmem:s18+$0xFFFFFFD0] =	vst v4;
	v4 =	vpack.i.b32.b16 v8, v10;
	v8 =	vunpack.i.u.s16.s32 v3;
	v3 =	vunpack.i.l.s16.s32 v3  }
0x35: {  	v10 =	vld [tilespmem:s20+$0x10];
	v13 =	vunpack.i.u.s16.s32 v5;
	v5 =	vunpack.i.l.s16.s32 v5;
	[tilespmem:s18+$0x50] =	vst v4;
	v2 =	vpack.i.b32.b16 v3, v2  }
0x36: {  	v3 =	vld [tilespmem:s20+$0xFFFFFE20];
	v4 =	vunpack.i.l.s16.s32 v12;
	v1 =	vpack.i.b32.b16 v1, v5;
	v5 =	vpack.i.b32.b16 v0, v13;
	[tilespmem:s18+$0xFFFFFFE0] =	vst v2  }
0x37: {  	v12 =	vunpack.i.u.s16.s32 v12;
	v2 =	vld [tilespmem:s20+$0x20];
	v13 =	vunpack.i.u.s16.s32 v11;
	v11 =	vunpack.i.l.s16.s32 v11;
	[tilespmem:s18+$0xFFFFFF80] =	vst v1  }
0x38: {  	s18 =	sadd.s32 $0x100, s18;
	v0 =	vunpack.i.u.s16.s32 v9;
	v1 =	vunpack.i.l.s16.s32 v9;
	v9 =	vld [tilespmem:s20+$0xFFFFFE30];
	v12 =	vpack.i.b32.b16 v13, v12;
	[tilespmem:s17+$0x0] =	vst v5  }
0x39: {  	v6 =	vpack.i.b32.b16 v8, v6;
	v5 =	vunpack.i.u.s16.s32 v7;
	v7 =	vunpack.i.l.s16.s32 v7;
	v13 =	vld [tilespmem:s20+$0x30];
	[tilespmem:s18+$0x70] =	vst v12  }
0x3a: {  	v4 =	vpack.i.b32.b16 v11, v4;
	v8 =	vunpack.i.u.s16.s32 v10;
	v10 =	vunpack.i.l.s16.s32 v10;
	v12 =	vld [tilespmem:s20+$0xFFFFFE40];
	[tilespmem:s17+$0x60] =	vst v6;
	s17 =	smov.u32 s18  }
0x3b: {  	v6 =	vpack.i.b32.b16 v10, v7;
	v7 =	vunpack.i.u.s16.s32 v3;
	v3 =	vunpack.i.l.s16.s32 v3;
	v11 =	vld [tilespmem:s20+$0x40];
	[tilespmem:s18+$0xFFFFFFF0] =	vst v4  }
.Ltmp3:
0x3c: {  	v5 =	vpack.i.b32.b16 v8, v5;
	[tilespmem:s18+$0xFFFFFF90] =	vst v6;
	v8 =	vunpack.i.u.s16.s32 v2;
	v2 =	vunpack.i.l.s16.s32 v2;
	v4 =	vld [tilespmem:s20+$0xFFFFFE50];
	(pc) =	sbr.rel @p0 .LBB1_4-.Ltmp3, $4  }
0x3d: {  	[tilespmem:s18+$0x10] =	vst v5;
	v2 =	vpack.i.b32.b16 v2, v3;
	v10 =	vunpack.i.u.s16.s32 v9;
	v3 =	vunpack.i.l.s16.s32 v9;
	v6 =	vld [tilespmem:s20+$0x50]  }
0x3e: {  	v5 =	vpack.i.b32.b16 v8, v7;
	[tilespmem:s18+$0xFFFFFFA0] =	vst v2;
	v9 =	vunpack.i.u.s16.s32 v13;
	v7 =	vunpack.i.l.s16.s32 v13;
	v2 =	vld [tilespmem:s20+$0xFFFFFE60]  }
0x3f: {  	[tilespmem:s18+$0x20] =	vst v5;
	v13 =	vpack.i.b32.b16 v7, v3;
	v7 =	vunpack.i.u.s16.s32 v12;
	v8 =	vunpack.i.l.s16.s32 v12;
	v3 =	vld [tilespmem:s20+$0x60]  }
0x40: {  	v10 =	vpack.i.b32.b16 v9, v10;
	v5 =	vld [tilespmem:s20+$0xFFFFFE00];
	[tilespmem:s18+$0xFFFFFFB0] =	vst v13;
	v9 =	vunpack.i.u.s16.s32 v11;
	v11 =	vunpack.i.l.s16.s32 v11;
	s20 =	sadd.s32 $0x80, s20  }
0x41: {  	[tilespmem:s18+$0x30] =	vst v10;
	v8 =	vpack.i.b32.b16 v11, v8  }
0x42: {  	v51 =	vunpack.i.l.s16.s32 v4;
	v7 =	vpack.i.b32.b16 v9, v7;
	[tilespmem:s18+$0xFFFFFFC0] =	vst v8;
	v52 =	vunpack.i.l.s16.s32 v6  }
0x43: {  	v53 =	vunpack.i.u.s16.s32 v4;
	s16 =	sadd.s32 $0x1, s16;
	v54 =	vunpack.i.u.s16.s32 v6;
	[tilespmem:s18+$0x40] =	vst v7;
	v55 =	vpack.i.b32.b16 v52, v51  }
0x44: {  	p0 =	sne.s32 s16, $0x10;
	v56 =	vunpack.i.l.s16.s32 v2;
	v4 =	vpack.i.b32.b16 v54, v53;
	[tilespmem:s18+$0xFFFFFFD0] =	vst v55;
	v57 =	vunpack.i.l.s16.s32 v3  }
.Ltmp4:
0x45: {  	[tilespmem:s18+$0x50] =	vst v4;
	v58 =	vunpack.i.l.s16.s32 v5;
	v59 =	vpack.i.b32.b16 v57, v56;
	(pc) =	sbr.rel @p0 .LBB1_3-.Ltmp4, $4  }
0x46: {  	v61 =	vunpack.i.u.s16.s32 v2;
	v62 =	vunpack.i.u.s16.s32 v3;
	v1 =	vpack.i.b32.b16 v1, v58;
	[tilespmem:s18+$0xFFFFFFE0] =	vst v59  }
0x47: {  	v60 =	vunpack.i.u.s16.s32 v5;
	v63 =	vpack.i.b32.b16 v62, v61;
	[tilespmem:s18+$0xFFFFFF80] =	vst v1  }
0x48: {  	v0 =	vpack.i.b32.b16 v0, v60;
	[tilespmem:s17+$0x60] =	vst v63  }
0x49: {  	s13 =	sadd.s32 $0x400, s13;
	s14 =	sadd.s32 $0x400, s14;
	[tilespmem:s17+$0x0] =	vst v0  }
.Ltmp5:
0x4a: {  	(pc) =	sbr.rel .LBB1_7-.Ltmp5, $4  }
0x4b: {  	_ = 	snop  }
0x4c: {  	s12 =	sshll.u32 s12, $0x7  }
0x4d: {  	s12 =	sadd.s32 s4, s12  }
0x4e: {  	[hbm4b:s12+s8] =	stream.linear.scatter [tilespmem:s15], [sflag:$0x2], $0x4000, $0x38;
	[tilespmem:$0x10000] =	vst v63  }
.LBB1_8:
0x4f: {  	_ =	sfence.sel $0x180000  }
0x50: {  	s2 =	simm.s32 $0x1;
	[bflag:$0x0] =	sbarrier.arrive $0xFFFF  }
0x51: {  	s31 =	simm.s32 $0x2;
	[sflag:s2] =	ssyncpa.u1 $0x1  }
0x52: {  	[sflag:s31] =	ssyncpa.u1 $0x1  }
0x53: {  	p0 =	sne.s32 s0, $0x0;
	_ =	strace $0x9000004A  }
0x54: {  	s0 =	sadd.s32 @!p0 $0x100000, s1;
	[bflag:$0x2] =	sbarrier.arrive $0xFFFF  }
0x55: {  	[sflag:s0] =	ssyncadd.tile.s32 @!p0 $0x1;
	_ =	shalt  }
.Lfunc_end1:
_tile_overlayer_lowered:
.L_overlay_start_2:
0x56: {  	(tag) =	ssettag $0x2  }
0x57: {  	s0 =	rddreg [dreg:$0x0];
	s2 =	stileid.u32  }
0x58: {  	s1 =	rddreg [dreg:$0x1];
	p0 =	sne.s32 s2, $0x0  }
0x59: {  	s3 =	rddreg [dreg:$0x2];
	[bflag:$0x3] =	sbarrier.arrive $0xFFFF;
	s2 =	simm.s32 @!p0 $0x1C01  }
0x5a: {  	[timem:s3], [sflag:s2] =	dma.local @!p0 [hbm:s0], s1  }
0x5b: {  	s0 =	simm.s32 @!p0 $0x1  }
0x5c: {  	_ =	swait.ge @!p0 [sflag:s0], s1  }
0x5d: {  	s1 =	ssub.s32 @!p0 $0x0, s1;
	[sflag:s0] =	ssyncset.done @!p0 $0x0  }
0x5e: {  	[sflag:s0] =	ssyncadd.s32 @!p0 s1  }
0x5f: {  	[bflag:$0x3] =	sbarrier.arrive $0xFFFF  }
0x60: {  	_ =	shalt  }

</sc_bundles>
